<compile_context>
chip_gen: v7x
topology: tpu7x:2x2x1
jax: 0.10.2.dev20260603
libtpu: 0.0.44.dev20260713+nightly
codegen_flags: <defaults>
</compile_context>

<pallas_src>
import functools

import jax
import jax.numpy as jnp
from jax import lax
from jax.experimental import pallas as pl
from jax.experimental.pallas import tpu as pltpu
from jax.experimental.pallas import tpu_sc as plsc

N = 10000
E = 320000
D_IN = 128
D_H = 128
D_OUT = 64

NC = 2
NS = 16
NW = NC * NS

SUB = 128
KROWS = 8
ROWS_PER_TILE = 80
OUTER = ROWS_PER_TILE // KROWS
EPAD = NW * ROWS_PER_TILE * SUB
EROWS = EPAD // SUB
NPAD = EPAD // NW
L = 16

@functools.cache
def _get_deg_pass():
    mesh = plsc.VectorSubcoreMesh(core_axis_name="c", subcore_axis_name="s")
    rz = NPAD // NS

    @functools.partial(
        pl.kernel,
        out_type=jax.ShapeDtypeStruct((NC, NPAD), jnp.float32),
        mesh=mesh,
        scratch_types=[
            pltpu.VMEM((ROWS_PER_TILE, SUB), jnp.int32),
            pltpu.VMEM((NPAD,), jnp.float32),
            pltpu.VMEM((NS, rz), jnp.float32),
            pltpu.VMEM((rz,), jnp.float32),
            pltpu.VMEM_SHARED((NS, NPAD), jnp.float32),
        ],
        compiler_params=pltpu.CompilerParams(needs_layout_passes=False),
    )
    def _deg_pass(dst_hbm, out_hbm, dst_v, acc_v, red_v, out_v, sh):
        c = lax.axis_index("c")
        s = lax.axis_index("s")
        wid = c * NS + s
        row0 = wid * ROWS_PER_TILE
        pltpu.sync_copy(dst_hbm.at[pl.ds(row0, ROWS_PER_TILE)], dst_v)

        zeros = jnp.zeros((L,), jnp.float32)

        @pl.loop(0, NPAD, step=L)
        def _(j):
            acc_v[pl.ds(j, L)] = zeros

        ones = jnp.ones((L,), jnp.float32)

        @pl.loop(0, ROWS_PER_TILE)
        def _(r):
            for k in range(SUB // L):
                idx = dst_v[r, pl.ds(k * L, L)]
                plsc.addupdate_scatter(acc_v, [idx], ones)

        pltpu.sync_copy(acc_v, sh.at[s])
        plsc.subcore_barrier()
        for r in range(NS):
            pltpu.sync_copy(sh.at[r, pl.ds(s * rz, rz)], red_v.at[r])

        @pl.loop(0, rz, step=L)
        def _(j):
            v = red_v[0, pl.ds(j, L)]
            for r in range(1, NS):
                v = v + red_v[r, pl.ds(j, L)]
            out_v[pl.ds(j, L)] = v

        pltpu.sync_copy(out_v, out_hbm.at[c, pl.ds(s * rz, rz)])

    return _deg_pass


NBUF = 2
STAGE = 40
EDGE_CORES = 2
EDGE_RPT = EROWS // (EDGE_CORES * NS)


@functools.cache
def _make_edge_pass(D, ncores=NC, rows_per_tile=ROWS_PER_TILE, nbuf=NBUF):
    mesh = plsc.VectorSubcoreMesh(
        core_axis_name="c", subcore_axis_name="s", num_cores=ncores)

    @functools.partial(
        pl.kernel,
        out_type=jax.ShapeDtypeStruct((ncores, NPAD, D), jnp.float32),
        mesh=mesh,
        scratch_types=[
            pltpu.VMEM((STAGE, SUB), jnp.int32),
            pltpu.VMEM((STAGE, SUB), jnp.int32),
        ]
        + [pltpu.VMEM((SUB, D), jnp.float32) for _ in range(nbuf)]
        + [pltpu.SemaphoreType.DMA for _ in range(2 * nbuf)]
        + [pltpu.VMEM_SHARED((NPAD, D), jnp.float32)],
        compiler_params=(
            pltpu.CompilerParams(use_tc_tiling_on_sc=False)
            if D % 128 != 0 else None),
    )
    def edge_pass(hs_hbm, src_hbm, dst_hbm, zeros_hbm, out_hbm,
                  src_v, dst_v, *rest):
        bufs = rest[:nbuf]
        sg = rest[nbuf:2 * nbuf]
        ss = rest[2 * nbuf:3 * nbuf]
        acc = rest[3 * nbuf]
        c = lax.axis_index("c")
        s = lax.axis_index("s")
        wid = c * NS + s
        rz = NPAD // NS
        pltpu.sync_copy(zeros_hbm.at[pl.ds(s * rz, rz)],
                        acc.at[pl.ds(s * rz, rz)])
        plsc.subcore_barrier()
        row0 = wid * rows_per_tile

        @pl.loop(0, rows_per_tile // STAGE)
        def _(h):
            r0 = row0 + h * STAGE
            pltpu.sync_copy(src_hbm.at[pl.ds(r0, STAGE)], src_v)
            pltpu.sync_copy(dst_hbm.at[pl.ds(r0, STAGE)], dst_v)
            for b in range(nbuf):
                pltpu.async_copy(hs_hbm.at[src_v.at[b]], bufs[b], sg[b])

            @pl.loop(0, STAGE - nbuf, step=nbuf)
            def _(j):
                for b in range(nbuf):
                    pltpu.make_async_copy(
                        hs_hbm.at[src_v.at[j + b]], bufs[b], sg[b]).wait()
                    pltpu.async_copy(
                        bufs[b], acc.at[dst_v.at[j + b]], ss[b], add=True)
                for b in range(nbuf):
                    pltpu.make_async_copy(
                        bufs[b], acc.at[dst_v.at[j + b]], ss[b]).wait()
                    pltpu.async_copy(
                        hs_hbm.at[src_v.at[j + nbuf + b]], bufs[b], sg[b])

            j0 = STAGE - nbuf
            for b in range(nbuf):
                pltpu.make_async_copy(
                    hs_hbm.at[src_v.at[j0 + b]], bufs[b], sg[b]).wait()
                pltpu.async_copy(
                    bufs[b], acc.at[dst_v.at[j0 + b]], ss[b], add=True)
            for b in range(nbuf):
                pltpu.make_async_copy(
                    bufs[b], acc.at[dst_v.at[j0 + b]], ss[b]).wait()

        plsc.subcore_barrier()
        pltpu.sync_copy(acc.at[pl.ds(s * rz, rz)],
                        out_hbm.at[c, pl.ds(s * rz, rz)])

    return edge_pass


NACC = 2


@functools.cache
def _make_edge_pass_bf16(D, nbuf=4):
    mesh = plsc.VectorSubcoreMesh(
        core_axis_name="c", subcore_axis_name="s", num_cores=NC)

    @functools.partial(
        pl.kernel,
        out_type=jax.ShapeDtypeStruct((NC, NACC, NPAD, D), jnp.bfloat16),
        mesh=mesh,
        scratch_types=[
            pltpu.VMEM((STAGE, SUB), jnp.int32),
            pltpu.VMEM((STAGE, SUB), jnp.int32),
        ]
        + [pltpu.VMEM((SUB, D), jnp.bfloat16) for _ in range(nbuf)]
        + [pltpu.SemaphoreType.DMA for _ in range(2 * nbuf)]
        + [pltpu.VMEM_SHARED((NPAD, D), jnp.bfloat16) for _ in range(NACC)],
        compiler_params=pltpu.CompilerParams(use_tc_tiling_on_sc=False),
    )
    def edge_pass(hs_hbm, src_hbm, dst_hbm, zeros_hbm, out_hbm,
                  src_v, dst_v, *rest):
        bufs = rest[:nbuf]
        sg = rest[nbuf:2 * nbuf]
        ss = rest[2 * nbuf:3 * nbuf]
        accs = rest[3 * nbuf:3 * nbuf + NACC]
        c = lax.axis_index("c")
        s = lax.axis_index("s")
        wid = c * NS + s
        rz = NPAD // NS
        for a in range(NACC):
            pltpu.sync_copy(zeros_hbm.at[pl.ds(s * rz, rz)],
                            accs[a].at[pl.ds(s * rz, rz)])
        plsc.subcore_barrier()
        row0 = wid * ROWS_PER_TILE

        @pl.loop(0, ROWS_PER_TILE // STAGE)
        def _(h):
            r0 = row0 + h * STAGE
            pltpu.sync_copy(src_hbm.at[pl.ds(r0, STAGE)], src_v)
            pltpu.sync_copy(dst_hbm.at[pl.ds(r0, STAGE)], dst_v)
            for b in range(nbuf):
                pltpu.async_copy(hs_hbm.at[src_v.at[b]], bufs[b], sg[b])

            @pl.loop(0, STAGE - nbuf, step=nbuf)
            def _(j):
                for b in range(nbuf):
                    pltpu.make_async_copy(
                        hs_hbm.at[src_v.at[j + b]], bufs[b], sg[b]).wait()
                    pltpu.async_copy(
                        bufs[b], accs[b % NACC].at[dst_v.at[j + b]],
                        ss[b], add=True)
                for b in range(nbuf):
                    pltpu.make_async_copy(
                        bufs[b], accs[b % NACC].at[dst_v.at[j + b]],
                        ss[b]).wait()
                    pltpu.async_copy(
                        hs_hbm.at[src_v.at[j + nbuf + b]], bufs[b], sg[b])

            j0 = STAGE - nbuf
            for b in range(nbuf):
                pltpu.make_async_copy(
                    hs_hbm.at[src_v.at[j0 + b]], bufs[b], sg[b]).wait()
                pltpu.async_copy(
                    bufs[b], accs[b % NACC].at[dst_v.at[j0 + b]],
                    ss[b], add=True)
            for b in range(nbuf):
                pltpu.make_async_copy(
                    bufs[b], accs[b % NACC].at[dst_v.at[j0 + b]],
                    ss[b]).wait()

        plsc.subcore_barrier()
        for a in range(NACC):
            pltpu.sync_copy(accs[a].at[pl.ds(s * rz, rz)],
                            out_hbm.at[c, a, pl.ds(s * rz, rz)])

    return edge_pass


_R = 1000


def _dinv_col(degp_ref):
    p = degp_ref[0] + degp_ref[1]
    return lax.rsqrt(1.0 + p)


def _tc_hs1_body(x_ref, w_ref, degp_ref, o_ref):
    dinv = _dinv_col(degp_ref)
    o_ref[...] = dinv * jnp.dot(x_ref[...], w_ref[...],
                                preferred_element_type=jnp.float32)


def _tc_mid_body_bf16(aggp_ref, hs_ref, degp_ref, b_ref, w_ref, o_ref):
    dinv = _dinv_col(degp_ref)
    agg = jnp.sum(aggp_ref[...].astype(jnp.float32), axis=0)
    t = dinv * (agg + hs_ref[...]) + b_ref[...]
    out1 = jnp.maximum(t, 0.0).astype(jnp.bfloat16)
    o_ref[...] = dinv * jnp.dot(out1, w_ref[...],
                                preferred_element_type=jnp.float32)


def _tc_mid_body(aggp_ref, hs_ref, degp_ref, b_ref, w_ref, o_ref):
    dinv = _dinv_col(degp_ref)
    agg = jnp.sum(aggp_ref[...].astype(jnp.float32), axis=0)
    t = dinv * (agg + hs_ref[...]) + b_ref[...]
    out1 = jnp.maximum(t, 0.0)
    o_ref[...] = dinv * jnp.dot(out1, w_ref[...],
                                preferred_element_type=jnp.float32)


def _tc_fin_body(aggp_ref, hs_ref, degp_ref, b_ref, o_ref):
    dinv = _dinv_col(degp_ref)
    agg = jnp.sum(aggp_ref[...].astype(jnp.float32), axis=0)[:, :D_OUT]
    z = dinv * (agg + hs_ref[...]) + b_ref[...]
    m = jnp.max(z, axis=1, keepdims=True)
    e = jnp.exp(z - m)
    lse = jnp.log(jnp.sum(e, axis=1, keepdims=True)) + m
    o_ref[...] = z - lse


def _tc_hs1(x, W1, degp):
    return pl.pallas_call(
        _tc_hs1_body,
        grid=(N // _R,),
        in_specs=[
            pl.BlockSpec((_R, D_IN), lambda i: (i, 0)),
            pl.BlockSpec((D_IN, D_H), lambda i: (0, 0)),
            pl.BlockSpec((NC, _R, 1), lambda i: (0, i, 0)),
        ],
        out_specs=pl.BlockSpec((_R, D_H), lambda i: (i, 0)),
        out_shape=jax.ShapeDtypeStruct((N, D_H), jnp.float32),
    )(x, W1, degp)


def _tc_mid(agg1p, hs1, degp, b1, W2):
    return pl.pallas_call(
        _tc_mid_body_bf16 if W2.dtype == jnp.bfloat16 else _tc_mid_body,
        grid=(N // _R,),
        in_specs=[
            pl.BlockSpec((agg1p.shape[0], _R, D_H), lambda i: (0, i, 0)),
            pl.BlockSpec((_R, D_H), lambda i: (i, 0)),
            pl.BlockSpec((NC, _R, 1), lambda i: (0, i, 0)),
            pl.BlockSpec((1, D_H), lambda i: (0, 0)),
            pl.BlockSpec((D_H, D_OUT), lambda i: (0, 0)),
        ],
        out_specs=pl.BlockSpec((_R, D_OUT), lambda i: (i, 0)),
        out_shape=jax.ShapeDtypeStruct((N, D_OUT), jnp.float32),
    )(agg1p, hs1, degp, b1, W2)


def _tc_fin(agg2p, hs2, degp, b2):
    return pl.pallas_call(
        _tc_fin_body,
        grid=(N // _R,),
        in_specs=[
            pl.BlockSpec((agg2p.shape[0], _R, agg2p.shape[2]),
                         lambda i: (0, i, 0)),
            pl.BlockSpec((_R, D_OUT), lambda i: (i, 0)),
            pl.BlockSpec((NC, _R, 1), lambda i: (0, i, 0)),
            pl.BlockSpec((1, D_OUT), lambda i: (0, 0)),
        ],
        out_specs=pl.BlockSpec((_R, D_OUT), lambda i: (i, 0)),
        out_shape=jax.ShapeDtypeStruct((N, D_OUT), jnp.float32),
    )(agg2p, hs2, degp, b2)


def kernel(x, edge_index, W1, b1, W2, b2):
    src = edge_index[0].astype(jnp.int32)
    dst = edge_index[1].astype(jnp.int32)
    pad = jnp.full((EPAD - E,), N, jnp.int32)
    srcp = jnp.concatenate([src, pad]).reshape(EROWS, SUB)
    dstp = jnp.concatenate([dst, pad]).reshape(EROWS, SUB)

    degp = _get_deg_pass()(dstp)[:, :, None]

    hs1 = _tc_hs1(x.astype(jnp.bfloat16), W1.astype(jnp.bfloat16), degp)
    hs1bf = jnp.concatenate(
        [hs1.astype(jnp.bfloat16),
         jnp.zeros((NPAD - N, D_H), jnp.bfloat16)], axis=0)
    zeros_bf = jnp.zeros((NPAD, D_H), jnp.bfloat16)
    agg1p = _make_edge_pass_bf16(D_H)(hs1bf, srcp, dstp, zeros_bf)
    agg1p = agg1p.reshape(NC * NACC, NPAD, D_H)

    hs2 = _tc_mid(agg1p, hs1, degp, b1.reshape(1, D_H),
                  W2.astype(jnp.bfloat16))
    hs2bf = jnp.concatenate(
        [hs2.astype(jnp.bfloat16),
         jnp.zeros((NPAD - N, D_OUT), jnp.bfloat16)], axis=0)
    agg2p = _make_edge_pass_bf16(D_OUT)(hs2bf, srcp, dstp,
                                        zeros_bf[:, :D_OUT])
    agg2p = agg2p.reshape(NC * NACC, NPAD, D_OUT)

    return _tc_fin(agg2p, hs2, degp, b2.reshape(1, D_OUT))

# --- scband reference (transcript-rebuilt; emitter-appended) ---
"""Pipeline reference for scband-gcnmodel-6700148982285 (READ-ONLY COPY).

The authoritative reference and input builder live on the scoring server;
editing this copy changes nothing except your own understanding.
"""

import jax, jax.numpy as jnp
import numpy as np

N = 10000
E = 320000
D_IN = 128
D_H = 128
D_OUT = 64


def setup_inputs(seed: int = 0) -> dict:
    key = jax.random.key(seed)
    k1, k2, k3, k4, k5, k6 = jax.random.split(key, 6)
    x = jax.random.normal(k1, (N, D_IN), dtype=jnp.float32)
    edge_index = jax.random.randint(k2, (2, E), 0, N, dtype=jnp.int32)
    W1 = jax.random.normal(k3, (D_IN, D_H), dtype=jnp.float32) * (1.0 / np.sqrt(D_IN))
    b1 = jnp.zeros((D_H,), dtype=jnp.float32)
    W2 = jax.random.normal(k4, (D_H, D_OUT), dtype=jnp.float32) * (1.0 / np.sqrt(D_H))
    b2 = jnp.zeros((D_OUT,), dtype=jnp.float32)
    return {"x": x, "edge_index": edge_index, "W1": W1, "b1": b1, "W2": W2, "b2": b2}


def _gcn_conv(x, src, dst, W, b):
    # PyG-style GCNConv: add self-loops, symmetric degree normalization,
    # linear transform, scatter-add aggregation over dst nodes, bias.
    n = x.shape[0]
    loop = jnp.arange(n, dtype=src.dtype)
    src_sl = jnp.concatenate([src, loop])
    dst_sl = jnp.concatenate([dst, loop])
    ones = jnp.ones((src_sl.shape[0],), dtype=x.dtype)
    deg = jax.ops.segment_sum(ones, dst_sl, num_segments=n)
    deg_inv_sqrt = jnp.where(deg > 0, 1.0 / jnp.sqrt(deg), 0.0)
    norm = deg_inv_sqrt[src_sl] * deg_inv_sqrt[dst_sl]
    h = x @ W
    msgs = h[src_sl] * norm[:, None]
    out = jax.ops.segment_sum(msgs, dst_sl, num_segments=n)
    return out + b


def reference(x, edge_index, W1, b1, W2, b2):
    src = edge_index[0]
    dst = edge_index[1]
    h = jax.nn.relu(_gcn_conv(x, src, dst, W1, b1))
    # dropout is identity in eval mode (training=False)
    out = _gcn_conv(h, src, dst, W2, b2)
    return jax.nn.log_softmax(out, axis=1)

if __name__ == "__main__":
    import jax
    _d = setup_inputs()
    print(jax.jit(kernel)(*tuple(_d.values())))

</pallas_src>

<mosaic_0001>
#map = affine_map<(d0, d1) -> (0, 0)>
#map1 = affine_map<(d0, d1) -> (0, 0, 0, 0)>
module attributes {stable_mosaic.version = 14 : i64} {
  func.func @edge_pass(%arg0: i32, %arg1: i32, %arg2: memref<10240x64xbf16, #tpu.memory_space<hbm>>, %arg3: memref<2560x128xi32, #tpu.memory_space<hbm>>, %arg4: memref<2560x128xi32, #tpu.memory_space<hbm>>, %arg5: memref<10240x64xbf16, #tpu.memory_space<hbm>>, %arg6: memref<2x2x10240x64xbf16, #tpu.memory_space<hbm>>, %arg7: memref<40x128xi32, #tpu.memory_space<vmem>>, %arg8: memref<40x128xi32, #tpu.memory_space<vmem>>, %arg9: memref<128x64xbf16, #tpu.memory_space<vmem>>, %arg10: memref<128x64xbf16, #tpu.memory_space<vmem>>, %arg11: memref<128x64xbf16, #tpu.memory_space<vmem>>, %arg12: memref<128x64xbf16, #tpu.memory_space<vmem>>, %arg13: memref<!tpu.dma_semaphore, #tpu.memory_space<semaphore_mem>>, %arg14: memref<!tpu.dma_semaphore, #tpu.memory_space<semaphore_mem>>, %arg15: memref<!tpu.dma_semaphore, #tpu.memory_space<semaphore_mem>>, %arg16: memref<!tpu.dma_semaphore, #tpu.memory_space<semaphore_mem>>, %arg17: memref<!tpu.dma_semaphore, #tpu.memory_space<semaphore_mem>>, %arg18: memref<!tpu.dma_semaphore, #tpu.memory_space<semaphore_mem>>, %arg19: memref<!tpu.dma_semaphore, #tpu.memory_space<semaphore_mem>>, %arg20: memref<!tpu.dma_semaphore, #tpu.memory_space<semaphore_mem>>, %arg21: memref<10240x64xbf16, #tpu.memory_space<vmem_shared>>, %arg22: memref<10240x64xbf16, #tpu.memory_space<vmem_shared>>) attributes {dimension_semantics = [#tpu.dimension_semantics<core_parallel>, #tpu.dimension_semantics<subcore_parallel>], iteration_bounds = array<i64: 2, 16>, scalar_prefetch = 0 : i64, scratch_operands = 16 : i64, tpu.core_type = #tpu.core_type<sc_vector_subcore>, window_params = [{transform_indices = #map}, {transform_indices = #map}, {transform_indices = #map}, {transform_indices = #map}, {transform_indices = #map1}]} {
    %mul3A = arith.constant 16 : i32
    %mul3A_0 = arith.muli %arg0, %mul3A : i32
    %add3A = arith.addi %mul3A_0, %arg1 : i32
    %mul3A_1 = arith.constant 640 : i32
    %mul3A_2 = arith.muli %arg1, %mul3A_1 : i32
    %mul3A_3 = arith.constant 640 : i32
    %mul3A_4 = arith.muli %arg1, %mul3A_3 : i32
    "tpu.region"() ({
      %run_scoped3A_25 = tpu.sem_alloc : memref<!tpu.dma_semaphore, #tpu.memory_space<semaphore_mem>>
      %dma_start3A = arith.constant 0 : i32
      %dma_start3A_26 = tpu.memref_slice %arg21[%mul3A_4, %dma_start3A] : memref<10240x64xbf16, #tpu.memory_space<vmem_shared>> -> memref<640x64xbf16, #tpu.memory_space<vmem_shared>>
      %dma_start3A_27 = arith.constant 0 : i32
      %dma_start3A_28 = tpu.memref_slice %arg5[%mul3A_2, %dma_start3A_27] : memref<10240x64xbf16, #tpu.memory_space<hbm>> -> memref<640x64xbf16, #tpu.memory_space<hbm>>
      tpu.enqueue_dma source(%dma_start3A_28 : memref<640x64xbf16, #tpu.memory_space<hbm>>) target(%dma_start3A_26 : memref<640x64xbf16, #tpu.memory_space<vmem_shared>>) target_semaphore(%run_scoped3A_25 : memref<!tpu.dma_semaphore, #tpu.memory_space<semaphore_mem>>)
      %dma_wait3A = arith.constant 0 : i32
      %dma_wait3A_29 = tpu.memref_slice %arg21[%mul3A_4, %dma_wait3A] : memref<10240x64xbf16, #tpu.memory_space<vmem_shared>> -> memref<640x64xbf16, #tpu.memory_space<vmem_shared>>
      %dma_wait3A_30 = arith.constant 0 : i32
      %dma_wait3A_31 = tpu.memref_slice %arg5[%mul3A_2, %dma_wait3A_30] : memref<10240x64xbf16, #tpu.memory_space<hbm>> -> memref<640x64xbf16, #tpu.memory_space<hbm>>
      tpu.wait_dma2 semaphore(%run_scoped3A_25 : memref<!tpu.dma_semaphore, #tpu.memory_space<semaphore_mem>>) src(%dma_wait3A_31 : memref<640x64xbf16, #tpu.memory_space<hbm>>) dst(%dma_wait3A_29 : memref<640x64xbf16, #tpu.memory_space<vmem_shared>>)
      tpu.yield
    }) : () -> ()
    %mul3A_5 = arith.constant 640 : i32
    %mul3A_6 = arith.muli %arg1, %mul3A_5 : i32
    %mul3A_7 = arith.constant 640 : i32
    %mul3A_8 = arith.muli %arg1, %mul3A_7 : i32
    "tpu.region"() ({
      %run_scoped3A_25 = tpu.sem_alloc : memref<!tpu.dma_semaphore, #tpu.memory_space<semaphore_mem>>
      %dma_start3A = arith.constant 0 : i32
      %dma_start3A_26 = tpu.memref_slice %arg22[%mul3A_8, %dma_start3A] : memref<10240x64xbf16, #tpu.memory_space<vmem_shared>> -> memref<640x64xbf16, #tpu.memory_space<vmem_shared>>
      %dma_start3A_27 = arith.constant 0 : i32
      %dma_start3A_28 = tpu.memref_slice %arg5[%mul3A_6, %dma_start3A_27] : memref<10240x64xbf16, #tpu.memory_space<hbm>> -> memref<640x64xbf16, #tpu.memory_space<hbm>>
      tpu.enqueue_dma source(%dma_start3A_28 : memref<640x64xbf16, #tpu.memory_space<hbm>>) target(%dma_start3A_26 : memref<640x64xbf16, #tpu.memory_space<vmem_shared>>) target_semaphore(%run_scoped3A_25 : memref<!tpu.dma_semaphore, #tpu.memory_space<semaphore_mem>>)
      %dma_wait3A = arith.constant 0 : i32
      %dma_wait3A_29 = tpu.memref_slice %arg22[%mul3A_8, %dma_wait3A] : memref<10240x64xbf16, #tpu.memory_space<vmem_shared>> -> memref<640x64xbf16, #tpu.memory_space<vmem_shared>>
      %dma_wait3A_30 = arith.constant 0 : i32
      %dma_wait3A_31 = tpu.memref_slice %arg5[%mul3A_6, %dma_wait3A_30] : memref<10240x64xbf16, #tpu.memory_space<hbm>> -> memref<640x64xbf16, #tpu.memory_space<hbm>>
      tpu.wait_dma2 semaphore(%run_scoped3A_25 : memref<!tpu.dma_semaphore, #tpu.memory_space<semaphore_mem>>) src(%dma_wait3A_31 : memref<640x64xbf16, #tpu.memory_space<hbm>>) dst(%dma_wait3A_29 : memref<640x64xbf16, #tpu.memory_space<vmem_shared>>)
      tpu.yield
    }) : () -> ()
    %barrier3A = arith.constant 0 : index
    tpu.barrier barrier_id(%barrier3A)
    %mul3A_9 = arith.constant 80 : i32
    %mul3A_10 = arith.muli %add3A, %mul3A_9 : i32
    %scan3A = arith.constant 0 : i32
    %scan3A_11 = arith.constant 2 : i32
    %scan3A_12 = arith.addi %scan3A, %scan3A_11 : i32
    %scan3A_13 = arith.constant 1 : i32
    scf.for %scan3A_25 = %scan3A to %scan3A_12 step %scan3A_13  : i32 {
      %mul3A_26 = arith.constant 1 : i32
      %mul3A_27 = arith.muli %scan3A_25, %mul3A_26 : i32
      %add3A_28 = arith.constant 0 : i32
      %add3A_29 = arith.addi %add3A_28, %mul3A_27 : i32
      %mul3A_30 = arith.constant 40 : i32
      %mul3A_31 = arith.muli %add3A_29, %mul3A_30 : i32
      %add3A_32 = arith.addi %mul3A_10, %mul3A_31 : i32
      "tpu.region"() ({
        %run_scoped3A_148 = tpu.sem_alloc : memref<!tpu.dma_semaphore, #tpu.memory_space<semaphore_mem>>
        %dma_start3A_149 = arith.constant 0 : i32
        %dma_start3A_150 = tpu.memref_slice %arg3[%add3A_32, %dma_start3A_149] : memref<2560x128xi32, #tpu.memory_space<hbm>> -> memref<40x128xi32, #tpu.memory_space<hbm>>
        %dma_start3A_151 = arith.constant 0 : i32
        %dma_start3A_152 = tpu.memref_slice %arg3[%add3A_32, %dma_start3A_151] : memref<2560x128xi32, #tpu.memory_space<hbm>> -> memref<40x128xi32, #tpu.memory_space<hbm>>
        tpu.enqueue_dma source(%dma_start3A_152 : memref<40x128xi32, #tpu.memory_space<hbm>>) target(%arg7 : memref<40x128xi32, #tpu.memory_space<vmem>>) target_semaphore(%run_scoped3A_148 : memref<!tpu.dma_semaphore, #tpu.memory_space<semaphore_mem>>)
        %dma_wait3A_153 = arith.constant 0 : i32
        %dma_wait3A_154 = tpu.memref_slice %arg3[%add3A_32, %dma_wait3A_153] : memref<2560x128xi32, #tpu.memory_space<hbm>> -> memref<40x128xi32, #tpu.memory_space<hbm>>
        %dma_wait3A_155 = arith.constant 0 : i32
        %dma_wait3A_156 = tpu.memref_slice %arg3[%add3A_32, %dma_wait3A_155] : memref<2560x128xi32, #tpu.memory_space<hbm>> -> memref<40x128xi32, #tpu.memory_space<hbm>>
        tpu.wait_dma2 semaphore(%run_scoped3A_148 : memref<!tpu.dma_semaphore, #tpu.memory_space<semaphore_mem>>) src(%dma_wait3A_156 : memref<40x128xi32, #tpu.memory_space<hbm>>) dst(%arg7 : memref<40x128xi32, #tpu.memory_space<vmem>>)
        tpu.yield
      }) : () -> ()
      "tpu.region"() ({
        %run_scoped3A_148 = tpu.sem_alloc : memref<!tpu.dma_semaphore, #tpu.memory_space<semaphore_mem>>
        %dma_start3A_149 = arith.constant 0 : i32
        %dma_start3A_150 = tpu.memref_slice %arg4[%add3A_32, %dma_start3A_149] : memref<2560x128xi32, #tpu.memory_space<hbm>> -> memref<40x128xi32, #tpu.memory_space<hbm>>
        %dma_start3A_151 = arith.constant 0 : i32
        %dma_start3A_152 = tpu.memref_slice %arg4[%add3A_32, %dma_start3A_151] : memref<2560x128xi32, #tpu.memory_space<hbm>> -> memref<40x128xi32, #tpu.memory_space<hbm>>
        tpu.enqueue_dma source(%dma_start3A_152 : memref<40x128xi32, #tpu.memory_space<hbm>>) target(%arg8 : memref<40x128xi32, #tpu.memory_space<vmem>>) target_semaphore(%run_scoped3A_148 : memref<!tpu.dma_semaphore, #tpu.memory_space<semaphore_mem>>)
        %dma_wait3A_153 = arith.constant 0 : i32
        %dma_wait3A_154 = tpu.memref_slice %arg4[%add3A_32, %dma_wait3A_153] : memref<2560x128xi32, #tpu.memory_space<hbm>> -> memref<40x128xi32, #tpu.memory_space<hbm>>
        %dma_wait3A_155 = arith.constant 0 : i32
        %dma_wait3A_156 = tpu.memref_slice %arg4[%add3A_32, %dma_wait3A_155] : memref<2560x128xi32, #tpu.memory_space<hbm>> -> memref<40x128xi32, #tpu.memory_space<hbm>>
        tpu.wait_dma2 semaphore(%run_scoped3A_148 : memref<!tpu.dma_semaphore, #tpu.memory_space<semaphore_mem>>) src(%dma_wait3A_156 : memref<40x128xi32, #tpu.memory_space<hbm>>) dst(%arg8 : memref<40x128xi32, #tpu.memory_space<vmem>>)
        tpu.yield
      }) : () -> ()
      %dma_start3A = arith.constant 0 : i32
      %dma_start3A_33 = arith.constant 0 : i32
      %dma_start3A_34 = tpu.memref_slice %arg7[%dma_start3A, %dma_start3A_33] : memref<40x128xi32, #tpu.memory_space<vmem>> -> memref<1x128xi32, #tpu.memory_space<vmem>>
      %dma_start3A_35 = tpu.memref_squeeze %dma_start3A_34 : memref<1x128xi32, #tpu.memory_space<vmem>> -> memref<128xi32, #tpu.memory_space<vmem>>
      %dma_start3A_36 = arith.constant 0 : i32
      %dma_start3A_37 = arith.constant 0 : i32
      %dma_start3A_38 = tpu.memref_slice %arg2[%dma_start3A_36, %dma_start3A_37] : memref<10240x64xbf16, #tpu.memory_space<hbm>> -> memref<10240x64xbf16, #tpu.memory_space<hbm>>
      tpu.enqueue_indirect_dma source(%dma_start3A_38 : memref<10240x64xbf16, #tpu.memory_space<hbm>>) target(%arg9 : memref<128x64xbf16, #tpu.memory_space<vmem>>) offsets(%dma_start3A_35 : memref<128xi32, #tpu.memory_space<vmem>>) semaphore(%arg13 : memref<!tpu.dma_semaphore, #tpu.memory_space<semaphore_mem>>)
      %dma_start3A_39 = arith.constant 1 : i32
      %dma_start3A_40 = arith.constant 0 : i32
      %dma_start3A_41 = tpu.memref_slice %arg7[%dma_start3A_39, %dma_start3A_40] : memref<40x128xi32, #tpu.memory_space<vmem>> -> memref<1x128xi32, #tpu.memory_space<vmem>>
      %dma_start3A_42 = tpu.memref_squeeze %dma_start3A_41 : memref<1x128xi32, #tpu.memory_space<vmem>> -> memref<128xi32, #tpu.memory_space<vmem>>
      %dma_start3A_43 = arith.constant 0 : i32
      %dma_start3A_44 = arith.constant 0 : i32
      %dma_start3A_45 = tpu.memref_slice %arg2[%dma_start3A_43, %dma_start3A_44] : memref<10240x64xbf16, #tpu.memory_space<hbm>> -> memref<10240x64xbf16, #tpu.memory_space<hbm>>
      tpu.enqueue_indirect_dma source(%dma_start3A_45 : memref<10240x64xbf16, #tpu.memory_space<hbm>>) target(%arg10 : memref<128x64xbf16, #tpu.memory_space<vmem>>) offsets(%dma_start3A_42 : memref<128xi32, #tpu.memory_space<vmem>>) semaphore(%arg14 : memref<!tpu.dma_semaphore, #tpu.memory_space<semaphore_mem>>)
      %dma_start3A_46 = arith.constant 2 : i32
      %dma_start3A_47 = arith.constant 0 : i32
      %dma_start3A_48 = tpu.memref_slice %arg7[%dma_start3A_46, %dma_start3A_47] : memref<40x128xi32, #tpu.memory_space<vmem>> -> memref<1x128xi32, #tpu.memory_space<vmem>>
      %dma_start3A_49 = tpu.memref_squeeze %dma_start3A_48 : memref<1x128xi32, #tpu.memory_space<vmem>> -> memref<128xi32, #tpu.memory_space<vmem>>
      %dma_start3A_50 = arith.constant 0 : i32
      %dma_start3A_51 = arith.constant 0 : i32
      %dma_start3A_52 = tpu.memref_slice %arg2[%dma_start3A_50, %dma_start3A_51] : memref<10240x64xbf16, #tpu.memory_space<hbm>> -> memref<10240x64xbf16, #tpu.memory_space<hbm>>
      tpu.enqueue_indirect_dma source(%dma_start3A_52 : memref<10240x64xbf16, #tpu.memory_space<hbm>>) target(%arg11 : memref<128x64xbf16, #tpu.memory_space<vmem>>) offsets(%dma_start3A_49 : memref<128xi32, #tpu.memory_space<vmem>>) semaphore(%arg15 : memref<!tpu.dma_semaphore, #tpu.memory_space<semaphore_mem>>)
      %dma_start3A_53 = arith.constant 3 : i32
      %dma_start3A_54 = arith.constant 0 : i32
      %dma_start3A_55 = tpu.memref_slice %arg7[%dma_start3A_53, %dma_start3A_54] : memref<40x128xi32, #tpu.memory_space<vmem>> -> memref<1x128xi32, #tpu.memory_space<vmem>>
      %dma_start3A_56 = tpu.memref_squeeze %dma_start3A_55 : memref<1x128xi32, #tpu.memory_space<vmem>> -> memref<128xi32, #tpu.memory_space<vmem>>
      %dma_start3A_57 = arith.constant 0 : i32
      %dma_start3A_58 = arith.constant 0 : i32
      %dma_start3A_59 = tpu.memref_slice %arg2[%dma_start3A_57, %dma_start3A_58] : memref<10240x64xbf16, #tpu.memory_space<hbm>> -> memref<10240x64xbf16, #tpu.memory_space<hbm>>
      tpu.enqueue_indirect_dma source(%dma_start3A_59 : memref<10240x64xbf16, #tpu.memory_space<hbm>>) target(%arg12 : memref<128x64xbf16, #tpu.memory_space<vmem>>) offsets(%dma_start3A_56 : memref<128xi32, #tpu.memory_space<vmem>>) semaphore(%arg16 : memref<!tpu.dma_semaphore, #tpu.memory_space<semaphore_mem>>)
      %scan3A_60 = arith.constant 0 : i32
      %scan3A_61 = arith.constant 9 : i32
      %scan3A_62 = arith.addi %scan3A_60, %scan3A_61 : i32
      %scan3A_63 = arith.constant 1 : i32
      scf.for %scan3A_148 = %scan3A_60 to %scan3A_62 step %scan3A_63  : i32 {
        %mul3A_149 = arith.constant 4 : i32
        %mul3A_150 = arith.muli %scan3A_148, %mul3A_149 : i32
        %add3A_151 = arith.constant 0 : i32
        %add3A_152 = arith.addi %add3A_151, %mul3A_150 : i32
        %add3A_153 = arith.constant 0 : i32
        %add3A_154 = arith.addi %add3A_152, %add3A_153 : i32
        %dma_wait3A_155 = arith.constant 0 : i32
        %dma_wait3A_156 = tpu.memref_slice %arg7[%add3A_154, %dma_wait3A_155] : memref<40x128xi32, #tpu.memory_space<vmem>> -> memref<1x128xi32, #tpu.memory_space<vmem>>
        %dma_wait3A_157 = tpu.memref_squeeze %dma_wait3A_156 : memref<1x128xi32, #tpu.memory_space<vmem>> -> memref<128xi32, #tpu.memory_space<vmem>>
        %dma_wait3A_158 = arith.constant 0 : i32
        %dma_wait3A_159 = arith.constant 0 : i32
        %dma_wait3A_160 = tpu.memref_slice %arg2[%dma_wait3A_158, %dma_wait3A_159] : memref<10240x64xbf16, #tpu.memory_space<hbm>> -> memref<10240x64xbf16, #tpu.memory_space<hbm>>
        tpu.wait_indirect_dma semaphore(%arg13 : memref<!tpu.dma_semaphore, #tpu.memory_space<semaphore_mem>>) src(%dma_wait3A_160 : memref<10240x64xbf16, #tpu.memory_space<hbm>>) dst(%arg9 : memref<128x64xbf16, #tpu.memory_space<vmem>>)
        %add3A_161 = arith.constant 0 : i32
        %add3A_162 = arith.addi %add3A_152, %add3A_161 : i32
        %dma_start3A_163 = arith.constant 0 : i32
        %dma_start3A_164 = tpu.memref_slice %arg8[%add3A_162, %dma_start3A_163] : memref<40x128xi32, #tpu.memory_space<vmem>> -> memref<1x128xi32, #tpu.memory_space<vmem>>
        %dma_start3A_165 = tpu.memref_squeeze %dma_start3A_164 : memref<1x128xi32, #tpu.memory_space<vmem>> -> memref<128xi32, #tpu.memory_space<vmem>>
        %dma_start3A_166 = arith.constant 0 : i32
        %dma_start3A_167 = arith.constant 0 : i32
        %dma_start3A_168 = tpu.memref_slice %arg21[%dma_start3A_166, %dma_start3A_167] : memref<10240x64xbf16, #tpu.memory_space<vmem_shared>> -> memref<10240x64xbf16, #tpu.memory_space<vmem_shared>>
        tpu.enqueue_indirect_dma source(%arg9 : memref<128x64xbf16, #tpu.memory_space<vmem>>) target(%dma_start3A_168 : memref<10240x64xbf16, #tpu.memory_space<vmem_shared>>) offsets(%dma_start3A_165 : memref<128xi32, #tpu.memory_space<vmem>>) semaphore(%arg17 : memref<!tpu.dma_semaphore, #tpu.memory_space<semaphore_mem>>) {add = true}
        %add3A_169 = arith.constant 1 : i32
        %add3A_170 = arith.addi %add3A_152, %add3A_169 : i32
        %dma_wait3A_171 = arith.constant 0 : i32
        %dma_wait3A_172 = tpu.memref_slice %arg7[%add3A_170, %dma_wait3A_171] : memref<40x128xi32, #tpu.memory_space<vmem>> -> memref<1x128xi32, #tpu.memory_space<vmem>>
        %dma_wait3A_173 = tpu.memref_squeeze %dma_wait3A_172 : memref<1x128xi32, #tpu.memory_space<vmem>> -> memref<128xi32, #tpu.memory_space<vmem>>
        %dma_wait3A_174 = arith.constant 0 : i32
        %dma_wait3A_175 = arith.constant 0 : i32
        %dma_wait3A_176 = tpu.memref_slice %arg2[%dma_wait3A_174, %dma_wait3A_175] : memref<10240x64xbf16, #tpu.memory_space<hbm>> -> memref<10240x64xbf16, #tpu.memory_space<hbm>>
        tpu.wait_indirect_dma semaphore(%arg14 : memref<!tpu.dma_semaphore, #tpu.memory_space<semaphore_mem>>) src(%dma_wait3A_176 : memref<10240x64xbf16, #tpu.memory_space<hbm>>) dst(%arg10 : memref<128x64xbf16, #tpu.memory_space<vmem>>)
        %add3A_177 = arith.constant 1 : i32
        %add3A_178 = arith.addi %add3A_152, %add3A_177 : i32
        %dma_start3A_179 = arith.constant 0 : i32
        %dma_start3A_180 = tpu.memref_slice %arg8[%add3A_178, %dma_start3A_179] : memref<40x128xi32, #tpu.memory_space<vmem>> -> memref<1x128xi32, #tpu.memory_space<vmem>>
        %dma_start3A_181 = tpu.memref_squeeze %dma_start3A_180 : memref<1x128xi32, #tpu.memory_space<vmem>> -> memref<128xi32, #tpu.memory_space<vmem>>
        %dma_start3A_182 = arith.constant 0 : i32
        %dma_start3A_183 = arith.constant 0 : i32
        %dma_start3A_184 = tpu.memref_slice %arg22[%dma_start3A_182, %dma_start3A_183] : memref<10240x64xbf16, #tpu.memory_space<vmem_shared>> -> memref<10240x64xbf16, #tpu.memory_space<vmem_shared>>
        tpu.enqueue_indirect_dma source(%arg10 : memref<128x64xbf16, #tpu.memory_space<vmem>>) target(%dma_start3A_184 : memref<10240x64xbf16, #tpu.memory_space<vmem_shared>>) offsets(%dma_start3A_181 : memref<128xi32, #tpu.memory_space<vmem>>) semaphore(%arg18 : memref<!tpu.dma_semaphore, #tpu.memory_space<semaphore_mem>>) {add = true}
        %add3A_185 = arith.constant 2 : i32
        %add3A_186 = arith.addi %add3A_152, %add3A_185 : i32
        %dma_wait3A_187 = arith.constant 0 : i32
        %dma_wait3A_188 = tpu.memref_slice %arg7[%add3A_186, %dma_wait3A_187] : memref<40x128xi32, #tpu.memory_space<vmem>> -> memref<1x128xi32, #tpu.memory_space<vmem>>
        %dma_wait3A_189 = tpu.memref_squeeze %dma_wait3A_188 : memref<1x128xi32, #tpu.memory_space<vmem>> -> memref<128xi32, #tpu.memory_space<vmem>>
        %dma_wait3A_190 = arith.constant 0 : i32
        %dma_wait3A_191 = arith.constant 0 : i32
        %dma_wait3A_192 = tpu.memref_slice %arg2[%dma_wait3A_190, %dma_wait3A_191] : memref<10240x64xbf16, #tpu.memory_space<hbm>> -> memref<10240x64xbf16, #tpu.memory_space<hbm>>
        tpu.wait_indirect_dma semaphore(%arg15 : memref<!tpu.dma_semaphore, #tpu.memory_space<semaphore_mem>>) src(%dma_wait3A_192 : memref<10240x64xbf16, #tpu.memory_space<hbm>>) dst(%arg11 : memref<128x64xbf16, #tpu.memory_space<vmem>>)
        %add3A_193 = arith.constant 2 : i32
        %add3A_194 = arith.addi %add3A_152, %add3A_193 : i32
        %dma_start3A_195 = arith.constant 0 : i32
        %dma_start3A_196 = tpu.memref_slice %arg8[%add3A_194, %dma_start3A_195] : memref<40x128xi32, #tpu.memory_space<vmem>> -> memref<1x128xi32, #tpu.memory_space<vmem>>
        %dma_start3A_197 = tpu.memref_squeeze %dma_start3A_196 : memref<1x128xi32, #tpu.memory_space<vmem>> -> memref<128xi32, #tpu.memory_space<vmem>>
        %dma_start3A_198 = arith.constant 0 : i32
        %dma_start3A_199 = arith.constant 0 : i32
        %dma_start3A_200 = tpu.memref_slice %arg21[%dma_start3A_198, %dma_start3A_199] : memref<10240x64xbf16, #tpu.memory_space<vmem_shared>> -> memref<10240x64xbf16, #tpu.memory_space<vmem_shared>>
        tpu.enqueue_indirect_dma source(%arg11 : memref<128x64xbf16, #tpu.memory_space<vmem>>) target(%dma_start3A_200 : memref<10240x64xbf16, #tpu.memory_space<vmem_shared>>) offsets(%dma_start3A_197 : memref<128xi32, #tpu.memory_space<vmem>>) semaphore(%arg19 : memref<!tpu.dma_semaphore, #tpu.memory_space<semaphore_mem>>) {add = true}
        %add3A_201 = arith.constant 3 : i32
        %add3A_202 = arith.addi %add3A_152, %add3A_201 : i32
        %dma_wait3A_203 = arith.constant 0 : i32
        %dma_wait3A_204 = tpu.memref_slice %arg7[%add3A_202, %dma_wait3A_203] : memref<40x128xi32, #tpu.memory_space<vmem>> -> memref<1x128xi32, #tpu.memory_space<vmem>>
        %dma_wait3A_205 = tpu.memref_squeeze %dma_wait3A_204 : memref<1x128xi32, #tpu.memory_space<vmem>> -> memref<128xi32, #tpu.memory_space<vmem>>
        %dma_wait3A_206 = arith.constant 0 : i32
        %dma_wait3A_207 = arith.constant 0 : i32
        %dma_wait3A_208 = tpu.memref_slice %arg2[%dma_wait3A_206, %dma_wait3A_207] : memref<10240x64xbf16, #tpu.memory_space<hbm>> -> memref<10240x64xbf16, #tpu.memory_space<hbm>>
        tpu.wait_indirect_dma semaphore(%arg16 : memref<!tpu.dma_semaphore, #tpu.memory_space<semaphore_mem>>) src(%dma_wait3A_208 : memref<10240x64xbf16, #tpu.memory_space<hbm>>) dst(%arg12 : memref<128x64xbf16, #tpu.memory_space<vmem>>)
        %add3A_209 = arith.constant 3 : i32
        %add3A_210 = arith.addi %add3A_152, %add3A_209 : i32
        %dma_start3A_211 = arith.constant 0 : i32
        %dma_start3A_212 = tpu.memref_slice %arg8[%add3A_210, %dma_start3A_211] : memref<40x128xi32, #tpu.memory_space<vmem>> -> memref<1x128xi32, #tpu.memory_space<vmem>>
        %dma_start3A_213 = tpu.memref_squeeze %dma_start3A_212 : memref<1x128xi32, #tpu.memory_space<vmem>> -> memref<128xi32, #tpu.memory_space<vmem>>
        %dma_start3A_214 = arith.constant 0 : i32
        %dma_start3A_215 = arith.constant 0 : i32
        %dma_start3A_216 = tpu.memref_slice %arg22[%dma_start3A_214, %dma_start3A_215] : memref<10240x64xbf16, #tpu.memory_space<vmem_shared>> -> memref<10240x64xbf16, #tpu.memory_space<vmem_shared>>
        tpu.enqueue_indirect_dma source(%arg12 : memref<128x64xbf16, #tpu.memory_space<vmem>>) target(%dma_start3A_216 : memref<10240x64xbf16, #tpu.memory_space<vmem_shared>>) offsets(%dma_start3A_213 : memref<128xi32, #tpu.memory_space<vmem>>) semaphore(%arg20 : memref<!tpu.dma_semaphore, #tpu.memory_space<semaphore_mem>>) {add = true}
        %add3A_217 = arith.constant 0 : i32
        %add3A_218 = arith.addi %add3A_152, %add3A_217 : i32
        %dma_wait3A_219 = arith.constant 0 : i32
        %dma_wait3A_220 = tpu.memref_slice %arg8[%add3A_218, %dma_wait3A_219] : memref<40x128xi32, #tpu.memory_space<vmem>> -> memref<1x128xi32, #tpu.memory_space<vmem>>
        %dma_wait3A_221 = tpu.memref_squeeze %dma_wait3A_220 : memref<1x128xi32, #tpu.memory_space<vmem>> -> memref<128xi32, #tpu.memory_space<vmem>>
        %dma_wait3A_222 = arith.constant 0 : i32
        %dma_wait3A_223 = arith.constant 0 : i32
        %dma_wait3A_224 = tpu.memref_slice %arg21[%dma_wait3A_222, %dma_wait3A_223] : memref<10240x64xbf16, #tpu.memory_space<vmem_shared>> -> memref<10240x64xbf16, #tpu.memory_space<vmem_shared>>
        tpu.wait_indirect_dma semaphore(%arg17 : memref<!tpu.dma_semaphore, #tpu.memory_space<semaphore_mem>>) src(%arg9 : memref<128x64xbf16, #tpu.memory_space<vmem>>) dst(%dma_wait3A_224 : memref<10240x64xbf16, #tpu.memory_space<vmem_shared>>)
        %add3A_225 = arith.constant 4 : i32
        %add3A_226 = arith.addi %add3A_152, %add3A_225 : i32
        %add3A_227 = arith.constant 0 : i32
        %add3A_228 = arith.addi %add3A_226, %add3A_227 : i32
        %dma_start3A_229 = arith.constant 0 : i32
        %dma_start3A_230 = tpu.memref_slice %arg7[%add3A_228, %dma_start3A_229] : memref<40x128xi32, #tpu.memory_space<vmem>> -> memref<1x128xi32, #tpu.memory_space<vmem>>
        %dma_start3A_231 = tpu.memref_squeeze %dma_start3A_230 : memref<1x128xi32, #tpu.memory_space<vmem>> -> memref<128xi32, #tpu.memory_space<vmem>>
        %dma_start3A_232 = arith.constant 0 : i32
        %dma_start3A_233 = arith.constant 0 : i32
        %dma_start3A_234 = tpu.memref_slice %arg2[%dma_start3A_232, %dma_start3A_233] : memref<10240x64xbf16, #tpu.memory_space<hbm>> -> memref<10240x64xbf16, #tpu.memory_space<hbm>>
        tpu.enqueue_indirect_dma source(%dma_start3A_234 : memref<10240x64xbf16, #tpu.memory_space<hbm>>) target(%arg9 : memref<128x64xbf16, #tpu.memory_space<vmem>>) offsets(%dma_start3A_231 : memref<128xi32, #tpu.memory_space<vmem>>) semaphore(%arg13 : memref<!tpu.dma_semaphore, #tpu.memory_space<semaphore_mem>>)
        %add3A_235 = arith.constant 1 : i32
        %add3A_236 = arith.addi %add3A_152, %add3A_235 : i32
        %dma_wait3A_237 = arith.constant 0 : i32
        %dma_wait3A_238 = tpu.memref_slice %arg8[%add3A_236, %dma_wait3A_237] : memref<40x128xi32, #tpu.memory_space<vmem>> -> memref<1x128xi32, #tpu.memory_space<vmem>>
        %dma_wait3A_239 = tpu.memref_squeeze %dma_wait3A_238 : memref<1x128xi32, #tpu.memory_space<vmem>> -> memref<128xi32, #tpu.memory_space<vmem>>
        %dma_wait3A_240 = arith.constant 0 : i32
        %dma_wait3A_241 = arith.constant 0 : i32
        %dma_wait3A_242 = tpu.memref_slice %arg22[%dma_wait3A_240, %dma_wait3A_241] : memref<10240x64xbf16, #tpu.memory_space<vmem_shared>> -> memref<10240x64xbf16, #tpu.memory_space<vmem_shared>>
        tpu.wait_indirect_dma semaphore(%arg18 : memref<!tpu.dma_semaphore, #tpu.memory_space<semaphore_mem>>) src(%arg10 : memref<128x64xbf16, #tpu.memory_space<vmem>>) dst(%dma_wait3A_242 : memref<10240x64xbf16, #tpu.memory_space<vmem_shared>>)
        %add3A_243 = arith.constant 4 : i32
        %add3A_244 = arith.addi %add3A_152, %add3A_243 : i32
        %add3A_245 = arith.constant 1 : i32
        %add3A_246 = arith.addi %add3A_244, %add3A_245 : i32
        %dma_start3A_247 = arith.constant 0 : i32
        %dma_start3A_248 = tpu.memref_slice %arg7[%add3A_246, %dma_start3A_247] : memref<40x128xi32, #tpu.memory_space<vmem>> -> memref<1x128xi32, #tpu.memory_space<vmem>>
        %dma_start3A_249 = tpu.memref_squeeze %dma_start3A_248 : memref<1x128xi32, #tpu.memory_space<vmem>> -> memref<128xi32, #tpu.memory_space<vmem>>
        %dma_start3A_250 = arith.constant 0 : i32
        %dma_start3A_251 = arith.constant 0 : i32
        %dma_start3A_252 = tpu.memref_slice %arg2[%dma_start3A_250, %dma_start3A_251] : memref<10240x64xbf16, #tpu.memory_space<hbm>> -> memref<10240x64xbf16, #tpu.memory_space<hbm>>
        tpu.enqueue_indirect_dma source(%dma_start3A_252 : memref<10240x64xbf16, #tpu.memory_space<hbm>>) target(%arg10 : memref<128x64xbf16, #tpu.memory_space<vmem>>) offsets(%dma_start3A_249 : memref<128xi32, #tpu.memory_space<vmem>>) semaphore(%arg14 : memref<!tpu.dma_semaphore, #tpu.memory_space<semaphore_mem>>)
        %add3A_253 = arith.constant 2 : i32
        %add3A_254 = arith.addi %add3A_152, %add3A_253 : i32
        %dma_wait3A_255 = arith.constant 0 : i32
        %dma_wait3A_256 = tpu.memref_slice %arg8[%add3A_254, %dma_wait3A_255] : memref<40x128xi32, #tpu.memory_space<vmem>> -> memref<1x128xi32, #tpu.memory_space<vmem>>
        %dma_wait3A_257 = tpu.memref_squeeze %dma_wait3A_256 : memref<1x128xi32, #tpu.memory_space<vmem>> -> memref<128xi32, #tpu.memory_space<vmem>>
        %dma_wait3A_258 = arith.constant 0 : i32
        %dma_wait3A_259 = arith.constant 0 : i32
        %dma_wait3A_260 = tpu.memref_slice %arg21[%dma_wait3A_258, %dma_wait3A_259] : memref<10240x64xbf16, #tpu.memory_space<vmem_shared>> -> memref<10240x64xbf16, #tpu.memory_space<vmem_shared>>
        tpu.wait_indirect_dma semaphore(%arg19 : memref<!tpu.dma_semaphore, #tpu.memory_space<semaphore_mem>>) src(%arg11 : memref<128x64xbf16, #tpu.memory_space<vmem>>) dst(%dma_wait3A_260 : memref<10240x64xbf16, #tpu.memory_space<vmem_shared>>)
        %add3A_261 = arith.constant 4 : i32
        %add3A_262 = arith.addi %add3A_152, %add3A_261 : i32
        %add3A_263 = arith.constant 2 : i32
        %add3A_264 = arith.addi %add3A_262, %add3A_263 : i32
        %dma_start3A_265 = arith.constant 0 : i32
        %dma_start3A_266 = tpu.memref_slice %arg7[%add3A_264, %dma_start3A_265] : memref<40x128xi32, #tpu.memory_space<vmem>> -> memref<1x128xi32, #tpu.memory_space<vmem>>
        %dma_start3A_267 = tpu.memref_squeeze %dma_start3A_266 : memref<1x128xi32, #tpu.memory_space<vmem>> -> memref<128xi32, #tpu.memory_space<vmem>>
        %dma_start3A_268 = arith.constant 0 : i32
        %dma_start3A_269 = arith.constant 0 : i32
        %dma_start3A_270 = tpu.memref_slice %arg2[%dma_start3A_268, %dma_start3A_269] : memref<10240x64xbf16, #tpu.memory_space<hbm>> -> memref<10240x64xbf16, #tpu.memory_space<hbm>>
        tpu.enqueue_indirect_dma source(%dma_start3A_270 : memref<10240x64xbf16, #tpu.memory_space<hbm>>) target(%arg11 : memref<128x64xbf16, #tpu.memory_space<vmem>>) offsets(%dma_start3A_267 : memref<128xi32, #tpu.memory_space<vmem>>) semaphore(%arg15 : memref<!tpu.dma_semaphore, #tpu.memory_space<semaphore_mem>>)
        %add3A_271 = arith.constant 3 : i32
        %add3A_272 = arith.addi %add3A_152, %add3A_271 : i32
        %dma_wait3A_273 = arith.constant 0 : i32
        %dma_wait3A_274 = tpu.memref_slice %arg8[%add3A_272, %dma_wait3A_273] : memref<40x128xi32, #tpu.memory_space<vmem>> -> memref<1x128xi32, #tpu.memory_space<vmem>>
        %dma_wait3A_275 = tpu.memref_squeeze %dma_wait3A_274 : memref<1x128xi32, #tpu.memory_space<vmem>> -> memref<128xi32, #tpu.memory_space<vmem>>
        %dma_wait3A_276 = arith.constant 0 : i32
        %dma_wait3A_277 = arith.constant 0 : i32
        %dma_wait3A_278 = tpu.memref_slice %arg22[%dma_wait3A_276, %dma_wait3A_277] : memref<10240x64xbf16, #tpu.memory_space<vmem_shared>> -> memref<10240x64xbf16, #tpu.memory_space<vmem_shared>>
        tpu.wait_indirect_dma semaphore(%arg20 : memref<!tpu.dma_semaphore, #tpu.memory_space<semaphore_mem>>) src(%arg12 : memref<128x64xbf16, #tpu.memory_space<vmem>>) dst(%dma_wait3A_278 : memref<10240x64xbf16, #tpu.memory_space<vmem_shared>>)
        %add3A_279 = arith.constant 4 : i32
        %add3A_280 = arith.addi %add3A_152, %add3A_279 : i32
        %add3A_281 = arith.constant 3 : i32
        %add3A_282 = arith.addi %add3A_280, %add3A_281 : i32
        %dma_start3A_283 = arith.constant 0 : i32
        %dma_start3A_284 = tpu.memref_slice %arg7[%add3A_282, %dma_start3A_283] : memref<40x128xi32, #tpu.memory_space<vmem>> -> memref<1x128xi32, #tpu.memory_space<vmem>>
        %dma_start3A_285 = tpu.memref_squeeze %dma_start3A_284 : memref<1x128xi32, #tpu.memory_space<vmem>> -> memref<128xi32, #tpu.memory_space<vmem>>
        %dma_start3A_286 = arith.constant 0 : i32
        %dma_start3A_287 = arith.constant 0 : i32
        %dma_start3A_288 = tpu.memref_slice %arg2[%dma_start3A_286, %dma_start3A_287] : memref<10240x64xbf16, #tpu.memory_space<hbm>> -> memref<10240x64xbf16, #tpu.memory_space<hbm>>
        tpu.enqueue_indirect_dma source(%dma_start3A_288 : memref<10240x64xbf16, #tpu.memory_space<hbm>>) target(%arg12 : memref<128x64xbf16, #tpu.memory_space<vmem>>) offsets(%dma_start3A_285 : memref<128xi32, #tpu.memory_space<vmem>>) semaphore(%arg16 : memref<!tpu.dma_semaphore, #tpu.memory_space<semaphore_mem>>)
      }
      %scan3A_64 = arith.constant 9 : i32
      %dma_wait3A = arith.constant 36 : i32
      %dma_wait3A_65 = arith.constant 0 : i32
      %dma_wait3A_66 = tpu.memref_slice %arg7[%dma_wait3A, %dma_wait3A_65] : memref<40x128xi32, #tpu.memory_space<vmem>> -> memref<1x128xi32, #tpu.memory_space<vmem>>
      %dma_wait3A_67 = tpu.memref_squeeze %dma_wait3A_66 : memref<1x128xi32, #tpu.memory_space<vmem>> -> memref<128xi32, #tpu.memory_space<vmem>>
      %dma_wait3A_68 = arith.constant 0 : i32
      %dma_wait3A_69 = arith.constant 0 : i32
      %dma_wait3A_70 = tpu.memref_slice %arg2[%dma_wait3A_68, %dma_wait3A_69] : memref<10240x64xbf16, #tpu.memory_space<hbm>> -> memref<10240x64xbf16, #tpu.memory_space<hbm>>
      tpu.wait_indirect_dma semaphore(%arg13 : memref<!tpu.dma_semaphore, #tpu.memory_space<semaphore_mem>>) src(%dma_wait3A_70 : memref<10240x64xbf16, #tpu.memory_space<hbm>>) dst(%arg9 : memref<128x64xbf16, #tpu.memory_space<vmem>>)
      %dma_start3A_71 = arith.constant 36 : i32
      %dma_start3A_72 = arith.constant 0 : i32
      %dma_start3A_73 = tpu.memref_slice %arg8[%dma_start3A_71, %dma_start3A_72] : memref<40x128xi32, #tpu.memory_space<vmem>> -> memref<1x128xi32, #tpu.memory_space<vmem>>
      %dma_start3A_74 = tpu.memref_squeeze %dma_start3A_73 : memref<1x128xi32, #tpu.memory_space<vmem>> -> memref<128xi32, #tpu.memory_space<vmem>>
      %dma_start3A_75 = arith.constant 0 : i32
      %dma_start3A_76 = arith.constant 0 : i32
      %dma_start3A_77 = tpu.memref_slice %arg21[%dma_start3A_75, %dma_start3A_76] : memref<10240x64xbf16, #tpu.memory_space<vmem_shared>> -> memref<10240x64xbf16, #tpu.memory_space<vmem_shared>>
      tpu.enqueue_indirect_dma source(%arg9 : memref<128x64xbf16, #tpu.memory_space<vmem>>) target(%dma_start3A_77 : memref<10240x64xbf16, #tpu.memory_space<vmem_shared>>) offsets(%dma_start3A_74 : memref<128xi32, #tpu.memory_space<vmem>>) semaphore(%arg17 : memref<!tpu.dma_semaphore, #tpu.memory_space<semaphore_mem>>) {add = true}
      %dma_wait3A_78 = arith.constant 37 : i32
      %dma_wait3A_79 = arith.constant 0 : i32
      %dma_wait3A_80 = tpu.memref_slice %arg7[%dma_wait3A_78, %dma_wait3A_79] : memref<40x128xi32, #tpu.memory_space<vmem>> -> memref<1x128xi32, #tpu.memory_space<vmem>>
      %dma_wait3A_81 = tpu.memref_squeeze %dma_wait3A_80 : memref<1x128xi32, #tpu.memory_space<vmem>> -> memref<128xi32, #tpu.memory_space<vmem>>
      %dma_wait3A_82 = arith.constant 0 : i32
      %dma_wait3A_83 = arith.constant 0 : i32
      %dma_wait3A_84 = tpu.memref_slice %arg2[%dma_wait3A_82, %dma_wait3A_83] : memref<10240x64xbf16, #tpu.memory_space<hbm>> -> memref<10240x64xbf16, #tpu.memory_space<hbm>>
      tpu.wait_indirect_dma semaphore(%arg14 : memref<!tpu.dma_semaphore, #tpu.memory_space<semaphore_mem>>) src(%dma_wait3A_84 : memref<10240x64xbf16, #tpu.memory_space<hbm>>) dst(%arg10 : memref<128x64xbf16, #tpu.memory_space<vmem>>)
      %dma_start3A_85 = arith.constant 37 : i32
      %dma_start3A_86 = arith.constant 0 : i32
      %dma_start3A_87 = tpu.memref_slice %arg8[%dma_start3A_85, %dma_start3A_86] : memref<40x128xi32, #tpu.memory_space<vmem>> -> memref<1x128xi32, #tpu.memory_space<vmem>>
      %dma_start3A_88 = tpu.memref_squeeze %dma_start3A_87 : memref<1x128xi32, #tpu.memory_space<vmem>> -> memref<128xi32, #tpu.memory_space<vmem>>
      %dma_start3A_89 = arith.constant 0 : i32
      %dma_start3A_90 = arith.constant 0 : i32
      %dma_start3A_91 = tpu.memref_slice %arg22[%dma_start3A_89, %dma_start3A_90] : memref<10240x64xbf16, #tpu.memory_space<vmem_shared>> -> memref<10240x64xbf16, #tpu.memory_space<vmem_shared>>
      tpu.enqueue_indirect_dma source(%arg10 : memref<128x64xbf16, #tpu.memory_space<vmem>>) target(%dma_start3A_91 : memref<10240x64xbf16, #tpu.memory_space<vmem_shared>>) offsets(%dma_start3A_88 : memref<128xi32, #tpu.memory_space<vmem>>) semaphore(%arg18 : memref<!tpu.dma_semaphore, #tpu.memory_space<semaphore_mem>>) {add = true}
      %dma_wait3A_92 = arith.constant 38 : i32
      %dma_wait3A_93 = arith.constant 0 : i32
      %dma_wait3A_94 = tpu.memref_slice %arg7[%dma_wait3A_92, %dma_wait3A_93] : memref<40x128xi32, #tpu.memory_space<vmem>> -> memref<1x128xi32, #tpu.memory_space<vmem>>
      %dma_wait3A_95 = tpu.memref_squeeze %dma_wait3A_94 : memref<1x128xi32, #tpu.memory_space<vmem>> -> memref<128xi32, #tpu.memory_space<vmem>>
      %dma_wait3A_96 = arith.constant 0 : i32
      %dma_wait3A_97 = arith.constant 0 : i32
      %dma_wait3A_98 = tpu.memref_slice %arg2[%dma_wait3A_96, %dma_wait3A_97] : memref<10240x64xbf16, #tpu.memory_space<hbm>> -> memref<10240x64xbf16, #tpu.memory_space<hbm>>
      tpu.wait_indirect_dma semaphore(%arg15 : memref<!tpu.dma_semaphore, #tpu.memory_space<semaphore_mem>>) src(%dma_wait3A_98 : memref<10240x64xbf16, #tpu.memory_space<hbm>>) dst(%arg11 : memref<128x64xbf16, #tpu.memory_space<vmem>>)
      %dma_start3A_99 = arith.constant 38 : i32
      %dma_start3A_100 = arith.constant 0 : i32
      %dma_start3A_101 = tpu.memref_slice %arg8[%dma_start3A_99, %dma_start3A_100] : memref<40x128xi32, #tpu.memory_space<vmem>> -> memref<1x128xi32, #tpu.memory_space<vmem>>
      %dma_start3A_102 = tpu.memref_squeeze %dma_start3A_101 : memref<1x128xi32, #tpu.memory_space<vmem>> -> memref<128xi32, #tpu.memory_space<vmem>>
      %dma_start3A_103 = arith.constant 0 : i32
      %dma_start3A_104 = arith.constant 0 : i32
      %dma_start3A_105 = tpu.memref_slice %arg21[%dma_start3A_103, %dma_start3A_104] : memref<10240x64xbf16, #tpu.memory_space<vmem_shared>> -> memref<10240x64xbf16, #tpu.memory_space<vmem_shared>>
      tpu.enqueue_indirect_dma source(%arg11 : memref<128x64xbf16, #tpu.memory_space<vmem>>) target(%dma_start3A_105 : memref<10240x64xbf16, #tpu.memory_space<vmem_shared>>) offsets(%dma_start3A_102 : memref<128xi32, #tpu.memory_space<vmem>>) semaphore(%arg19 : memref<!tpu.dma_semaphore, #tpu.memory_space<semaphore_mem>>) {add = true}
      %dma_wait3A_106 = arith.constant 39 : i32
      %dma_wait3A_107 = arith.constant 0 : i32
      %dma_wait3A_108 = tpu.memref_slice %arg7[%dma_wait3A_106, %dma_wait3A_107] : memref<40x128xi32, #tpu.memory_space<vmem>> -> memref<1x128xi32, #tpu.memory_space<vmem>>
      %dma_wait3A_109 = tpu.memref_squeeze %dma_wait3A_108 : memref<1x128xi32, #tpu.memory_space<vmem>> -> memref<128xi32, #tpu.memory_space<vmem>>
      %dma_wait3A_110 = arith.constant 0 : i32
      %dma_wait3A_111 = arith.constant 0 : i32
      %dma_wait3A_112 = tpu.memref_slice %arg2[%dma_wait3A_110, %dma_wait3A_111] : memref<10240x64xbf16, #tpu.memory_space<hbm>> -> memref<10240x64xbf16, #tpu.memory_space<hbm>>
      tpu.wait_indirect_dma semaphore(%arg16 : memref<!tpu.dma_semaphore, #tpu.memory_space<semaphore_mem>>) src(%dma_wait3A_112 : memref<10240x64xbf16, #tpu.memory_space<hbm>>) dst(%arg12 : memref<128x64xbf16, #tpu.memory_space<vmem>>)
      %dma_start3A_113 = arith.constant 39 : i32
      %dma_start3A_114 = arith.constant 0 : i32
      %dma_start3A_115 = tpu.memref_slice %arg8[%dma_start3A_113, %dma_start3A_114] : memref<40x128xi32, #tpu.memory_space<vmem>> -> memref<1x128xi32, #tpu.memory_space<vmem>>
      %dma_start3A_116 = tpu.memref_squeeze %dma_start3A_115 : memref<1x128xi32, #tpu.memory_space<vmem>> -> memref<128xi32, #tpu.memory_space<vmem>>
      %dma_start3A_117 = arith.constant 0 : i32
      %dma_start3A_118 = arith.constant 0 : i32
      %dma_start3A_119 = tpu.memref_slice %arg22[%dma_start3A_117, %dma_start3A_118] : memref<10240x64xbf16, #tpu.memory_space<vmem_shared>> -> memref<10240x64xbf16, #tpu.memory_space<vmem_shared>>
      tpu.enqueue_indirect_dma source(%arg12 : memref<128x64xbf16, #tpu.memory_space<vmem>>) target(%dma_start3A_119 : memref<10240x64xbf16, #tpu.memory_space<vmem_shared>>) offsets(%dma_start3A_116 : memref<128xi32, #tpu.memory_space<vmem>>) semaphore(%arg20 : memref<!tpu.dma_semaphore, #tpu.memory_space<semaphore_mem>>) {add = true}
      %dma_wait3A_120 = arith.constant 36 : i32
      %dma_wait3A_121 = arith.constant 0 : i32
      %dma_wait3A_122 = tpu.memref_slice %arg8[%dma_wait3A_120, %dma_wait3A_121] : memref<40x128xi32, #tpu.memory_space<vmem>> -> memref<1x128xi32, #tpu.memory_space<vmem>>
      %dma_wait3A_123 = tpu.memref_squeeze %dma_wait3A_122 : memref<1x128xi32, #tpu.memory_space<vmem>> -> memref<128xi32, #tpu.memory_space<vmem>>
      %dma_wait3A_124 = arith.constant 0 : i32
      %dma_wait3A_125 = arith.constant 0 : i32
      %dma_wait3A_126 = tpu.memref_slice %arg21[%dma_wait3A_124, %dma_wait3A_125] : memref<10240x64xbf16, #tpu.memory_space<vmem_shared>> -> memref<10240x64xbf16, #tpu.memory_space<vmem_shared>>
      tpu.wait_indirect_dma semaphore(%arg17 : memref<!tpu.dma_semaphore, #tpu.memory_space<semaphore_mem>>) src(%arg9 : memref<128x64xbf16, #tpu.memory_space<vmem>>) dst(%dma_wait3A_126 : memref<10240x64xbf16, #tpu.memory_space<vmem_shared>>)
      %dma_wait3A_127 = arith.constant 37 : i32
      %dma_wait3A_128 = arith.constant 0 : i32
      %dma_wait3A_129 = tpu.memref_slice %arg8[%dma_wait3A_127, %dma_wait3A_128] : memref<40x128xi32, #tpu.memory_space<vmem>> -> memref<1x128xi32, #tpu.memory_space<vmem>>
      %dma_wait3A_130 = tpu.memref_squeeze %dma_wait3A_129 : memref<1x128xi32, #tpu.memory_space<vmem>> -> memref<128xi32, #tpu.memory_space<vmem>>
      %dma_wait3A_131 = arith.constant 0 : i32
      %dma_wait3A_132 = arith.constant 0 : i32
      %dma_wait3A_133 = tpu.memref_slice %arg22[%dma_wait3A_131, %dma_wait3A_132] : memref<10240x64xbf16, #tpu.memory_space<vmem_shared>> -> memref<10240x64xbf16, #tpu.memory_space<vmem_shared>>
      tpu.wait_indirect_dma semaphore(%arg18 : memref<!tpu.dma_semaphore, #tpu.memory_space<semaphore_mem>>) src(%arg10 : memref<128x64xbf16, #tpu.memory_space<vmem>>) dst(%dma_wait3A_133 : memref<10240x64xbf16, #tpu.memory_space<vmem_shared>>)
      %dma_wait3A_134 = arith.constant 38 : i32
      %dma_wait3A_135 = arith.constant 0 : i32
      %dma_wait3A_136 = tpu.memref_slice %arg8[%dma_wait3A_134, %dma_wait3A_135] : memref<40x128xi32, #tpu.memory_space<vmem>> -> memref<1x128xi32, #tpu.memory_space<vmem>>
      %dma_wait3A_137 = tpu.memref_squeeze %dma_wait3A_136 : memref<1x128xi32, #tpu.memory_space<vmem>> -> memref<128xi32, #tpu.memory_space<vmem>>
      %dma_wait3A_138 = arith.constant 0 : i32
      %dma_wait3A_139 = arith.constant 0 : i32
      %dma_wait3A_140 = tpu.memref_slice %arg21[%dma_wait3A_138, %dma_wait3A_139] : memref<10240x64xbf16, #tpu.memory_space<vmem_shared>> -> memref<10240x64xbf16, #tpu.memory_space<vmem_shared>>
      tpu.wait_indirect_dma semaphore(%arg19 : memref<!tpu.dma_semaphore, #tpu.memory_space<semaphore_mem>>) src(%arg11 : memref<128x64xbf16, #tpu.memory_space<vmem>>) dst(%dma_wait3A_140 : memref<10240x64xbf16, #tpu.memory_space<vmem_shared>>)
      %dma_wait3A_141 = arith.constant 39 : i32
      %dma_wait3A_142 = arith.constant 0 : i32
      %dma_wait3A_143 = tpu.memref_slice %arg8[%dma_wait3A_141, %dma_wait3A_142] : memref<40x128xi32, #tpu.memory_space<vmem>> -> memref<1x128xi32, #tpu.memory_space<vmem>>
      %dma_wait3A_144 = tpu.memref_squeeze %dma_wait3A_143 : memref<1x128xi32, #tpu.memory_space<vmem>> -> memref<128xi32, #tpu.memory_space<vmem>>
      %dma_wait3A_145 = arith.constant 0 : i32
      %dma_wait3A_146 = arith.constant 0 : i32
      %dma_wait3A_147 = tpu.memref_slice %arg22[%dma_wait3A_145, %dma_wait3A_146] : memref<10240x64xbf16, #tpu.memory_space<vmem_shared>> -> memref<10240x64xbf16, #tpu.memory_space<vmem_shared>>
      tpu.wait_indirect_dma semaphore(%arg20 : memref<!tpu.dma_semaphore, #tpu.memory_space<semaphore_mem>>) src(%arg12 : memref<128x64xbf16, #tpu.memory_space<vmem>>) dst(%dma_wait3A_147 : memref<10240x64xbf16, #tpu.memory_space<vmem_shared>>)
    }
    %scan3A_14 = arith.constant 2 : i32
    %barrier3A_15 = arith.constant 0 : index
    tpu.barrier barrier_id(%barrier3A_15)
    %mul3A_16 = arith.constant 640 : i32
    %mul3A_17 = arith.muli %arg1, %mul3A_16 : i32
    %mul3A_18 = arith.constant 640 : i32
    %mul3A_19 = arith.muli %arg1, %mul3A_18 : i32
    %run_scoped3A = arith.constant 0 : i32
    "tpu.region"() ({
      %run_scoped3A_25 = tpu.sem_alloc : memref<!tpu.dma_semaphore, #tpu.memory_space<semaphore_mem>>
      %dma_start3A = arith.constant 0 : i32
      %dma_start3A_26 = tpu.memref_slice %arg6[%arg0, %run_scoped3A, %mul3A_19, %dma_start3A] : memref<2x2x10240x64xbf16, #tpu.memory_space<hbm>> -> memref<1x1x640x64xbf16, #tpu.memory_space<hbm>>
      %dma_start3A_27 = tpu.memref_squeeze %dma_start3A_26 : memref<1x1x640x64xbf16, #tpu.memory_space<hbm>> -> memref<640x64xbf16, #tpu.memory_space<hbm>>
      %dma_start3A_28 = arith.constant 0 : i32
      %dma_start3A_29 = tpu.memref_slice %arg21[%mul3A_17, %dma_start3A_28] : memref<10240x64xbf16, #tpu.memory_space<vmem_shared>> -> memref<640x64xbf16, #tpu.memory_space<vmem_shared>>
      tpu.enqueue_dma source(%dma_start3A_29 : memref<640x64xbf16, #tpu.memory_space<vmem_shared>>) target(%dma_start3A_27 : memref<640x64xbf16, #tpu.memory_space<hbm>>) target_semaphore(%run_scoped3A_25 : memref<!tpu.dma_semaphore, #tpu.memory_space<semaphore_mem>>)
      %dma_wait3A = arith.constant 0 : i32
      %dma_wait3A_30 = tpu.memref_slice %arg6[%arg0, %run_scoped3A, %mul3A_19, %dma_wait3A] : memref<2x2x10240x64xbf16, #tpu.memory_space<hbm>> -> memref<1x1x640x64xbf16, #tpu.memory_space<hbm>>
      %dma_wait3A_31 = tpu.memref_squeeze %dma_wait3A_30 : memref<1x1x640x64xbf16, #tpu.memory_space<hbm>> -> memref<640x64xbf16, #tpu.memory_space<hbm>>
      %dma_wait3A_32 = arith.constant 0 : i32
      %dma_wait3A_33 = tpu.memref_slice %arg21[%mul3A_17, %dma_wait3A_32] : memref<10240x64xbf16, #tpu.memory_space<vmem_shared>> -> memref<640x64xbf16, #tpu.memory_space<vmem_shared>>
      tpu.wait_dma2 semaphore(%run_scoped3A_25 : memref<!tpu.dma_semaphore, #tpu.memory_space<semaphore_mem>>) src(%dma_wait3A_33 : memref<640x64xbf16, #tpu.memory_space<vmem_shared>>) dst(%dma_wait3A_31 : memref<640x64xbf16, #tpu.memory_space<hbm>>)
      tpu.yield
    }) : () -> ()
    %mul3A_20 = arith.constant 640 : i32
    %mul3A_21 = arith.muli %arg1, %mul3A_20 : i32
    %mul3A_22 = arith.constant 640 : i32
    %mul3A_23 = arith.muli %arg1, %mul3A_22 : i32
    %run_scoped3A_24 = arith.constant 1 : i32
    "tpu.region"() ({
      %run_scoped3A_25 = tpu.sem_alloc : memref<!tpu.dma_semaphore, #tpu.memory_space<semaphore_mem>>
      %dma_start3A = arith.constant 0 : i32
      %dma_start3A_26 = tpu.memref_slice %arg6[%arg0, %run_scoped3A_24, %mul3A_23, %dma_start3A] : memref<2x2x10240x64xbf16, #tpu.memory_space<hbm>> -> memref<1x1x640x64xbf16, #tpu.memory_space<hbm>>
      %dma_start3A_27 = tpu.memref_squeeze %dma_start3A_26 : memref<1x1x640x64xbf16, #tpu.memory_space<hbm>> -> memref<640x64xbf16, #tpu.memory_space<hbm>>
      %dma_start3A_28 = arith.constant 0 : i32
      %dma_start3A_29 = tpu.memref_slice %arg22[%mul3A_21, %dma_start3A_28] : memref<10240x64xbf16, #tpu.memory_space<vmem_shared>> -> memref<640x64xbf16, #tpu.memory_space<vmem_shared>>
      tpu.enqueue_dma source(%dma_start3A_29 : memref<640x64xbf16, #tpu.memory_space<vmem_shared>>) target(%dma_start3A_27 : memref<640x64xbf16, #tpu.memory_space<hbm>>) target_semaphore(%run_scoped3A_25 : memref<!tpu.dma_semaphore, #tpu.memory_space<semaphore_mem>>)
      %dma_wait3A = arith.constant 0 : i32
      %dma_wait3A_30 = tpu.memref_slice %arg6[%arg0, %run_scoped3A_24, %mul3A_23, %dma_wait3A] : memref<2x2x10240x64xbf16, #tpu.memory_space<hbm>> -> memref<1x1x640x64xbf16, #tpu.memory_space<hbm>>
      %dma_wait3A_31 = tpu.memref_squeeze %dma_wait3A_30 : memref<1x1x640x64xbf16, #tpu.memory_space<hbm>> -> memref<640x64xbf16, #tpu.memory_space<hbm>>
      %dma_wait3A_32 = arith.constant 0 : i32
      %dma_wait3A_33 = tpu.memref_slice %arg22[%mul3A_21, %dma_wait3A_32] : memref<10240x64xbf16, #tpu.memory_space<vmem_shared>> -> memref<640x64xbf16, #tpu.memory_space<vmem_shared>>
      tpu.wait_dma2 semaphore(%run_scoped3A_25 : memref<!tpu.dma_semaphore, #tpu.memory_space<semaphore_mem>>) src(%dma_wait3A_33 : memref<640x64xbf16, #tpu.memory_space<vmem_shared>>) dst(%dma_wait3A_31 : memref<640x64xbf16, #tpu.memory_space<hbm>>)
      tpu.yield
    }) : () -> ()
    return
  }
}

#map = affine_map<(d0, d1) -> (0, 0)>
module attributes {stable_mosaic.version = 14 : i64} {
  func.func @_deg_pass(%arg0: i32, %arg1: i32, %arg2: memref<2560x128xi32, #tpu.memory_space<hbm>>, %arg3: memref<2x10240xf32, #tpu.memory_space<hbm>>, %arg4: memref<80x128xi32, #tpu.memory_space<vmem>>, %arg5: memref<10240xf32, #tpu.memory_space<vmem>>, %arg6: memref<16x640xf32, #tpu.memory_space<vmem>>, %arg7: memref<640xf32, #tpu.memory_space<vmem>>, %arg8: memref<16x10240xf32, #tpu.memory_space<vmem_shared>>) attributes {dimension_semantics = [#tpu.dimension_semantics<core_parallel>, #tpu.dimension_semantics<subcore_parallel>], iteration_bounds = array<i64: 2, 16>, scalar_prefetch = 0 : i64, scratch_operands = 5 : i64, tpu.core_type = #tpu.core_type<sc_vector_subcore>, window_params = [{transform_indices = #map}, {transform_indices = #map}]} {
    %mul3A = arith.constant 16 : i32
    %mul3A_0 = arith.muli %arg0, %mul3A : i32
    %add3A = arith.addi %mul3A_0, %arg1 : i32
    %mul3A_1 = arith.constant 80 : i32
    %mul3A_2 = arith.muli %add3A, %mul3A_1 : i32
    "tpu.region"() ({
      %run_scoped3A_85 = tpu.sem_alloc : memref<!tpu.dma_semaphore, #tpu.memory_space<semaphore_mem>>
      %dma_start3A = arith.constant 0 : i32
      %dma_start3A_86 = tpu.memref_slice %arg2[%mul3A_2, %dma_start3A] : memref<2560x128xi32, #tpu.memory_space<hbm>> -> memref<80x128xi32, #tpu.memory_space<hbm>>
      %dma_start3A_87 = arith.constant 0 : i32
      %dma_start3A_88 = tpu.memref_slice %arg2[%mul3A_2, %dma_start3A_87] : memref<2560x128xi32, #tpu.memory_space<hbm>> -> memref<80x128xi32, #tpu.memory_space<hbm>>
      tpu.enqueue_dma source(%dma_start3A_88 : memref<80x128xi32, #tpu.memory_space<hbm>>) target(%arg4 : memref<80x128xi32, #tpu.memory_space<vmem>>) target_semaphore(%run_scoped3A_85 : memref<!tpu.dma_semaphore, #tpu.memory_space<semaphore_mem>>)
      %dma_wait3A = arith.constant 0 : i32
      %dma_wait3A_89 = tpu.memref_slice %arg2[%mul3A_2, %dma_wait3A] : memref<2560x128xi32, #tpu.memory_space<hbm>> -> memref<80x128xi32, #tpu.memory_space<hbm>>
      %dma_wait3A_90 = arith.constant 0 : i32
      %dma_wait3A_91 = tpu.memref_slice %arg2[%mul3A_2, %dma_wait3A_90] : memref<2560x128xi32, #tpu.memory_space<hbm>> -> memref<80x128xi32, #tpu.memory_space<hbm>>
      tpu.wait_dma2 semaphore(%run_scoped3A_85 : memref<!tpu.dma_semaphore, #tpu.memory_space<semaphore_mem>>) src(%dma_wait3A_91 : memref<80x128xi32, #tpu.memory_space<hbm>>) dst(%arg4 : memref<80x128xi32, #tpu.memory_space<vmem>>)
      tpu.yield
    }) : () -> ()
    %broadcast_in_dim3A = arith.constant 0.000000e+00 : f32
    %broadcast_in_dim3A_3 = vector.broadcast %broadcast_in_dim3A : f32 to vector<16xf32>
    %scan3A = arith.constant 0 : i32
    %scan3A_4 = arith.constant 640 : i32
    %scan3A_5 = arith.addi %scan3A, %scan3A_4 : i32
    %scan3A_6 = arith.constant 1 : i32
    scf.for %scan3A_85 = %scan3A to %scan3A_5 step %scan3A_6  : i32 {
      %mul3A_86 = arith.constant 16 : i32
      %mul3A_87 = arith.muli %scan3A_85, %mul3A_86 : i32
      %add3A_88 = arith.constant 0 : i32
      %add3A_89 = arith.addi %add3A_88, %mul3A_87 : i32
      %swap3A = arith.index_cast %add3A_89 : i32 to index
      %swap3A_90 = tpu.vector_load %arg5[%swap3A] {strides = array<i32>} : memref<10240xf32, #tpu.memory_space<vmem>>, vector<16xf32>,
      tpu.vector_store %arg5[%swap3A], %broadcast_in_dim3A_3 {strides = array<i32>} : memref<10240xf32, #tpu.memory_space<vmem>>, vector<16xf32>,
    }
    %scan3A_7 = arith.constant 640 : i32
    %broadcast_in_dim3A_8 = arith.constant 1.000000e+00 : f32
    %broadcast_in_dim3A_9 = vector.broadcast %broadcast_in_dim3A_8 : f32 to vector<16xf32>
    %scan3A_10 = arith.constant 0 : i32
    %scan3A_11 = arith.constant 80 : i32
    %scan3A_12 = arith.addi %scan3A_10, %scan3A_11 : i32
    %scan3A_13 = arith.constant 1 : i32
    scf.for %scan3A_85 = %scan3A_10 to %scan3A_12 step %scan3A_13  : i32 {
      %mul3A_86 = arith.constant 1 : i32
      %mul3A_87 = arith.muli %scan3A_85, %mul3A_86 : i32
      %add3A_88 = arith.constant 0 : i32
      %add3A_89 = arith.addi %add3A_88, %mul3A_87 : i32
      %get3A = arith.index_cast %add3A_89 : i32 to index
      %get3A_90 = arith.constant 0 : index
      %get3A_91 = tpu.vector_load %arg4[%get3A, %get3A_90] {strides = array<i32>} : memref<80x128xi32, #tpu.memory_space<vmem>>, vector<16xi32>,
      tpu.vector_store_idx %arg5[%get3A_91], %broadcast_in_dim3A_9 {add = true} : memref<10240xf32, #tpu.memory_space<vmem>>[vector<16xi32>], vector<16xf32>,
      %get3A_92 = arith.index_cast %add3A_89 : i32 to index
      %get3A_93 = arith.constant 16 : index
      %get3A_94 = tpu.vector_load %arg4[%get3A_92, %get3A_93] {strides = array<i32>} : memref<80x128xi32, #tpu.memory_space<vmem>>, vector<16xi32>,
      tpu.vector_store_idx %arg5[%get3A_94], %broadcast_in_dim3A_9 {add = true} : memref<10240xf32, #tpu.memory_space<vmem>>[vector<16xi32>], vector<16xf32>,
      %get3A_95 = arith.index_cast %add3A_89 : i32 to index
      %get3A_96 = arith.constant 32 : index
      %get3A_97 = tpu.vector_load %arg4[%get3A_95, %get3A_96] {strides = array<i32>} : memref<80x128xi32, #tpu.memory_space<vmem>>, vector<16xi32>,
      tpu.vector_store_idx %arg5[%get3A_97], %broadcast_in_dim3A_9 {add = true} : memref<10240xf32, #tpu.memory_space<vmem>>[vector<16xi32>], vector<16xf32>,
      %get3A_98 = arith.index_cast %add3A_89 : i32 to index
      %get3A_99 = arith.constant 48 : index
      %get3A_100 = tpu.vector_load %arg4[%get3A_98, %get3A_99] {strides = array<i32>} : memref<80x128xi32, #tpu.memory_space<vmem>>, vector<16xi32>,
      tpu.vector_store_idx %arg5[%get3A_100], %broadcast_in_dim3A_9 {add = true} : memref<10240xf32, #tpu.memory_space<vmem>>[vector<16xi32>], vector<16xf32>,
      %get3A_101 = arith.index_cast %add3A_89 : i32 to index
      %get3A_102 = arith.constant 64 : index
      %get3A_103 = tpu.vector_load %arg4[%get3A_101, %get3A_102] {strides = array<i32>} : memref<80x128xi32, #tpu.memory_space<vmem>>, vector<16xi32>,
      tpu.vector_store_idx %arg5[%get3A_103], %broadcast_in_dim3A_9 {add = true} : memref<10240xf32, #tpu.memory_space<vmem>>[vector<16xi32>], vector<16xf32>,
      %get3A_104 = arith.index_cast %add3A_89 : i32 to index
      %get3A_105 = arith.constant 80 : index
      %get3A_106 = tpu.vector_load %arg4[%get3A_104, %get3A_105] {strides = array<i32>} : memref<80x128xi32, #tpu.memory_space<vmem>>, vector<16xi32>,
      tpu.vector_store_idx %arg5[%get3A_106], %broadcast_in_dim3A_9 {add = true} : memref<10240xf32, #tpu.memory_space<vmem>>[vector<16xi32>], vector<16xf32>,
      %get3A_107 = arith.index_cast %add3A_89 : i32 to index
      %get3A_108 = arith.constant 96 : index
      %get3A_109 = tpu.vector_load %arg4[%get3A_107, %get3A_108] {strides = array<i32>} : memref<80x128xi32, #tpu.memory_space<vmem>>, vector<16xi32>,
      tpu.vector_store_idx %arg5[%get3A_109], %broadcast_in_dim3A_9 {add = true} : memref<10240xf32, #tpu.memory_space<vmem>>[vector<16xi32>], vector<16xf32>,
      %get3A_110 = arith.index_cast %add3A_89 : i32 to index
      %get3A_111 = arith.constant 112 : index
      %get3A_112 = tpu.vector_load %arg4[%get3A_110, %get3A_111] {strides = array<i32>} : memref<80x128xi32, #tpu.memory_space<vmem>>, vector<16xi32>,
      tpu.vector_store_idx %arg5[%get3A_112], %broadcast_in_dim3A_9 {add = true} : memref<10240xf32, #tpu.memory_space<vmem>>[vector<16xi32>], vector<16xf32>,
    }
    %scan3A_14 = arith.constant 80 : i32
    "tpu.region"() ({
      %run_scoped3A_85 = tpu.sem_alloc : memref<!tpu.dma_semaphore, #tpu.memory_space<semaphore_mem>>
      %dma_start3A = arith.constant 0 : i32
      %dma_start3A_86 = tpu.memref_slice %arg8[%arg1, %dma_start3A] : memref<16x10240xf32, #tpu.memory_space<vmem_shared>> -> memref<1x10240xf32, #tpu.memory_space<vmem_shared>>
      %dma_start3A_87 = tpu.memref_squeeze %dma_start3A_86 : memref<1x10240xf32, #tpu.memory_space<vmem_shared>> -> memref<10240xf32, #tpu.memory_space<vmem_shared>>
      %dma_start3A_88 = arith.constant 0 : i32
      %dma_start3A_89 = tpu.memref_slice %arg8[%arg1, %dma_start3A_88] : memref<16x10240xf32, #tpu.memory_space<vmem_shared>> -> memref<1x10240xf32, #tpu.memory_space<vmem_shared>>
      %dma_start3A_90 = tpu.memref_squeeze %dma_start3A_89 : memref<1x10240xf32, #tpu.memory_space<vmem_shared>> -> memref<10240xf32, #tpu.memory_space<vmem_shared>>
      tpu.enqueue_dma source(%arg5 : memref<10240xf32, #tpu.memory_space<vmem>>) target(%dma_start3A_90 : memref<10240xf32, #tpu.memory_space<vmem_shared>>) target_semaphore(%run_scoped3A_85 : memref<!tpu.dma_semaphore, #tpu.memory_space<semaphore_mem>>)
      %dma_wait3A = arith.constant 0 : i32
      %dma_wait3A_91 = tpu.memref_slice %arg8[%arg1, %dma_wait3A] : memref<16x10240xf32, #tpu.memory_space<vmem_shared>> -> memref<1x10240xf32, #tpu.memory_space<vmem_shared>>
      %dma_wait3A_92 = tpu.memref_squeeze %dma_wait3A_91 : memref<1x10240xf32, #tpu.memory_space<vmem_shared>> -> memref<10240xf32, #tpu.memory_space<vmem_shared>>
      %dma_wait3A_93 = arith.constant 0 : i32
      %dma_wait3A_94 = tpu.memref_slice %arg8[%arg1, %dma_wait3A_93] : memref<16x10240xf32, #tpu.memory_space<vmem_shared>> -> memref<1x10240xf32, #tpu.memory_space<vmem_shared>>
      %dma_wait3A_95 = tpu.memref_squeeze %dma_wait3A_94 : memref<1x10240xf32, #tpu.memory_space<vmem_shared>> -> memref<10240xf32, #tpu.memory_space<vmem_shared>>
      tpu.wait_dma2 semaphore(%run_scoped3A_85 : memref<!tpu.dma_semaphore, #tpu.memory_space<semaphore_mem>>) src(%arg5 : memref<10240xf32, #tpu.memory_space<vmem>>) dst(%dma_wait3A_95 : memref<10240xf32, #tpu.memory_space<vmem_shared>>)
      tpu.yield
    }) : () -> ()
    %barrier3A = arith.constant 0 : index
    tpu.barrier barrier_id(%barrier3A)
    %mul3A_15 = arith.constant 640 : i32
    %mul3A_16 = arith.muli %arg1, %mul3A_15 : i32
    %run_scoped3A = arith.constant 0 : i32
    %run_scoped3A_17 = arith.constant 0 : i32
    "tpu.region"() ({
      %run_scoped3A_85 = tpu.sem_alloc : memref<!tpu.dma_semaphore, #tpu.memory_space<semaphore_mem>>
      %dma_start3A = arith.constant 0 : i32
      %dma_start3A_86 = tpu.memref_slice %arg6[%run_scoped3A_17, %dma_start3A] : memref<16x640xf32, #tpu.memory_space<vmem>> -> memref<1x640xf32, #tpu.memory_space<vmem>>
      %dma_start3A_87 = tpu.memref_squeeze %dma_start3A_86 : memref<1x640xf32, #tpu.memory_space<vmem>> -> memref<640xf32, #tpu.memory_space<vmem>>
      %dma_start3A_88 = tpu.memref_slice %arg8[%run_scoped3A, %mul3A_16] : memref<16x10240xf32, #tpu.memory_space<vmem_shared>> -> memref<1x640xf32, #tpu.memory_space<vmem_shared>>
      %dma_start3A_89 = tpu.memref_squeeze %dma_start3A_88 : memref<1x640xf32, #tpu.memory_space<vmem_shared>> -> memref<640xf32, #tpu.memory_space<vmem_shared>>
      %dma_start3A_90 = arith.constant 0 : i32
      %dma_start3A_91 = tpu.memref_slice %arg6[%run_scoped3A_17, %dma_start3A_90] : memref<16x640xf32, #tpu.memory_space<vmem>> -> memref<1x640xf32, #tpu.memory_space<vmem>>
      %dma_start3A_92 = tpu.memref_squeeze %dma_start3A_91 : memref<1x640xf32, #tpu.memory_space<vmem>> -> memref<640xf32, #tpu.memory_space<vmem>>
      %dma_start3A_93 = tpu.memref_slice %arg8[%run_scoped3A, %mul3A_16] : memref<16x10240xf32, #tpu.memory_space<vmem_shared>> -> memref<1x640xf32, #tpu.memory_space<vmem_shared>>
      %dma_start3A_94 = tpu.memref_squeeze %dma_start3A_93 : memref<1x640xf32, #tpu.memory_space<vmem_shared>> -> memref<640xf32, #tpu.memory_space<vmem_shared>>
      tpu.enqueue_dma source(%dma_start3A_94 : memref<640xf32, #tpu.memory_space<vmem_shared>>) target(%dma_start3A_92 : memref<640xf32, #tpu.memory_space<vmem>>) target_semaphore(%run_scoped3A_85 : memref<!tpu.dma_semaphore, #tpu.memory_space<semaphore_mem>>)
      %dma_wait3A = arith.constant 0 : i32
      %dma_wait3A_95 = tpu.memref_slice %arg6[%run_scoped3A_17, %dma_wait3A] : memref<16x640xf32, #tpu.memory_space<vmem>> -> memref<1x640xf32, #tpu.memory_space<vmem>>
      %dma_wait3A_96 = tpu.memref_squeeze %dma_wait3A_95 : memref<1x640xf32, #tpu.memory_space<vmem>> -> memref<640xf32, #tpu.memory_space<vmem>>
      %dma_wait3A_97 = tpu.memref_slice %arg8[%run_scoped3A, %mul3A_16] : memref<16x10240xf32, #tpu.memory_space<vmem_shared>> -> memref<1x640xf32, #tpu.memory_space<vmem_shared>>
      %dma_wait3A_98 = tpu.memref_squeeze %dma_wait3A_97 : memref<1x640xf32, #tpu.memory_space<vmem_shared>> -> memref<640xf32, #tpu.memory_space<vmem_shared>>
      %dma_wait3A_99 = arith.constant 0 : i32
      %dma_wait3A_100 = tpu.memref_slice %arg6[%run_scoped3A_17, %dma_wait3A_99] : memref<16x640xf32, #tpu.memory_space<vmem>> -> memref<1x640xf32, #tpu.memory_space<vmem>>
      %dma_wait3A_101 = tpu.memref_squeeze %dma_wait3A_100 : memref<1x640xf32, #tpu.memory_space<vmem>> -> memref<640xf32, #tpu.memory_space<vmem>>
      %dma_wait3A_102 = tpu.memref_slice %arg8[%run_scoped3A, %mul3A_16] : memref<16x10240xf32, #tpu.memory_space<vmem_shared>> -> memref<1x640xf32, #tpu.memory_space<vmem_shared>>
      %dma_wait3A_103 = tpu.memref_squeeze %dma_wait3A_102 : memref<1x640xf32, #tpu.memory_space<vmem_shared>> -> memref<640xf32, #tpu.memory_space<vmem_shared>>
      tpu.wait_dma2 semaphore(%run_scoped3A_85 : memref<!tpu.dma_semaphore, #tpu.memory_space<semaphore_mem>>) src(%dma_wait3A_103 : memref<640xf32, #tpu.memory_space<vmem_shared>>) dst(%dma_wait3A_101 : memref<640xf32, #tpu.memory_space<vmem>>)
      tpu.yield
    }) : () -> ()
    %mul3A_18 = arith.constant 640 : i32
    %mul3A_19 = arith.muli %arg1, %mul3A_18 : i32
    %run_scoped3A_20 = arith.constant 1 : i32
    %run_scoped3A_21 = arith.constant 1 : i32
    "tpu.region"() ({
      %run_scoped3A_85 = tpu.sem_alloc : memref<!tpu.dma_semaphore, #tpu.memory_space<semaphore_mem>>
      %dma_start3A = arith.constant 0 : i32
      %dma_start3A_86 = tpu.memref_slice %arg6[%run_scoped3A_21, %dma_start3A] : memref<16x640xf32, #tpu.memory_space<vmem>> -> memref<1x640xf32, #tpu.memory_space<vmem>>
      %dma_start3A_87 = tpu.memref_squeeze %dma_start3A_86 : memref<1x640xf32, #tpu.memory_space<vmem>> -> memref<640xf32, #tpu.memory_space<vmem>>
      %dma_start3A_88 = tpu.memref_slice %arg8[%run_scoped3A_20, %mul3A_19] : memref<16x10240xf32, #tpu.memory_space<vmem_shared>> -> memref<1x640xf32, #tpu.memory_space<vmem_shared>>
      %dma_start3A_89 = tpu.memref_squeeze %dma_start3A_88 : memref<1x640xf32, #tpu.memory_space<vmem_shared>> -> memref<640xf32, #tpu.memory_space<vmem_shared>>
      %dma_start3A_90 = arith.constant 0 : i32
      %dma_start3A_91 = tpu.memref_slice %arg6[%run_scoped3A_21, %dma_start3A_90] : memref<16x640xf32, #tpu.memory_space<vmem>> -> memref<1x640xf32, #tpu.memory_space<vmem>>
      %dma_start3A_92 = tpu.memref_squeeze %dma_start3A_91 : memref<1x640xf32, #tpu.memory_space<vmem>> -> memref<640xf32, #tpu.memory_space<vmem>>
      %dma_start3A_93 = tpu.memref_slice %arg8[%run_scoped3A_20, %mul3A_19] : memref<16x10240xf32, #tpu.memory_space<vmem_shared>> -> memref<1x640xf32, #tpu.memory_space<vmem_shared>>
      %dma_start3A_94 = tpu.memref_squeeze %dma_start3A_93 : memref<1x640xf32, #tpu.memory_space<vmem_shared>> -> memref<640xf32, #tpu.memory_space<vmem_shared>>
      tpu.enqueue_dma source(%dma_start3A_94 : memref<640xf32, #tpu.memory_space<vmem_shared>>) target(%dma_start3A_92 : memref<640xf32, #tpu.memory_space<vmem>>) target_semaphore(%run_scoped3A_85 : memref<!tpu.dma_semaphore, #tpu.memory_space<semaphore_mem>>)
      %dma_wait3A = arith.constant 0 : i32
      %dma_wait3A_95 = tpu.memref_slice %arg6[%run_scoped3A_21, %dma_wait3A] : memref<16x640xf32, #tpu.memory_space<vmem>> -> memref<1x640xf32, #tpu.memory_space<vmem>>
      %dma_wait3A_96 = tpu.memref_squeeze %dma_wait3A_95 : memref<1x640xf32, #tpu.memory_space<vmem>> -> memref<640xf32, #tpu.memory_space<vmem>>
      %dma_wait3A_97 = tpu.memref_slice %arg8[%run_scoped3A_20, %mul3A_19] : memref<16x10240xf32, #tpu.memory_space<vmem_shared>> -> memref<1x640xf32, #tpu.memory_space<vmem_shared>>
      %dma_wait3A_98 = tpu.memref_squeeze %dma_wait3A_97 : memref<1x640xf32, #tpu.memory_space<vmem_shared>> -> memref<640xf32, #tpu.memory_space<vmem_shared>>
      %dma_wait3A_99 = arith.constant 0 : i32
      %dma_wait3A_100 = tpu.memref_slice %arg6[%run_scoped3A_21, %dma_wait3A_99] : memref<16x640xf32, #tpu.memory_space<vmem>> -> memref<1x640xf32, #tpu.memory_space<vmem>>
      %dma_wait3A_101 = tpu.memref_squeeze %dma_wait3A_100 : memref<1x640xf32, #tpu.memory_space<vmem>> -> memref<640xf32, #tpu.memory_space<vmem>>
      %dma_wait3A_102 = tpu.memref_slice %arg8[%run_scoped3A_20, %mul3A_19] : memref<16x10240xf32, #tpu.memory_space<vmem_shared>> -> memref<1x640xf32, #tpu.memory_space<vmem_shared>>
      %dma_wait3A_103 = tpu.memref_squeeze %dma_wait3A_102 : memref<1x640xf32, #tpu.memory_space<vmem_shared>> -> memref<640xf32, #tpu.memory_space<vmem_shared>>
      tpu.wait_dma2 semaphore(%run_scoped3A_85 : memref<!tpu.dma_semaphore, #tpu.memory_space<semaphore_mem>>) src(%dma_wait3A_103 : memref<640xf32, #tpu.memory_space<vmem_shared>>) dst(%dma_wait3A_101 : memref<640xf32, #tpu.memory_space<vmem>>)
      tpu.yield
    }) : () -> ()
    %mul3A_22 = arith.constant 640 : i32
    %mul3A_23 = arith.muli %arg1, %mul3A_22 : i32
    %run_scoped3A_24 = arith.constant 2 : i32
    %run_scoped3A_25 = arith.constant 2 : i32
    "tpu.region"() ({
      %run_scoped3A_85 = tpu.sem_alloc : memref<!tpu.dma_semaphore, #tpu.memory_space<semaphore_mem>>
      %dma_start3A = arith.constant 0 : i32
      %dma_start3A_86 = tpu.memref_slice %arg6[%run_scoped3A_25, %dma_start3A] : memref<16x640xf32, #tpu.memory_space<vmem>> -> memref<1x640xf32, #tpu.memory_space<vmem>>
      %dma_start3A_87 = tpu.memref_squeeze %dma_start3A_86 : memref<1x640xf32, #tpu.memory_space<vmem>> -> memref<640xf32, #tpu.memory_space<vmem>>
      %dma_start3A_88 = tpu.memref_slice %arg8[%run_scoped3A_24, %mul3A_23] : memref<16x10240xf32, #tpu.memory_space<vmem_shared>> -> memref<1x640xf32, #tpu.memory_space<vmem_shared>>
      %dma_start3A_89 = tpu.memref_squeeze %dma_start3A_88 : memref<1x640xf32, #tpu.memory_space<vmem_shared>> -> memref<640xf32, #tpu.memory_space<vmem_shared>>
      %dma_start3A_90 = arith.constant 0 : i32
      %dma_start3A_91 = tpu.memref_slice %arg6[%run_scoped3A_25, %dma_start3A_90] : memref<16x640xf32, #tpu.memory_space<vmem>> -> memref<1x640xf32, #tpu.memory_space<vmem>>
      %dma_start3A_92 = tpu.memref_squeeze %dma_start3A_91 : memref<1x640xf32, #tpu.memory_space<vmem>> -> memref<640xf32, #tpu.memory_space<vmem>>
      %dma_start3A_93 = tpu.memref_slice %arg8[%run_scoped3A_24, %mul3A_23] : memref<16x10240xf32, #tpu.memory_space<vmem_shared>> -> memref<1x640xf32, #tpu.memory_space<vmem_shared>>
      %dma_start3A_94 = tpu.memref_squeeze %dma_start3A_93 : memref<1x640xf32, #tpu.memory_space<vmem_shared>> -> memref<640xf32, #tpu.memory_space<vmem_shared>>
      tpu.enqueue_dma source(%dma_start3A_94 : memref<640xf32, #tpu.memory_space<vmem_shared>>) target(%dma_start3A_92 : memref<640xf32, #tpu.memory_space<vmem>>) target_semaphore(%run_scoped3A_85 : memref<!tpu.dma_semaphore, #tpu.memory_space<semaphore_mem>>)
      %dma_wait3A = arith.constant 0 : i32
      %dma_wait3A_95 = tpu.memref_slice %arg6[%run_scoped3A_25, %dma_wait3A] : memref<16x640xf32, #tpu.memory_space<vmem>> -> memref<1x640xf32, #tpu.memory_space<vmem>>
      %dma_wait3A_96 = tpu.memref_squeeze %dma_wait3A_95 : memref<1x640xf32, #tpu.memory_space<vmem>> -> memref<640xf32, #tpu.memory_space<vmem>>
      %dma_wait3A_97 = tpu.memref_slice %arg8[%run_scoped3A_24, %mul3A_23] : memref<16x10240xf32, #tpu.memory_space<vmem_shared>> -> memref<1x640xf32, #tpu.memory_space<vmem_shared>>
      %dma_wait3A_98 = tpu.memref_squeeze %dma_wait3A_97 : memref<1x640xf32, #tpu.memory_space<vmem_shared>> -> memref<640xf32, #tpu.memory_space<vmem_shared>>
      %dma_wait3A_99 = arith.constant 0 : i32
      %dma_wait3A_100 = tpu.memref_slice %arg6[%run_scoped3A_25, %dma_wait3A_99] : memref<16x640xf32, #tpu.memory_space<vmem>> -> memref<1x640xf32, #tpu.memory_space<vmem>>
      %dma_wait3A_101 = tpu.memref_squeeze %dma_wait3A_100 : memref<1x640xf32, #tpu.memory_space<vmem>> -> memref<640xf32, #tpu.memory_space<vmem>>
      %dma_wait3A_102 = tpu.memref_slice %arg8[%run_scoped3A_24, %mul3A_23] : memref<16x10240xf32, #tpu.memory_space<vmem_shared>> -> memref<1x640xf32, #tpu.memory_space<vmem_shared>>
      %dma_wait3A_103 = tpu.memref_squeeze %dma_wait3A_102 : memref<1x640xf32, #tpu.memory_space<vmem_shared>> -> memref<640xf32, #tpu.memory_space<vmem_shared>>
      tpu.wait_dma2 semaphore(%run_scoped3A_85 : memref<!tpu.dma_semaphore, #tpu.memory_space<semaphore_mem>>) src(%dma_wait3A_103 : memref<640xf32, #tpu.memory_space<vmem_shared>>) dst(%dma_wait3A_101 : memref<640xf32, #tpu.memory_space<vmem>>)
      tpu.yield
    }) : () -> ()
    %mul3A_26 = arith.constant 640 : i32
    %mul3A_27 = arith.muli %arg1, %mul3A_26 : i32
    %run_scoped3A_28 = arith.constant 3 : i32
    %run_scoped3A_29 = arith.constant 3 : i32
    "tpu.region"() ({
      %run_scoped3A_85 = tpu.sem_alloc : memref<!tpu.dma_semaphore, #tpu.memory_space<semaphore_mem>>
      %dma_start3A = arith.constant 0 : i32
      %dma_start3A_86 = tpu.memref_slice %arg6[%run_scoped3A_29, %dma_start3A] : memref<16x640xf32, #tpu.memory_space<vmem>> -> memref<1x640xf32, #tpu.memory_space<vmem>>
      %dma_start3A_87 = tpu.memref_squeeze %dma_start3A_86 : memref<1x640xf32, #tpu.memory_space<vmem>> -> memref<640xf32, #tpu.memory_space<vmem>>
      %dma_start3A_88 = tpu.memref_slice %arg8[%run_scoped3A_28, %mul3A_27] : memref<16x10240xf32, #tpu.memory_space<vmem_shared>> -> memref<1x640xf32, #tpu.memory_space<vmem_shared>>
      %dma_start3A_89 = tpu.memref_squeeze %dma_start3A_88 : memref<1x640xf32, #tpu.memory_space<vmem_shared>> -> memref<640xf32, #tpu.memory_space<vmem_shared>>
      %dma_start3A_90 = arith.constant 0 : i32
      %dma_start3A_91 = tpu.memref_slice %arg6[%run_scoped3A_29, %dma_start3A_90] : memref<16x640xf32, #tpu.memory_space<vmem>> -> memref<1x640xf32, #tpu.memory_space<vmem>>
      %dma_start3A_92 = tpu.memref_squeeze %dma_start3A_91 : memref<1x640xf32, #tpu.memory_space<vmem>> -> memref<640xf32, #tpu.memory_space<vmem>>
      %dma_start3A_93 = tpu.memref_slice %arg8[%run_scoped3A_28, %mul3A_27] : memref<16x10240xf32, #tpu.memory_space<vmem_shared>> -> memref<1x640xf32, #tpu.memory_space<vmem_shared>>
      %dma_start3A_94 = tpu.memref_squeeze %dma_start3A_93 : memref<1x640xf32, #tpu.memory_space<vmem_shared>> -> memref<640xf32, #tpu.memory_space<vmem_shared>>
      tpu.enqueue_dma source(%dma_start3A_94 : memref<640xf32, #tpu.memory_space<vmem_shared>>) target(%dma_start3A_92 : memref<640xf32, #tpu.memory_space<vmem>>) target_semaphore(%run_scoped3A_85 : memref<!tpu.dma_semaphore, #tpu.memory_space<semaphore_mem>>)
      %dma_wait3A = arith.constant 0 : i32
      %dma_wait3A_95 = tpu.memref_slice %arg6[%run_scoped3A_29, %dma_wait3A] : memref<16x640xf32, #tpu.memory_space<vmem>> -> memref<1x640xf32, #tpu.memory_space<vmem>>
      %dma_wait3A_96 = tpu.memref_squeeze %dma_wait3A_95 : memref<1x640xf32, #tpu.memory_space<vmem>> -> memref<640xf32, #tpu.memory_space<vmem>>
      %dma_wait3A_97 = tpu.memref_slice %arg8[%run_scoped3A_28, %mul3A_27] : memref<16x10240xf32, #tpu.memory_space<vmem_shared>> -> memref<1x640xf32, #tpu.memory_space<vmem_shared>>
      %dma_wait3A_98 = tpu.memref_squeeze %dma_wait3A_97 : memref<1x640xf32, #tpu.memory_space<vmem_shared>> -> memref<640xf32, #tpu.memory_space<vmem_shared>>
      %dma_wait3A_99 = arith.constant 0 : i32
      %dma_wait3A_100 = tpu.memref_slice %arg6[%run_scoped3A_29, %dma_wait3A_99] : memref<16x640xf32, #tpu.memory_space<vmem>> -> memref<1x640xf32, #tpu.memory_space<vmem>>
      %dma_wait3A_101 = tpu.memref_squeeze %dma_wait3A_100 : memref<1x640xf32, #tpu.memory_space<vmem>> -> memref<640xf32, #tpu.memory_space<vmem>>
      %dma_wait3A_102 = tpu.memref_slice %arg8[%run_scoped3A_28, %mul3A_27] : memref<16x10240xf32, #tpu.memory_space<vmem_shared>> -> memref<1x640xf32, #tpu.memory_space<vmem_shared>>
      %dma_wait3A_103 = tpu.memref_squeeze %dma_wait3A_102 : memref<1x640xf32, #tpu.memory_space<vmem_shared>> -> memref<640xf32, #tpu.memory_space<vmem_shared>>
      tpu.wait_dma2 semaphore(%run_scoped3A_85 : memref<!tpu.dma_semaphore, #tpu.memory_space<semaphore_mem>>) src(%dma_wait3A_103 : memref<640xf32, #tpu.memory_space<vmem_shared>>) dst(%dma_wait3A_101 : memref<640xf32, #tpu.memory_space<vmem>>)
      tpu.yield
    }) : () -> ()
    %mul3A_30 = arith.constant 640 : i32
    %mul3A_31 = arith.muli %arg1, %mul3A_30 : i32
    %run_scoped3A_32 = arith.constant 4 : i32
    %run_scoped3A_33 = arith.constant 4 : i32
    "tpu.region"() ({
      %run_scoped3A_85 = tpu.sem_alloc : memref<!tpu.dma_semaphore, #tpu.memory_space<semaphore_mem>>
      %dma_start3A = arith.constant 0 : i32
      %dma_start3A_86 = tpu.memref_slice %arg6[%run_scoped3A_33, %dma_start3A] : memref<16x640xf32, #tpu.memory_space<vmem>> -> memref<1x640xf32, #tpu.memory_space<vmem>>
      %dma_start3A_87 = tpu.memref_squeeze %dma_start3A_86 : memref<1x640xf32, #tpu.memory_space<vmem>> -> memref<640xf32, #tpu.memory_space<vmem>>
      %dma_start3A_88 = tpu.memref_slice %arg8[%run_scoped3A_32, %mul3A_31] : memref<16x10240xf32, #tpu.memory_space<vmem_shared>> -> memref<1x640xf32, #tpu.memory_space<vmem_shared>>
      %dma_start3A_89 = tpu.memref_squeeze %dma_start3A_88 : memref<1x640xf32, #tpu.memory_space<vmem_shared>> -> memref<640xf32, #tpu.memory_space<vmem_shared>>
      %dma_start3A_90 = arith.constant 0 : i32
      %dma_start3A_91 = tpu.memref_slice %arg6[%run_scoped3A_33, %dma_start3A_90] : memref<16x640xf32, #tpu.memory_space<vmem>> -> memref<1x640xf32, #tpu.memory_space<vmem>>
      %dma_start3A_92 = tpu.memref_squeeze %dma_start3A_91 : memref<1x640xf32, #tpu.memory_space<vmem>> -> memref<640xf32, #tpu.memory_space<vmem>>
      %dma_start3A_93 = tpu.memref_slice %arg8[%run_scoped3A_32, %mul3A_31] : memref<16x10240xf32, #tpu.memory_space<vmem_shared>> -> memref<1x640xf32, #tpu.memory_space<vmem_shared>>
      %dma_start3A_94 = tpu.memref_squeeze %dma_start3A_93 : memref<1x640xf32, #tpu.memory_space<vmem_shared>> -> memref<640xf32, #tpu.memory_space<vmem_shared>>
      tpu.enqueue_dma source(%dma_start3A_94 : memref<640xf32, #tpu.memory_space<vmem_shared>>) target(%dma_start3A_92 : memref<640xf32, #tpu.memory_space<vmem>>) target_semaphore(%run_scoped3A_85 : memref<!tpu.dma_semaphore, #tpu.memory_space<semaphore_mem>>)
      %dma_wait3A = arith.constant 0 : i32
      %dma_wait3A_95 = tpu.memref_slice %arg6[%run_scoped3A_33, %dma_wait3A] : memref<16x640xf32, #tpu.memory_space<vmem>> -> memref<1x640xf32, #tpu.memory_space<vmem>>
      %dma_wait3A_96 = tpu.memref_squeeze %dma_wait3A_95 : memref<1x640xf32, #tpu.memory_space<vmem>> -> memref<640xf32, #tpu.memory_space<vmem>>
      %dma_wait3A_97 = tpu.memref_slice %arg8[%run_scoped3A_32, %mul3A_31] : memref<16x10240xf32, #tpu.memory_space<vmem_shared>> -> memref<1x640xf32, #tpu.memory_space<vmem_shared>>
      %dma_wait3A_98 = tpu.memref_squeeze %dma_wait3A_97 : memref<1x640xf32, #tpu.memory_space<vmem_shared>> -> memref<640xf32, #tpu.memory_space<vmem_shared>>
      %dma_wait3A_99 = arith.constant 0 : i32
      %dma_wait3A_100 = tpu.memref_slice %arg6[%run_scoped3A_33, %dma_wait3A_99] : memref<16x640xf32, #tpu.memory_space<vmem>> -> memref<1x640xf32, #tpu.memory_space<vmem>>
      %dma_wait3A_101 = tpu.memref_squeeze %dma_wait3A_100 : memref<1x640xf32, #tpu.memory_space<vmem>> -> memref<640xf32, #tpu.memory_space<vmem>>
      %dma_wait3A_102 = tpu.memref_slice %arg8[%run_scoped3A_32, %mul3A_31] : memref<16x10240xf32, #tpu.memory_space<vmem_shared>> -> memref<1x640xf32, #tpu.memory_space<vmem_shared>>
      %dma_wait3A_103 = tpu.memref_squeeze %dma_wait3A_102 : memref<1x640xf32, #tpu.memory_space<vmem_shared>> -> memref<640xf32, #tpu.memory_space<vmem_shared>>
      tpu.wait_dma2 semaphore(%run_scoped3A_85 : memref<!tpu.dma_semaphore, #tpu.memory_space<semaphore_mem>>) src(%dma_wait3A_103 : memref<640xf32, #tpu.memory_space<vmem_shared>>) dst(%dma_wait3A_101 : memref<640xf32, #tpu.memory_space<vmem>>)
      tpu.yield
    }) : () -> ()
    %mul3A_34 = arith.constant 640 : i32
    %mul3A_35 = arith.muli %arg1, %mul3A_34 : i32
    %run_scoped3A_36 = arith.constant 5 : i32
    %run_scoped3A_37 = arith.constant 5 : i32
    "tpu.region"() ({
      %run_scoped3A_85 = tpu.sem_alloc : memref<!tpu.dma_semaphore, #tpu.memory_space<semaphore_mem>>
      %dma_start3A = arith.constant 0 : i32
      %dma_start3A_86 = tpu.memref_slice %arg6[%run_scoped3A_37, %dma_start3A] : memref<16x640xf32, #tpu.memory_space<vmem>> -> memref<1x640xf32, #tpu.memory_space<vmem>>
      %dma_start3A_87 = tpu.memref_squeeze %dma_start3A_86 : memref<1x640xf32, #tpu.memory_space<vmem>> -> memref<640xf32, #tpu.memory_space<vmem>>
      %dma_start3A_88 = tpu.memref_slice %arg8[%run_scoped3A_36, %mul3A_35] : memref<16x10240xf32, #tpu.memory_space<vmem_shared>> -> memref<1x640xf32, #tpu.memory_space<vmem_shared>>
      %dma_start3A_89 = tpu.memref_squeeze %dma_start3A_88 : memref<1x640xf32, #tpu.memory_space<vmem_shared>> -> memref<640xf32, #tpu.memory_space<vmem_shared>>
      %dma_start3A_90 = arith.constant 0 : i32
      %dma_start3A_91 = tpu.memref_slice %arg6[%run_scoped3A_37, %dma_start3A_90] : memref<16x640xf32, #tpu.memory_space<vmem>> -> memref<1x640xf32, #tpu.memory_space<vmem>>
      %dma_start3A_92 = tpu.memref_squeeze %dma_start3A_91 : memref<1x640xf32, #tpu.memory_space<vmem>> -> memref<640xf32, #tpu.memory_space<vmem>>
      %dma_start3A_93 = tpu.memref_slice %arg8[%run_scoped3A_36, %mul3A_35] : memref<16x10240xf32, #tpu.memory_space<vmem_shared>> -> memref<1x640xf32, #tpu.memory_space<vmem_shared>>
      %dma_start3A_94 = tpu.memref_squeeze %dma_start3A_93 : memref<1x640xf32, #tpu.memory_space<vmem_shared>> -> memref<640xf32, #tpu.memory_space<vmem_shared>>
      tpu.enqueue_dma source(%dma_start3A_94 : memref<640xf32, #tpu.memory_space<vmem_shared>>) target(%dma_start3A_92 : memref<640xf32, #tpu.memory_space<vmem>>) target_semaphore(%run_scoped3A_85 : memref<!tpu.dma_semaphore, #tpu.memory_space<semaphore_mem>>)
      %dma_wait3A = arith.constant 0 : i32
      %dma_wait3A_95 = tpu.memref_slice %arg6[%run_scoped3A_37, %dma_wait3A] : memref<16x640xf32, #tpu.memory_space<vmem>> -> memref<1x640xf32, #tpu.memory_space<vmem>>
      %dma_wait3A_96 = tpu.memref_squeeze %dma_wait3A_95 : memref<1x640xf32, #tpu.memory_space<vmem>> -> memref<640xf32, #tpu.memory_space<vmem>>
      %dma_wait3A_97 = tpu.memref_slice %arg8[%run_scoped3A_36, %mul3A_35] : memref<16x10240xf32, #tpu.memory_space<vmem_shared>> -> memref<1x640xf32, #tpu.memory_space<vmem_shared>>
      %dma_wait3A_98 = tpu.memref_squeeze %dma_wait3A_97 : memref<1x640xf32, #tpu.memory_space<vmem_shared>> -> memref<640xf32, #tpu.memory_space<vmem_shared>>
      %dma_wait3A_99 = arith.constant 0 : i32
      %dma_wait3A_100 = tpu.memref_slice %arg6[%run_scoped3A_37, %dma_wait3A_99] : memref<16x640xf32, #tpu.memory_space<vmem>> -> memref<1x640xf32, #tpu.memory_space<vmem>>
      %dma_wait3A_101 = tpu.memref_squeeze %dma_wait3A_100 : memref<1x640xf32, #tpu.memory_space<vmem>> -> memref<640xf32, #tpu.memory_space<vmem>>
      %dma_wait3A_102 = tpu.memref_slice %arg8[%run_scoped3A_36, %mul3A_35] : memref<16x10240xf32, #tpu.memory_space<vmem_shared>> -> memref<1x640xf32, #tpu.memory_space<vmem_shared>>
      %dma_wait3A_103 = tpu.memref_squeeze %dma_wait3A_102 : memref<1x640xf32, #tpu.memory_space<vmem_shared>> -> memref<640xf32, #tpu.memory_space<vmem_shared>>
      tpu.wait_dma2 semaphore(%run_scoped3A_85 : memref<!tpu.dma_semaphore, #tpu.memory_space<semaphore_mem>>) src(%dma_wait3A_103 : memref<640xf32, #tpu.memory_space<vmem_shared>>) dst(%dma_wait3A_101 : memref<640xf32, #tpu.memory_space<vmem>>)
      tpu.yield
    }) : () -> ()
    %mul3A_38 = arith.constant 640 : i32
    %mul3A_39 = arith.muli %arg1, %mul3A_38 : i32
    %run_scoped3A_40 = arith.constant 6 : i32
    %run_scoped3A_41 = arith.constant 6 : i32
    "tpu.region"() ({
      %run_scoped3A_85 = tpu.sem_alloc : memref<!tpu.dma_semaphore, #tpu.memory_space<semaphore_mem>>
      %dma_start3A = arith.constant 0 : i32
      %dma_start3A_86 = tpu.memref_slice %arg6[%run_scoped3A_41, %dma_start3A] : memref<16x640xf32, #tpu.memory_space<vmem>> -> memref<1x640xf32, #tpu.memory_space<vmem>>
      %dma_start3A_87 = tpu.memref_squeeze %dma_start3A_86 : memref<1x640xf32, #tpu.memory_space<vmem>> -> memref<640xf32, #tpu.memory_space<vmem>>
      %dma_start3A_88 = tpu.memref_slice %arg8[%run_scoped3A_40, %mul3A_39] : memref<16x10240xf32, #tpu.memory_space<vmem_shared>> -> memref<1x640xf32, #tpu.memory_space<vmem_shared>>
      %dma_start3A_89 = tpu.memref_squeeze %dma_start3A_88 : memref<1x640xf32, #tpu.memory_space<vmem_shared>> -> memref<640xf32, #tpu.memory_space<vmem_shared>>
      %dma_start3A_90 = arith.constant 0 : i32
      %dma_start3A_91 = tpu.memref_slice %arg6[%run_scoped3A_41, %dma_start3A_90] : memref<16x640xf32, #tpu.memory_space<vmem>> -> memref<1x640xf32, #tpu.memory_space<vmem>>
      %dma_start3A_92 = tpu.memref_squeeze %dma_start3A_91 : memref<1x640xf32, #tpu.memory_space<vmem>> -> memref<640xf32, #tpu.memory_space<vmem>>
      %dma_start3A_93 = tpu.memref_slice %arg8[%run_scoped3A_40, %mul3A_39] : memref<16x10240xf32, #tpu.memory_space<vmem_shared>> -> memref<1x640xf32, #tpu.memory_space<vmem_shared>>
      %dma_start3A_94 = tpu.memref_squeeze %dma_start3A_93 : memref<1x640xf32, #tpu.memory_space<vmem_shared>> -> memref<640xf32, #tpu.memory_space<vmem_shared>>
      tpu.enqueue_dma source(%dma_start3A_94 : memref<640xf32, #tpu.memory_space<vmem_shared>>) target(%dma_start3A_92 : memref<640xf32, #tpu.memory_space<vmem>>) target_semaphore(%run_scoped3A_85 : memref<!tpu.dma_semaphore, #tpu.memory_space<semaphore_mem>>)
      %dma_wait3A = arith.constant 0 : i32
      %dma_wait3A_95 = tpu.memref_slice %arg6[%run_scoped3A_41, %dma_wait3A] : memref<16x640xf32, #tpu.memory_space<vmem>> -> memref<1x640xf32, #tpu.memory_space<vmem>>
      %dma_wait3A_96 = tpu.memref_squeeze %dma_wait3A_95 : memref<1x640xf32, #tpu.memory_space<vmem>> -> memref<640xf32, #tpu.memory_space<vmem>>
      %dma_wait3A_97 = tpu.memref_slice %arg8[%run_scoped3A_40, %mul3A_39] : memref<16x10240xf32, #tpu.memory_space<vmem_shared>> -> memref<1x640xf32, #tpu.memory_space<vmem_shared>>
      %dma_wait3A_98 = tpu.memref_squeeze %dma_wait3A_97 : memref<1x640xf32, #tpu.memory_space<vmem_shared>> -> memref<640xf32, #tpu.memory_space<vmem_shared>>
      %dma_wait3A_99 = arith.constant 0 : i32
      %dma_wait3A_100 = tpu.memref_slice %arg6[%run_scoped3A_41, %dma_wait3A_99] : memref<16x640xf32, #tpu.memory_space<vmem>> -> memref<1x640xf32, #tpu.memory_space<vmem>>
      %dma_wait3A_101 = tpu.memref_squeeze %dma_wait3A_100 : memref<1x640xf32, #tpu.memory_space<vmem>> -> memref<640xf32, #tpu.memory_space<vmem>>
      %dma_wait3A_102 = tpu.memref_slice %arg8[%run_scoped3A_40, %mul3A_39] : memref<16x10240xf32, #tpu.memory_space<vmem_shared>> -> memref<1x640xf32, #tpu.memory_space<vmem_shared>>
      %dma_wait3A_103 = tpu.memref_squeeze %dma_wait3A_102 : memref<1x640xf32, #tpu.memory_space<vmem_shared>> -> memref<640xf32, #tpu.memory_space<vmem_shared>>
      tpu.wait_dma2 semaphore(%run_scoped3A_85 : memref<!tpu.dma_semaphore, #tpu.memory_space<semaphore_mem>>) src(%dma_wait3A_103 : memref<640xf32, #tpu.memory_space<vmem_shared>>) dst(%dma_wait3A_101 : memref<640xf32, #tpu.memory_space<vmem>>)
      tpu.yield
    }) : () -> ()
    %mul3A_42 = arith.constant 640 : i32
    %mul3A_43 = arith.muli %arg1, %mul3A_42 : i32
    %run_scoped3A_44 = arith.constant 7 : i32
    %run_scoped3A_45 = arith.constant 7 : i32
    "tpu.region"() ({
      %run_scoped3A_85 = tpu.sem_alloc : memref<!tpu.dma_semaphore, #tpu.memory_space<semaphore_mem>>
      %dma_start3A = arith.constant 0 : i32
      %dma_start3A_86 = tpu.memref_slice %arg6[%run_scoped3A_45, %dma_start3A] : memref<16x640xf32, #tpu.memory_space<vmem>> -> memref<1x640xf32, #tpu.memory_space<vmem>>
      %dma_start3A_87 = tpu.memref_squeeze %dma_start3A_86 : memref<1x640xf32, #tpu.memory_space<vmem>> -> memref<640xf32, #tpu.memory_space<vmem>>
      %dma_start3A_88 = tpu.memref_slice %arg8[%run_scoped3A_44, %mul3A_43] : memref<16x10240xf32, #tpu.memory_space<vmem_shared>> -> memref<1x640xf32, #tpu.memory_space<vmem_shared>>
      %dma_start3A_89 = tpu.memref_squeeze %dma_start3A_88 : memref<1x640xf32, #tpu.memory_space<vmem_shared>> -> memref<640xf32, #tpu.memory_space<vmem_shared>>
      %dma_start3A_90 = arith.constant 0 : i32
      %dma_start3A_91 = tpu.memref_slice %arg6[%run_scoped3A_45, %dma_start3A_90] : memref<16x640xf32, #tpu.memory_space<vmem>> -> memref<1x640xf32, #tpu.memory_space<vmem>>
      %dma_start3A_92 = tpu.memref_squeeze %dma_start3A_91 : memref<1x640xf32, #tpu.memory_space<vmem>> -> memref<640xf32, #tpu.memory_space<vmem>>
      %dma_start3A_93 = tpu.memref_slice %arg8[%run_scoped3A_44, %mul3A_43] : memref<16x10240xf32, #tpu.memory_space<vmem_shared>> -> memref<1x640xf32, #tpu.memory_space<vmem_shared>>
      %dma_start3A_94 = tpu.memref_squeeze %dma_start3A_93 : memref<1x640xf32, #tpu.memory_space<vmem_shared>> -> memref<640xf32, #tpu.memory_space<vmem_shared>>
      tpu.enqueue_dma source(%dma_start3A_94 : memref<640xf32, #tpu.memory_space<vmem_shared>>) target(%dma_start3A_92 : memref<640xf32, #tpu.memory_space<vmem>>) target_semaphore(%run_scoped3A_85 : memref<!tpu.dma_semaphore, #tpu.memory_space<semaphore_mem>>)
      %dma_wait3A = arith.constant 0 : i32
      %dma_wait3A_95 = tpu.memref_slice %arg6[%run_scoped3A_45, %dma_wait3A] : memref<16x640xf32, #tpu.memory_space<vmem>> -> memref<1x640xf32, #tpu.memory_space<vmem>>
      %dma_wait3A_96 = tpu.memref_squeeze %dma_wait3A_95 : memref<1x640xf32, #tpu.memory_space<vmem>> -> memref<640xf32, #tpu.memory_space<vmem>>
      %dma_wait3A_97 = tpu.memref_slice %arg8[%run_scoped3A_44, %mul3A_43] : memref<16x10240xf32, #tpu.memory_space<vmem_shared>> -> memref<1x640xf32, #tpu.memory_space<vmem_shared>>
      %dma_wait3A_98 = tpu.memref_squeeze %dma_wait3A_97 : memref<1x640xf32, #tpu.memory_space<vmem_shared>> -> memref<640xf32, #tpu.memory_space<vmem_shared>>
      %dma_wait3A_99 = arith.constant 0 : i32
      %dma_wait3A_100 = tpu.memref_slice %arg6[%run_scoped3A_45, %dma_wait3A_99] : memref<16x640xf32, #tpu.memory_space<vmem>> -> memref<1x640xf32, #tpu.memory_space<vmem>>
      %dma_wait3A_101 = tpu.memref_squeeze %dma_wait3A_100 : memref<1x640xf32, #tpu.memory_space<vmem>> -> memref<640xf32, #tpu.memory_space<vmem>>
      %dma_wait3A_102 = tpu.memref_slice %arg8[%run_scoped3A_44, %mul3A_43] : memref<16x10240xf32, #tpu.memory_space<vmem_shared>> -> memref<1x640xf32, #tpu.memory_space<vmem_shared>>
      %dma_wait3A_103 = tpu.memref_squeeze %dma_wait3A_102 : memref<1x640xf32, #tpu.memory_space<vmem_shared>> -> memref<640xf32, #tpu.memory_space<vmem_shared>>
      tpu.wait_dma2 semaphore(%run_scoped3A_85 : memref<!tpu.dma_semaphore, #tpu.memory_space<semaphore_mem>>) src(%dma_wait3A_103 : memref<640xf32, #tpu.memory_space<vmem_shared>>) dst(%dma_wait3A_101 : memref<640xf32, #tpu.memory_space<vmem>>)
      tpu.yield
    }) : () -> ()
    %mul3A_46 = arith.constant 640 : i32
    %mul3A_47 = arith.muli %arg1, %mul3A_46 : i32
    %run_scoped3A_48 = arith.constant 8 : i32
    %run_scoped3A_49 = arith.constant 8 : i32
    "tpu.region"() ({
      %run_scoped3A_85 = tpu.sem_alloc : memref<!tpu.dma_semaphore, #tpu.memory_space<semaphore_mem>>
      %dma_start3A = arith.constant 0 : i32
      %dma_start3A_86 = tpu.memref_slice %arg6[%run_scoped3A_49, %dma_start3A] : memref<16x640xf32, #tpu.memory_space<vmem>> -> memref<1x640xf32, #tpu.memory_space<vmem>>
      %dma_start3A_87 = tpu.memref_squeeze %dma_start3A_86 : memref<1x640xf32, #tpu.memory_space<vmem>> -> memref<640xf32, #tpu.memory_space<vmem>>
      %dma_start3A_88 = tpu.memref_slice %arg8[%run_scoped3A_48, %mul3A_47] : memref<16x10240xf32, #tpu.memory_space<vmem_shared>> -> memref<1x640xf32, #tpu.memory_space<vmem_shared>>
      %dma_start3A_89 = tpu.memref_squeeze %dma_start3A_88 : memref<1x640xf32, #tpu.memory_space<vmem_shared>> -> memref<640xf32, #tpu.memory_space<vmem_shared>>
      %dma_start3A_90 = arith.constant 0 : i32
      %dma_start3A_91 = tpu.memref_slice %arg6[%run_scoped3A_49, %dma_start3A_90] : memref<16x640xf32, #tpu.memory_space<vmem>> -> memref<1x640xf32, #tpu.memory_space<vmem>>
      %dma_start3A_92 = tpu.memref_squeeze %dma_start3A_91 : memref<1x640xf32, #tpu.memory_space<vmem>> -> memref<640xf32, #tpu.memory_space<vmem>>
      %dma_start3A_93 = tpu.memref_slice %arg8[%run_scoped3A_48, %mul3A_47] : memref<16x10240xf32, #tpu.memory_space<vmem_shared>> -> memref<1x640xf32, #tpu.memory_space<vmem_shared>>
      %dma_start3A_94 = tpu.memref_squeeze %dma_start3A_93 : memref<1x640xf32, #tpu.memory_space<vmem_shared>> -> memref<640xf32, #tpu.memory_space<vmem_shared>>
      tpu.enqueue_dma source(%dma_start3A_94 : memref<640xf32, #tpu.memory_space<vmem_shared>>) target(%dma_start3A_92 : memref<640xf32, #tpu.memory_space<vmem>>) target_semaphore(%run_scoped3A_85 : memref<!tpu.dma_semaphore, #tpu.memory_space<semaphore_mem>>)
      %dma_wait3A = arith.constant 0 : i32
      %dma_wait3A_95 = tpu.memref_slice %arg6[%run_scoped3A_49, %dma_wait3A] : memref<16x640xf32, #tpu.memory_space<vmem>> -> memref<1x640xf32, #tpu.memory_space<vmem>>
      %dma_wait3A_96 = tpu.memref_squeeze %dma_wait3A_95 : memref<1x640xf32, #tpu.memory_space<vmem>> -> memref<640xf32, #tpu.memory_space<vmem>>
      %dma_wait3A_97 = tpu.memref_slice %arg8[%run_scoped3A_48, %mul3A_47] : memref<16x10240xf32, #tpu.memory_space<vmem_shared>> -> memref<1x640xf32, #tpu.memory_space<vmem_shared>>
      %dma_wait3A_98 = tpu.memref_squeeze %dma_wait3A_97 : memref<1x640xf32, #tpu.memory_space<vmem_shared>> -> memref<640xf32, #tpu.memory_space<vmem_shared>>
      %dma_wait3A_99 = arith.constant 0 : i32
      %dma_wait3A_100 = tpu.memref_slice %arg6[%run_scoped3A_49, %dma_wait3A_99] : memref<16x640xf32, #tpu.memory_space<vmem>> -> memref<1x640xf32, #tpu.memory_space<vmem>>
      %dma_wait3A_101 = tpu.memref_squeeze %dma_wait3A_100 : memref<1x640xf32, #tpu.memory_space<vmem>> -> memref<640xf32, #tpu.memory_space<vmem>>
      %dma_wait3A_102 = tpu.memref_slice %arg8[%run_scoped3A_48, %mul3A_47] : memref<16x10240xf32, #tpu.memory_space<vmem_shared>> -> memref<1x640xf32, #tpu.memory_space<vmem_shared>>
      %dma_wait3A_103 = tpu.memref_squeeze %dma_wait3A_102 : memref<1x640xf32, #tpu.memory_space<vmem_shared>> -> memref<640xf32, #tpu.memory_space<vmem_shared>>
      tpu.wait_dma2 semaphore(%run_scoped3A_85 : memref<!tpu.dma_semaphore, #tpu.memory_space<semaphore_mem>>) src(%dma_wait3A_103 : memref<640xf32, #tpu.memory_space<vmem_shared>>) dst(%dma_wait3A_101 : memref<640xf32, #tpu.memory_space<vmem>>)
      tpu.yield
    }) : () -> ()
    %mul3A_50 = arith.constant 640 : i32
    %mul3A_51 = arith.muli %arg1, %mul3A_50 : i32
    %run_scoped3A_52 = arith.constant 9 : i32
    %run_scoped3A_53 = arith.constant 9 : i32
    "tpu.region"() ({
      %run_scoped3A_85 = tpu.sem_alloc : memref<!tpu.dma_semaphore, #tpu.memory_space<semaphore_mem>>
      %dma_start3A = arith.constant 0 : i32
      %dma_start3A_86 = tpu.memref_slice %arg6[%run_scoped3A_53, %dma_start3A] : memref<16x640xf32, #tpu.memory_space<vmem>> -> memref<1x640xf32, #tpu.memory_space<vmem>>
      %dma_start3A_87 = tpu.memref_squeeze %dma_start3A_86 : memref<1x640xf32, #tpu.memory_space<vmem>> -> memref<640xf32, #tpu.memory_space<vmem>>
      %dma_start3A_88 = tpu.memref_slice %arg8[%run_scoped3A_52, %mul3A_51] : memref<16x10240xf32, #tpu.memory_space<vmem_shared>> -> memref<1x640xf32, #tpu.memory_space<vmem_shared>>
      %dma_start3A_89 = tpu.memref_squeeze %dma_start3A_88 : memref<1x640xf32, #tpu.memory_space<vmem_shared>> -> memref<640xf32, #tpu.memory_space<vmem_shared>>
      %dma_start3A_90 = arith.constant 0 : i32
      %dma_start3A_91 = tpu.memref_slice %arg6[%run_scoped3A_53, %dma_start3A_90] : memref<16x640xf32, #tpu.memory_space<vmem>> -> memref<1x640xf32, #tpu.memory_space<vmem>>
      %dma_start3A_92 = tpu.memref_squeeze %dma_start3A_91 : memref<1x640xf32, #tpu.memory_space<vmem>> -> memref<640xf32, #tpu.memory_space<vmem>>
      %dma_start3A_93 = tpu.memref_slice %arg8[%run_scoped3A_52, %mul3A_51] : memref<16x10240xf32, #tpu.memory_space<vmem_shared>> -> memref<1x640xf32, #tpu.memory_space<vmem_shared>>
      %dma_start3A_94 = tpu.memref_squeeze %dma_start3A_93 : memref<1x640xf32, #tpu.memory_space<vmem_shared>> -> memref<640xf32, #tpu.memory_space<vmem_shared>>
      tpu.enqueue_dma source(%dma_start3A_94 : memref<640xf32, #tpu.memory_space<vmem_shared>>) target(%dma_start3A_92 : memref<640xf32, #tpu.memory_space<vmem>>) target_semaphore(%run_scoped3A_85 : memref<!tpu.dma_semaphore, #tpu.memory_space<semaphore_mem>>)
      %dma_wait3A = arith.constant 0 : i32
      %dma_wait3A_95 = tpu.memref_slice %arg6[%run_scoped3A_53, %dma_wait3A] : memref<16x640xf32, #tpu.memory_space<vmem>> -> memref<1x640xf32, #tpu.memory_space<vmem>>
      %dma_wait3A_96 = tpu.memref_squeeze %dma_wait3A_95 : memref<1x640xf32, #tpu.memory_space<vmem>> -> memref<640xf32, #tpu.memory_space<vmem>>
      %dma_wait3A_97 = tpu.memref_slice %arg8[%run_scoped3A_52, %mul3A_51] : memref<16x10240xf32, #tpu.memory_space<vmem_shared>> -> memref<1x640xf32, #tpu.memory_space<vmem_shared>>
      %dma_wait3A_98 = tpu.memref_squeeze %dma_wait3A_97 : memref<1x640xf32, #tpu.memory_space<vmem_shared>> -> memref<640xf32, #tpu.memory_space<vmem_shared>>
      %dma_wait3A_99 = arith.constant 0 : i32
      %dma_wait3A_100 = tpu.memref_slice %arg6[%run_scoped3A_53, %dma_wait3A_99] : memref<16x640xf32, #tpu.memory_space<vmem>> -> memref<1x640xf32, #tpu.memory_space<vmem>>
      %dma_wait3A_101 = tpu.memref_squeeze %dma_wait3A_100 : memref<1x640xf32, #tpu.memory_space<vmem>> -> memref<640xf32, #tpu.memory_space<vmem>>
      %dma_wait3A_102 = tpu.memref_slice %arg8[%run_scoped3A_52, %mul3A_51] : memref<16x10240xf32, #tpu.memory_space<vmem_shared>> -> memref<1x640xf32, #tpu.memory_space<vmem_shared>>
      %dma_wait3A_103 = tpu.memref_squeeze %dma_wait3A_102 : memref<1x640xf32, #tpu.memory_space<vmem_shared>> -> memref<640xf32, #tpu.memory_space<vmem_shared>>
      tpu.wait_dma2 semaphore(%run_scoped3A_85 : memref<!tpu.dma_semaphore, #tpu.memory_space<semaphore_mem>>) src(%dma_wait3A_103 : memref<640xf32, #tpu.memory_space<vmem_shared>>) dst(%dma_wait3A_101 : memref<640xf32, #tpu.memory_space<vmem>>)
      tpu.yield
    }) : () -> ()
    %mul3A_54 = arith.constant 640 : i32
    %mul3A_55 = arith.muli %arg1, %mul3A_54 : i32
    %run_scoped3A_56 = arith.constant 10 : i32
    %run_scoped3A_57 = arith.constant 10 : i32
    "tpu.region"() ({
      %run_scoped3A_85 = tpu.sem_alloc : memref<!tpu.dma_semaphore, #tpu.memory_space<semaphore_mem>>
      %dma_start3A = arith.constant 0 : i32
      %dma_start3A_86 = tpu.memref_slice %arg6[%run_scoped3A_57, %dma_start3A] : memref<16x640xf32, #tpu.memory_space<vmem>> -> memref<1x640xf32, #tpu.memory_space<vmem>>
      %dma_start3A_87 = tpu.memref_squeeze %dma_start3A_86 : memref<1x640xf32, #tpu.memory_space<vmem>> -> memref<640xf32, #tpu.memory_space<vmem>>
      %dma_start3A_88 = tpu.memref_slice %arg8[%run_scoped3A_56, %mul3A_55] : memref<16x10240xf32, #tpu.memory_space<vmem_shared>> -> memref<1x640xf32, #tpu.memory_space<vmem_shared>>
      %dma_start3A_89 = tpu.memref_squeeze %dma_start3A_88 : memref<1x640xf32, #tpu.memory_space<vmem_shared>> -> memref<640xf32, #tpu.memory_space<vmem_shared>>
      %dma_start3A_90 = arith.constant 0 : i32
      %dma_start3A_91 = tpu.memref_slice %arg6[%run_scoped3A_57, %dma_start3A_90] : memref<16x640xf32, #tpu.memory_space<vmem>> -> memref<1x640xf32, #tpu.memory_space<vmem>>
      %dma_start3A_92 = tpu.memref_squeeze %dma_start3A_91 : memref<1x640xf32, #tpu.memory_space<vmem>> -> memref<640xf32, #tpu.memory_space<vmem>>
      %dma_start3A_93 = tpu.memref_slice %arg8[%run_scoped3A_56, %mul3A_55] : memref<16x10240xf32, #tpu.memory_space<vmem_shared>> -> memref<1x640xf32, #tpu.memory_space<vmem_shared>>
      %dma_start3A_94 = tpu.memref_squeeze %dma_start3A_93 : memref<1x640xf32, #tpu.memory_space<vmem_shared>> -> memref<640xf32, #tpu.memory_space<vmem_shared>>
      tpu.enqueue_dma source(%dma_start3A_94 : memref<640xf32, #tpu.memory_space<vmem_shared>>) target(%dma_start3A_92 : memref<640xf32, #tpu.memory_space<vmem>>) target_semaphore(%run_scoped3A_85 : memref<!tpu.dma_semaphore, #tpu.memory_space<semaphore_mem>>)
      %dma_wait3A = arith.constant 0 : i32
      %dma_wait3A_95 = tpu.memref_slice %arg6[%run_scoped3A_57, %dma_wait3A] : memref<16x640xf32, #tpu.memory_space<vmem>> -> memref<1x640xf32, #tpu.memory_space<vmem>>
      %dma_wait3A_96 = tpu.memref_squeeze %dma_wait3A_95 : memref<1x640xf32, #tpu.memory_space<vmem>> -> memref<640xf32, #tpu.memory_space<vmem>>
      %dma_wait3A_97 = tpu.memref_slice %arg8[%run_scoped3A_56, %mul3A_55] : memref<16x10240xf32, #tpu.memory_space<vmem_shared>> -> memref<1x640xf32, #tpu.memory_space<vmem_shared>>
      %dma_wait3A_98 = tpu.memref_squeeze %dma_wait3A_97 : memref<1x640xf32, #tpu.memory_space<vmem_shared>> -> memref<640xf32, #tpu.memory_space<vmem_shared>>
      %dma_wait3A_99 = arith.constant 0 : i32
      %dma_wait3A_100 = tpu.memref_slice %arg6[%run_scoped3A_57, %dma_wait3A_99] : memref<16x640xf32, #tpu.memory_space<vmem>> -> memref<1x640xf32, #tpu.memory_space<vmem>>
      %dma_wait3A_101 = tpu.memref_squeeze %dma_wait3A_100 : memref<1x640xf32, #tpu.memory_space<vmem>> -> memref<640xf32, #tpu.memory_space<vmem>>
      %dma_wait3A_102 = tpu.memref_slice %arg8[%run_scoped3A_56, %mul3A_55] : memref<16x10240xf32, #tpu.memory_space<vmem_shared>> -> memref<1x640xf32, #tpu.memory_space<vmem_shared>>
      %dma_wait3A_103 = tpu.memref_squeeze %dma_wait3A_102 : memref<1x640xf32, #tpu.memory_space<vmem_shared>> -> memref<640xf32, #tpu.memory_space<vmem_shared>>
      tpu.wait_dma2 semaphore(%run_scoped3A_85 : memref<!tpu.dma_semaphore, #tpu.memory_space<semaphore_mem>>) src(%dma_wait3A_103 : memref<640xf32, #tpu.memory_space<vmem_shared>>) dst(%dma_wait3A_101 : memref<640xf32, #tpu.memory_space<vmem>>)
      tpu.yield
    }) : () -> ()
    %mul3A_58 = arith.constant 640 : i32
    %mul3A_59 = arith.muli %arg1, %mul3A_58 : i32
    %run_scoped3A_60 = arith.constant 11 : i32
    %run_scoped3A_61 = arith.constant 11 : i32
    "tpu.region"() ({
      %run_scoped3A_85 = tpu.sem_alloc : memref<!tpu.dma_semaphore, #tpu.memory_space<semaphore_mem>>
      %dma_start3A = arith.constant 0 : i32
      %dma_start3A_86 = tpu.memref_slice %arg6[%run_scoped3A_61, %dma_start3A] : memref<16x640xf32, #tpu.memory_space<vmem>> -> memref<1x640xf32, #tpu.memory_space<vmem>>
      %dma_start3A_87 = tpu.memref_squeeze %dma_start3A_86 : memref<1x640xf32, #tpu.memory_space<vmem>> -> memref<640xf32, #tpu.memory_space<vmem>>
      %dma_start3A_88 = tpu.memref_slice %arg8[%run_scoped3A_60, %mul3A_59] : memref<16x10240xf32, #tpu.memory_space<vmem_shared>> -> memref<1x640xf32, #tpu.memory_space<vmem_shared>>
      %dma_start3A_89 = tpu.memref_squeeze %dma_start3A_88 : memref<1x640xf32, #tpu.memory_space<vmem_shared>> -> memref<640xf32, #tpu.memory_space<vmem_shared>>
      %dma_start3A_90 = arith.constant 0 : i32
      %dma_start3A_91 = tpu.memref_slice %arg6[%run_scoped3A_61, %dma_start3A_90] : memref<16x640xf32, #tpu.memory_space<vmem>> -> memref<1x640xf32, #tpu.memory_space<vmem>>
      %dma_start3A_92 = tpu.memref_squeeze %dma_start3A_91 : memref<1x640xf32, #tpu.memory_space<vmem>> -> memref<640xf32, #tpu.memory_space<vmem>>
      %dma_start3A_93 = tpu.memref_slice %arg8[%run_scoped3A_60, %mul3A_59] : memref<16x10240xf32, #tpu.memory_space<vmem_shared>> -> memref<1x640xf32, #tpu.memory_space<vmem_shared>>
      %dma_start3A_94 = tpu.memref_squeeze %dma_start3A_93 : memref<1x640xf32, #tpu.memory_space<vmem_shared>> -> memref<640xf32, #tpu.memory_space<vmem_shared>>
      tpu.enqueue_dma source(%dma_start3A_94 : memref<640xf32, #tpu.memory_space<vmem_shared>>) target(%dma_start3A_92 : memref<640xf32, #tpu.memory_space<vmem>>) target_semaphore(%run_scoped3A_85 : memref<!tpu.dma_semaphore, #tpu.memory_space<semaphore_mem>>)
      %dma_wait3A = arith.constant 0 : i32
      %dma_wait3A_95 = tpu.memref_slice %arg6[%run_scoped3A_61, %dma_wait3A] : memref<16x640xf32, #tpu.memory_space<vmem>> -> memref<1x640xf32, #tpu.memory_space<vmem>>
      %dma_wait3A_96 = tpu.memref_squeeze %dma_wait3A_95 : memref<1x640xf32, #tpu.memory_space<vmem>> -> memref<640xf32, #tpu.memory_space<vmem>>
      %dma_wait3A_97 = tpu.memref_slice %arg8[%run_scoped3A_60, %mul3A_59] : memref<16x10240xf32, #tpu.memory_space<vmem_shared>> -> memref<1x640xf32, #tpu.memory_space<vmem_shared>>
      %dma_wait3A_98 = tpu.memref_squeeze %dma_wait3A_97 : memref<1x640xf32, #tpu.memory_space<vmem_shared>> -> memref<640xf32, #tpu.memory_space<vmem_shared>>
      %dma_wait3A_99 = arith.constant 0 : i32
      %dma_wait3A_100 = tpu.memref_slice %arg6[%run_scoped3A_61, %dma_wait3A_99] : memref<16x640xf32, #tpu.memory_space<vmem>> -> memref<1x640xf32, #tpu.memory_space<vmem>>
      %dma_wait3A_101 = tpu.memref_squeeze %dma_wait3A_100 : memref<1x640xf32, #tpu.memory_space<vmem>> -> memref<640xf32, #tpu.memory_space<vmem>>
      %dma_wait3A_102 = tpu.memref_slice %arg8[%run_scoped3A_60, %mul3A_59] : memref<16x10240xf32, #tpu.memory_space<vmem_shared>> -> memref<1x640xf32, #tpu.memory_space<vmem_shared>>
      %dma_wait3A_103 = tpu.memref_squeeze %dma_wait3A_102 : memref<1x640xf32, #tpu.memory_space<vmem_shared>> -> memref<640xf32, #tpu.memory_space<vmem_shared>>
      tpu.wait_dma2 semaphore(%run_scoped3A_85 : memref<!tpu.dma_semaphore, #tpu.memory_space<semaphore_mem>>) src(%dma_wait3A_103 : memref<640xf32, #tpu.memory_space<vmem_shared>>) dst(%dma_wait3A_101 : memref<640xf32, #tpu.memory_space<vmem>>)
      tpu.yield
    }) : () -> ()
    %mul3A_62 = arith.constant 640 : i32
    %mul3A_63 = arith.muli %arg1, %mul3A_62 : i32
    %run_scoped3A_64 = arith.constant 12 : i32
    %run_scoped3A_65 = arith.constant 12 : i32
    "tpu.region"() ({
      %run_scoped3A_85 = tpu.sem_alloc : memref<!tpu.dma_semaphore, #tpu.memory_space<semaphore_mem>>
      %dma_start3A = arith.constant 0 : i32
      %dma_start3A_86 = tpu.memref_slice %arg6[%run_scoped3A_65, %dma_start3A] : memref<16x640xf32, #tpu.memory_space<vmem>> -> memref<1x640xf32, #tpu.memory_space<vmem>>
      %dma_start3A_87 = tpu.memref_squeeze %dma_start3A_86 : memref<1x640xf32, #tpu.memory_space<vmem>> -> memref<640xf32, #tpu.memory_space<vmem>>
      %dma_start3A_88 = tpu.memref_slice %arg8[%run_scoped3A_64, %mul3A_63] : memref<16x10240xf32, #tpu.memory_space<vmem_shared>> -> memref<1x640xf32, #tpu.memory_space<vmem_shared>>
      %dma_start3A_89 = tpu.memref_squeeze %dma_start3A_88 : memref<1x640xf32, #tpu.memory_space<vmem_shared>> -> memref<640xf32, #tpu.memory_space<vmem_shared>>
      %dma_start3A_90 = arith.constant 0 : i32
      %dma_start3A_91 = tpu.memref_slice %arg6[%run_scoped3A_65, %dma_start3A_90] : memref<16x640xf32, #tpu.memory_space<vmem>> -> memref<1x640xf32, #tpu.memory_space<vmem>>
      %dma_start3A_92 = tpu.memref_squeeze %dma_start3A_91 : memref<1x640xf32, #tpu.memory_space<vmem>> -> memref<640xf32, #tpu.memory_space<vmem>>
      %dma_start3A_93 = tpu.memref_slice %arg8[%run_scoped3A_64, %mul3A_63] : memref<16x10240xf32, #tpu.memory_space<vmem_shared>> -> memref<1x640xf32, #tpu.memory_space<vmem_shared>>
      %dma_start3A_94 = tpu.memref_squeeze %dma_start3A_93 : memref<1x640xf32, #tpu.memory_space<vmem_shared>> -> memref<640xf32, #tpu.memory_space<vmem_shared>>
      tpu.enqueue_dma source(%dma_start3A_94 : memref<640xf32, #tpu.memory_space<vmem_shared>>) target(%dma_start3A_92 : memref<640xf32, #tpu.memory_space<vmem>>) target_semaphore(%run_scoped3A_85 : memref<!tpu.dma_semaphore, #tpu.memory_space<semaphore_mem>>)
      %dma_wait3A = arith.constant 0 : i32
      %dma_wait3A_95 = tpu.memref_slice %arg6[%run_scoped3A_65, %dma_wait3A] : memref<16x640xf32, #tpu.memory_space<vmem>> -> memref<1x640xf32, #tpu.memory_space<vmem>>
      %dma_wait3A_96 = tpu.memref_squeeze %dma_wait3A_95 : memref<1x640xf32, #tpu.memory_space<vmem>> -> memref<640xf32, #tpu.memory_space<vmem>>
      %dma_wait3A_97 = tpu.memref_slice %arg8[%run_scoped3A_64, %mul3A_63] : memref<16x10240xf32, #tpu.memory_space<vmem_shared>> -> memref<1x640xf32, #tpu.memory_space<vmem_shared>>
      %dma_wait3A_98 = tpu.memref_squeeze %dma_wait3A_97 : memref<1x640xf32, #tpu.memory_space<vmem_shared>> -> memref<640xf32, #tpu.memory_space<vmem_shared>>
      %dma_wait3A_99 = arith.constant 0 : i32
      %dma_wait3A_100 = tpu.memref_slice %arg6[%run_scoped3A_65, %dma_wait3A_99] : memref<16x640xf32, #tpu.memory_space<vmem>> -> memref<1x640xf32, #tpu.memory_space<vmem>>
      %dma_wait3A_101 = tpu.memref_squeeze %dma_wait3A_100 : memref<1x640xf32, #tpu.memory_space<vmem>> -> memref<640xf32, #tpu.memory_space<vmem>>
      %dma_wait3A_102 = tpu.memref_slice %arg8[%run_scoped3A_64, %mul3A_63] : memref<16x10240xf32, #tpu.memory_space<vmem_shared>> -> memref<1x640xf32, #tpu.memory_space<vmem_shared>>
      %dma_wait3A_103 = tpu.memref_squeeze %dma_wait3A_102 : memref<1x640xf32, #tpu.memory_space<vmem_shared>> -> memref<640xf32, #tpu.memory_space<vmem_shared>>
      tpu.wait_dma2 semaphore(%run_scoped3A_85 : memref<!tpu.dma_semaphore, #tpu.memory_space<semaphore_mem>>) src(%dma_wait3A_103 : memref<640xf32, #tpu.memory_space<vmem_shared>>) dst(%dma_wait3A_101 : memref<640xf32, #tpu.memory_space<vmem>>)
      tpu.yield
    }) : () -> ()
    %mul3A_66 = arith.constant 640 : i32
    %mul3A_67 = arith.muli %arg1, %mul3A_66 : i32
    %run_scoped3A_68 = arith.constant 13 : i32
    %run_scoped3A_69 = arith.constant 13 : i32
    "tpu.region"() ({
      %run_scoped3A_85 = tpu.sem_alloc : memref<!tpu.dma_semaphore, #tpu.memory_space<semaphore_mem>>
      %dma_start3A = arith.constant 0 : i32
      %dma_start3A_86 = tpu.memref_slice %arg6[%run_scoped3A_69, %dma_start3A] : memref<16x640xf32, #tpu.memory_space<vmem>> -> memref<1x640xf32, #tpu.memory_space<vmem>>
      %dma_start3A_87 = tpu.memref_squeeze %dma_start3A_86 : memref<1x640xf32, #tpu.memory_space<vmem>> -> memref<640xf32, #tpu.memory_space<vmem>>
      %dma_start3A_88 = tpu.memref_slice %arg8[%run_scoped3A_68, %mul3A_67] : memref<16x10240xf32, #tpu.memory_space<vmem_shared>> -> memref<1x640xf32, #tpu.memory_space<vmem_shared>>
      %dma_start3A_89 = tpu.memref_squeeze %dma_start3A_88 : memref<1x640xf32, #tpu.memory_space<vmem_shared>> -> memref<640xf32, #tpu.memory_space<vmem_shared>>
      %dma_start3A_90 = arith.constant 0 : i32
      %dma_start3A_91 = tpu.memref_slice %arg6[%run_scoped3A_69, %dma_start3A_90] : memref<16x640xf32, #tpu.memory_space<vmem>> -> memref<1x640xf32, #tpu.memory_space<vmem>>
      %dma_start3A_92 = tpu.memref_squeeze %dma_start3A_91 : memref<1x640xf32, #tpu.memory_space<vmem>> -> memref<640xf32, #tpu.memory_space<vmem>>
      %dma_start3A_93 = tpu.memref_slice %arg8[%run_scoped3A_68, %mul3A_67] : memref<16x10240xf32, #tpu.memory_space<vmem_shared>> -> memref<1x640xf32, #tpu.memory_space<vmem_shared>>
      %dma_start3A_94 = tpu.memref_squeeze %dma_start3A_93 : memref<1x640xf32, #tpu.memory_space<vmem_shared>> -> memref<640xf32, #tpu.memory_space<vmem_shared>>
      tpu.enqueue_dma source(%dma_start3A_94 : memref<640xf32, #tpu.memory_space<vmem_shared>>) target(%dma_start3A_92 : memref<640xf32, #tpu.memory_space<vmem>>) target_semaphore(%run_scoped3A_85 : memref<!tpu.dma_semaphore, #tpu.memory_space<semaphore_mem>>)
      %dma_wait3A = arith.constant 0 : i32
      %dma_wait3A_95 = tpu.memref_slice %arg6[%run_scoped3A_69, %dma_wait3A] : memref<16x640xf32, #tpu.memory_space<vmem>> -> memref<1x640xf32, #tpu.memory_space<vmem>>
      %dma_wait3A_96 = tpu.memref_squeeze %dma_wait3A_95 : memref<1x640xf32, #tpu.memory_space<vmem>> -> memref<640xf32, #tpu.memory_space<vmem>>
      %dma_wait3A_97 = tpu.memref_slice %arg8[%run_scoped3A_68, %mul3A_67] : memref<16x10240xf32, #tpu.memory_space<vmem_shared>> -> memref<1x640xf32, #tpu.memory_space<vmem_shared>>
      %dma_wait3A_98 = tpu.memref_squeeze %dma_wait3A_97 : memref<1x640xf32, #tpu.memory_space<vmem_shared>> -> memref<640xf32, #tpu.memory_space<vmem_shared>>
      %dma_wait3A_99 = arith.constant 0 : i32
      %dma_wait3A_100 = tpu.memref_slice %arg6[%run_scoped3A_69, %dma_wait3A_99] : memref<16x640xf32, #tpu.memory_space<vmem>> -> memref<1x640xf32, #tpu.memory_space<vmem>>
      %dma_wait3A_101 = tpu.memref_squeeze %dma_wait3A_100 : memref<1x640xf32, #tpu.memory_space<vmem>> -> memref<640xf32, #tpu.memory_space<vmem>>
      %dma_wait3A_102 = tpu.memref_slice %arg8[%run_scoped3A_68, %mul3A_67] : memref<16x10240xf32, #tpu.memory_space<vmem_shared>> -> memref<1x640xf32, #tpu.memory_space<vmem_shared>>
      %dma_wait3A_103 = tpu.memref_squeeze %dma_wait3A_102 : memref<1x640xf32, #tpu.memory_space<vmem_shared>> -> memref<640xf32, #tpu.memory_space<vmem_shared>>
      tpu.wait_dma2 semaphore(%run_scoped3A_85 : memref<!tpu.dma_semaphore, #tpu.memory_space<semaphore_mem>>) src(%dma_wait3A_103 : memref<640xf32, #tpu.memory_space<vmem_shared>>) dst(%dma_wait3A_101 : memref<640xf32, #tpu.memory_space<vmem>>)
      tpu.yield
    }) : () -> ()
    %mul3A_70 = arith.constant 640 : i32
    %mul3A_71 = arith.muli %arg1, %mul3A_70 : i32
    %run_scoped3A_72 = arith.constant 14 : i32
    %run_scoped3A_73 = arith.constant 14 : i32
    "tpu.region"() ({
      %run_scoped3A_85 = tpu.sem_alloc : memref<!tpu.dma_semaphore, #tpu.memory_space<semaphore_mem>>
      %dma_start3A = arith.constant 0 : i32
      %dma_start3A_86 = tpu.memref_slice %arg6[%run_scoped3A_73, %dma_start3A] : memref<16x640xf32, #tpu.memory_space<vmem>> -> memref<1x640xf32, #tpu.memory_space<vmem>>
      %dma_start3A_87 = tpu.memref_squeeze %dma_start3A_86 : memref<1x640xf32, #tpu.memory_space<vmem>> -> memref<640xf32, #tpu.memory_space<vmem>>
      %dma_start3A_88 = tpu.memref_slice %arg8[%run_scoped3A_72, %mul3A_71] : memref<16x10240xf32, #tpu.memory_space<vmem_shared>> -> memref<1x640xf32, #tpu.memory_space<vmem_shared>>
      %dma_start3A_89 = tpu.memref_squeeze %dma_start3A_88 : memref<1x640xf32, #tpu.memory_space<vmem_shared>> -> memref<640xf32, #tpu.memory_space<vmem_shared>>
      %dma_start3A_90 = arith.constant 0 : i32
      %dma_start3A_91 = tpu.memref_slice %arg6[%run_scoped3A_73, %dma_start3A_90] : memref<16x640xf32, #tpu.memory_space<vmem>> -> memref<1x640xf32, #tpu.memory_space<vmem>>
      %dma_start3A_92 = tpu.memref_squeeze %dma_start3A_91 : memref<1x640xf32, #tpu.memory_space<vmem>> -> memref<640xf32, #tpu.memory_space<vmem>>
      %dma_start3A_93 = tpu.memref_slice %arg8[%run_scoped3A_72, %mul3A_71] : memref<16x10240xf32, #tpu.memory_space<vmem_shared>> -> memref<1x640xf32, #tpu.memory_space<vmem_shared>>
      %dma_start3A_94 = tpu.memref_squeeze %dma_start3A_93 : memref<1x640xf32, #tpu.memory_space<vmem_shared>> -> memref<640xf32, #tpu.memory_space<vmem_shared>>
      tpu.enqueue_dma source(%dma_start3A_94 : memref<640xf32, #tpu.memory_space<vmem_shared>>) target(%dma_start3A_92 : memref<640xf32, #tpu.memory_space<vmem>>) target_semaphore(%run_scoped3A_85 : memref<!tpu.dma_semaphore, #tpu.memory_space<semaphore_mem>>)
      %dma_wait3A = arith.constant 0 : i32
      %dma_wait3A_95 = tpu.memref_slice %arg6[%run_scoped3A_73, %dma_wait3A] : memref<16x640xf32, #tpu.memory_space<vmem>> -> memref<1x640xf32, #tpu.memory_space<vmem>>
      %dma_wait3A_96 = tpu.memref_squeeze %dma_wait3A_95 : memref<1x640xf32, #tpu.memory_space<vmem>> -> memref<640xf32, #tpu.memory_space<vmem>>
      %dma_wait3A_97 = tpu.memref_slice %arg8[%run_scoped3A_72, %mul3A_71] : memref<16x10240xf32, #tpu.memory_space<vmem_shared>> -> memref<1x640xf32, #tpu.memory_space<vmem_shared>>
      %dma_wait3A_98 = tpu.memref_squeeze %dma_wait3A_97 : memref<1x640xf32, #tpu.memory_space<vmem_shared>> -> memref<640xf32, #tpu.memory_space<vmem_shared>>
      %dma_wait3A_99 = arith.constant 0 : i32
      %dma_wait3A_100 = tpu.memref_slice %arg6[%run_scoped3A_73, %dma_wait3A_99] : memref<16x640xf32, #tpu.memory_space<vmem>> -> memref<1x640xf32, #tpu.memory_space<vmem>>
      %dma_wait3A_101 = tpu.memref_squeeze %dma_wait3A_100 : memref<1x640xf32, #tpu.memory_space<vmem>> -> memref<640xf32, #tpu.memory_space<vmem>>
      %dma_wait3A_102 = tpu.memref_slice %arg8[%run_scoped3A_72, %mul3A_71] : memref<16x10240xf32, #tpu.memory_space<vmem_shared>> -> memref<1x640xf32, #tpu.memory_space<vmem_shared>>
      %dma_wait3A_103 = tpu.memref_squeeze %dma_wait3A_102 : memref<1x640xf32, #tpu.memory_space<vmem_shared>> -> memref<640xf32, #tpu.memory_space<vmem_shared>>
      tpu.wait_dma2 semaphore(%run_scoped3A_85 : memref<!tpu.dma_semaphore, #tpu.memory_space<semaphore_mem>>) src(%dma_wait3A_103 : memref<640xf32, #tpu.memory_space<vmem_shared>>) dst(%dma_wait3A_101 : memref<640xf32, #tpu.memory_space<vmem>>)
      tpu.yield
    }) : () -> ()
    %mul3A_74 = arith.constant 640 : i32
    %mul3A_75 = arith.muli %arg1, %mul3A_74 : i32
    %run_scoped3A_76 = arith.constant 15 : i32
    %run_scoped3A_77 = arith.constant 15 : i32
    "tpu.region"() ({
      %run_scoped3A_85 = tpu.sem_alloc : memref<!tpu.dma_semaphore, #tpu.memory_space<semaphore_mem>>
      %dma_start3A = arith.constant 0 : i32
      %dma_start3A_86 = tpu.memref_slice %arg6[%run_scoped3A_77, %dma_start3A] : memref<16x640xf32, #tpu.memory_space<vmem>> -> memref<1x640xf32, #tpu.memory_space<vmem>>
      %dma_start3A_87 = tpu.memref_squeeze %dma_start3A_86 : memref<1x640xf32, #tpu.memory_space<vmem>> -> memref<640xf32, #tpu.memory_space<vmem>>
      %dma_start3A_88 = tpu.memref_slice %arg8[%run_scoped3A_76, %mul3A_75] : memref<16x10240xf32, #tpu.memory_space<vmem_shared>> -> memref<1x640xf32, #tpu.memory_space<vmem_shared>>
      %dma_start3A_89 = tpu.memref_squeeze %dma_start3A_88 : memref<1x640xf32, #tpu.memory_space<vmem_shared>> -> memref<640xf32, #tpu.memory_space<vmem_shared>>
      %dma_start3A_90 = arith.constant 0 : i32
      %dma_start3A_91 = tpu.memref_slice %arg6[%run_scoped3A_77, %dma_start3A_90] : memref<16x640xf32, #tpu.memory_space<vmem>> -> memref<1x640xf32, #tpu.memory_space<vmem>>
      %dma_start3A_92 = tpu.memref_squeeze %dma_start3A_91 : memref<1x640xf32, #tpu.memory_space<vmem>> -> memref<640xf32, #tpu.memory_space<vmem>>
      %dma_start3A_93 = tpu.memref_slice %arg8[%run_scoped3A_76, %mul3A_75] : memref<16x10240xf32, #tpu.memory_space<vmem_shared>> -> memref<1x640xf32, #tpu.memory_space<vmem_shared>>
      %dma_start3A_94 = tpu.memref_squeeze %dma_start3A_93 : memref<1x640xf32, #tpu.memory_space<vmem_shared>> -> memref<640xf32, #tpu.memory_space<vmem_shared>>
      tpu.enqueue_dma source(%dma_start3A_94 : memref<640xf32, #tpu.memory_space<vmem_shared>>) target(%dma_start3A_92 : memref<640xf32, #tpu.memory_space<vmem>>) target_semaphore(%run_scoped3A_85 : memref<!tpu.dma_semaphore, #tpu.memory_space<semaphore_mem>>)
      %dma_wait3A = arith.constant 0 : i32
      %dma_wait3A_95 = tpu.memref_slice %arg6[%run_scoped3A_77, %dma_wait3A] : memref<16x640xf32, #tpu.memory_space<vmem>> -> memref<1x640xf32, #tpu.memory_space<vmem>>
      %dma_wait3A_96 = tpu.memref_squeeze %dma_wait3A_95 : memref<1x640xf32, #tpu.memory_space<vmem>> -> memref<640xf32, #tpu.memory_space<vmem>>
      %dma_wait3A_97 = tpu.memref_slice %arg8[%run_scoped3A_76, %mul3A_75] : memref<16x10240xf32, #tpu.memory_space<vmem_shared>> -> memref<1x640xf32, #tpu.memory_space<vmem_shared>>
      %dma_wait3A_98 = tpu.memref_squeeze %dma_wait3A_97 : memref<1x640xf32, #tpu.memory_space<vmem_shared>> -> memref<640xf32, #tpu.memory_space<vmem_shared>>
      %dma_wait3A_99 = arith.constant 0 : i32
      %dma_wait3A_100 = tpu.memref_slice %arg6[%run_scoped3A_77, %dma_wait3A_99] : memref<16x640xf32, #tpu.memory_space<vmem>> -> memref<1x640xf32, #tpu.memory_space<vmem>>
      %dma_wait3A_101 = tpu.memref_squeeze %dma_wait3A_100 : memref<1x640xf32, #tpu.memory_space<vmem>> -> memref<640xf32, #tpu.memory_space<vmem>>
      %dma_wait3A_102 = tpu.memref_slice %arg8[%run_scoped3A_76, %mul3A_75] : memref<16x10240xf32, #tpu.memory_space<vmem_shared>> -> memref<1x640xf32, #tpu.memory_space<vmem_shared>>
      %dma_wait3A_103 = tpu.memref_squeeze %dma_wait3A_102 : memref<1x640xf32, #tpu.memory_space<vmem_shared>> -> memref<640xf32, #tpu.memory_space<vmem_shared>>
      tpu.wait_dma2 semaphore(%run_scoped3A_85 : memref<!tpu.dma_semaphore, #tpu.memory_space<semaphore_mem>>) src(%dma_wait3A_103 : memref<640xf32, #tpu.memory_space<vmem_shared>>) dst(%dma_wait3A_101 : memref<640xf32, #tpu.memory_space<vmem>>)
      tpu.yield
    }) : () -> ()
    %scan3A_78 = arith.constant 0 : i32
    %scan3A_79 = arith.constant 40 : i32
    %scan3A_80 = arith.addi %scan3A_78, %scan3A_79 : i32
    %scan3A_81 = arith.constant 1 : i32
    scf.for %scan3A_85 = %scan3A_78 to %scan3A_80 step %scan3A_81  : i32 {
      %mul3A_86 = arith.constant 16 : i32
      %mul3A_87 = arith.muli %scan3A_85, %mul3A_86 : i32
      %add3A_88 = arith.constant 0 : i32
      %add3A_89 = arith.addi %add3A_88, %mul3A_87 : i32
      %get3A = arith.constant 0 : i32
      %get3A_90 = arith.index_cast %get3A : i32 to index
      %get3A_91 = arith.index_cast %add3A_89 : i32 to index
      %get3A_92 = tpu.vector_load %arg6[%get3A_90, %get3A_91] {strides = array<i32>} : memref<16x640xf32, #tpu.memory_space<vmem>>, vector<16xf32>,
      %get3A_93 = arith.constant 1 : i32
      %get3A_94 = arith.index_cast %get3A_93 : i32 to index
      %get3A_95 = arith.index_cast %add3A_89 : i32 to index
      %get3A_96 = tpu.vector_load %arg6[%get3A_94, %get3A_95] {strides = array<i32>} : memref<16x640xf32, #tpu.memory_space<vmem>>, vector<16xf32>,
      %add3A_97 = arith.addf %get3A_92, %get3A_96 : vector<16xf32>
      %get3A_98 = arith.constant 2 : i32
      %get3A_99 = arith.index_cast %get3A_98 : i32 to index
      %get3A_100 = arith.index_cast %add3A_89 : i32 to index
      %get3A_101 = tpu.vector_load %arg6[%get3A_99, %get3A_100] {strides = array<i32>} : memref<16x640xf32, #tpu.memory_space<vmem>>, vector<16xf32>,
      %add3A_102 = arith.addf %add3A_97, %get3A_101 : vector<16xf32>
      %get3A_103 = arith.constant 3 : i32
      %get3A_104 = arith.index_cast %get3A_103 : i32 to index
      %get3A_105 = arith.index_cast %add3A_89 : i32 to index
      %get3A_106 = tpu.vector_load %arg6[%get3A_104, %get3A_105] {strides = array<i32>} : memref<16x640xf32, #tpu.memory_space<vmem>>, vector<16xf32>,
      %add3A_107 = arith.addf %add3A_102, %get3A_106 : vector<16xf32>
      %get3A_108 = arith.constant 4 : i32
      %get3A_109 = arith.index_cast %get3A_108 : i32 to index
      %get3A_110 = arith.index_cast %add3A_89 : i32 to index
      %get3A_111 = tpu.vector_load %arg6[%get3A_109, %get3A_110] {strides = array<i32>} : memref<16x640xf32, #tpu.memory_space<vmem>>, vector<16xf32>,
      %add3A_112 = arith.addf %add3A_107, %get3A_111 : vector<16xf32>
      %get3A_113 = arith.constant 5 : i32
      %get3A_114 = arith.index_cast %get3A_113 : i32 to index
      %get3A_115 = arith.index_cast %add3A_89 : i32 to index
      %get3A_116 = tpu.vector_load %arg6[%get3A_114, %get3A_115] {strides = array<i32>} : memref<16x640xf32, #tpu.memory_space<vmem>>, vector<16xf32>,
      %add3A_117 = arith.addf %add3A_112, %get3A_116 : vector<16xf32>
      %get3A_118 = arith.constant 6 : i32
      %get3A_119 = arith.index_cast %get3A_118 : i32 to index
      %get3A_120 = arith.index_cast %add3A_89 : i32 to index
      %get3A_121 = tpu.vector_load %arg6[%get3A_119, %get3A_120] {strides = array<i32>} : memref<16x640xf32, #tpu.memory_space<vmem>>, vector<16xf32>,
      %add3A_122 = arith.addf %add3A_117, %get3A_121 : vector<16xf32>
      %get3A_123 = arith.constant 7 : i32
      %get3A_124 = arith.index_cast %get3A_123 : i32 to index
      %get3A_125 = arith.index_cast %add3A_89 : i32 to index
      %get3A_126 = tpu.vector_load %arg6[%get3A_124, %get3A_125] {strides = array<i32>} : memref<16x640xf32, #tpu.memory_space<vmem>>, vector<16xf32>,
      %add3A_127 = arith.addf %add3A_122, %get3A_126 : vector<16xf32>
      %get3A_128 = arith.constant 8 : i32
      %get3A_129 = arith.index_cast %get3A_128 : i32 to index
      %get3A_130 = arith.index_cast %add3A_89 : i32 to index
      %get3A_131 = tpu.vector_load %arg6[%get3A_129, %get3A_130] {strides = array<i32>} : memref<16x640xf32, #tpu.memory_space<vmem>>, vector<16xf32>,
      %add3A_132 = arith.addf %add3A_127, %get3A_131 : vector<16xf32>
      %get3A_133 = arith.constant 9 : i32
      %get3A_134 = arith.index_cast %get3A_133 : i32 to index
      %get3A_135 = arith.index_cast %add3A_89 : i32 to index
      %get3A_136 = tpu.vector_load %arg6[%get3A_134, %get3A_135] {strides = array<i32>} : memref<16x640xf32, #tpu.memory_space<vmem>>, vector<16xf32>,
      %add3A_137 = arith.addf %add3A_132, %get3A_136 : vector<16xf32>
      %get3A_138 = arith.constant 10 : i32
      %get3A_139 = arith.index_cast %get3A_138 : i32 to index
      %get3A_140 = arith.index_cast %add3A_89 : i32 to index
      %get3A_141 = tpu.vector_load %arg6[%get3A_139, %get3A_140] {strides = array<i32>} : memref<16x640xf32, #tpu.memory_space<vmem>>, vector<16xf32>,
      %add3A_142 = arith.addf %add3A_137, %get3A_141 : vector<16xf32>
      %get3A_143 = arith.constant 11 : i32
      %get3A_144 = arith.index_cast %get3A_143 : i32 to index
      %get3A_145 = arith.index_cast %add3A_89 : i32 to index
      %get3A_146 = tpu.vector_load %arg6[%get3A_144, %get3A_145] {strides = array<i32>} : memref<16x640xf32, #tpu.memory_space<vmem>>, vector<16xf32>,
      %add3A_147 = arith.addf %add3A_142, %get3A_146 : vector<16xf32>
      %get3A_148 = arith.constant 12 : i32
      %get3A_149 = arith.index_cast %get3A_148 : i32 to index
      %get3A_150 = arith.index_cast %add3A_89 : i32 to index
      %get3A_151 = tpu.vector_load %arg6[%get3A_149, %get3A_150] {strides = array<i32>} : memref<16x640xf32, #tpu.memory_space<vmem>>, vector<16xf32>,
      %add3A_152 = arith.addf %add3A_147, %get3A_151 : vector<16xf32>
      %get3A_153 = arith.constant 13 : i32
      %get3A_154 = arith.index_cast %get3A_153 : i32 to index
      %get3A_155 = arith.index_cast %add3A_89 : i32 to index
      %get3A_156 = tpu.vector_load %arg6[%get3A_154, %get3A_155] {strides = array<i32>} : memref<16x640xf32, #tpu.memory_space<vmem>>, vector<16xf32>,
      %add3A_157 = arith.addf %add3A_152, %get3A_156 : vector<16xf32>
      %get3A_158 = arith.constant 14 : i32
      %get3A_159 = arith.index_cast %get3A_158 : i32 to index
      %get3A_160 = arith.index_cast %add3A_89 : i32 to index
      %get3A_161 = tpu.vector_load %arg6[%get3A_159, %get3A_160] {strides = array<i32>} : memref<16x640xf32, #tpu.memory_space<vmem>>, vector<16xf32>,
      %add3A_162 = arith.addf %add3A_157, %get3A_161 : vector<16xf32>
      %get3A_163 = arith.constant 15 : i32
      %get3A_164 = arith.index_cast %get3A_163 : i32 to index
      %get3A_165 = arith.index_cast %add3A_89 : i32 to index
      %get3A_166 = tpu.vector_load %arg6[%get3A_164, %get3A_165] {strides = array<i32>} : memref<16x640xf32, #tpu.memory_space<vmem>>, vector<16xf32>,
      %add3A_167 = arith.addf %add3A_162, %get3A_166 : vector<16xf32>
      %swap3A = arith.index_cast %add3A_89 : i32 to index
      %swap3A_168 = tpu.vector_load %arg7[%swap3A] {strides = array<i32>} : memref<640xf32, #tpu.memory_space<vmem>>, vector<16xf32>,
      tpu.vector_store %arg7[%swap3A], %add3A_167 {strides = array<i32>} : memref<640xf32, #tpu.memory_space<vmem>>, vector<16xf32>,
    }
    %scan3A_82 = arith.constant 40 : i32
    %mul3A_83 = arith.constant 640 : i32
    %mul3A_84 = arith.muli %arg1, %mul3A_83 : i32
    "tpu.region"() ({
      %run_scoped3A_85 = tpu.sem_alloc : memref<!tpu.dma_semaphore, #tpu.memory_space<semaphore_mem>>
      %dma_start3A = tpu.memref_slice %arg3[%arg0, %mul3A_84] : memref<2x10240xf32, #tpu.memory_space<hbm>> -> memref<1x640xf32, #tpu.memory_space<hbm>>
      %dma_start3A_86 = tpu.memref_squeeze %dma_start3A : memref<1x640xf32, #tpu.memory_space<hbm>> -> memref<640xf32, #tpu.memory_space<hbm>>
      %dma_start3A_87 = tpu.memref_slice %arg3[%arg0, %mul3A_84] : memref<2x10240xf32, #tpu.memory_space<hbm>> -> memref<1x640xf32, #tpu.memory_space<hbm>>
      %dma_start3A_88 = tpu.memref_squeeze %dma_start3A_87 : memref<1x640xf32, #tpu.memory_space<hbm>> -> memref<640xf32, #tpu.memory_space<hbm>>
      tpu.enqueue_dma source(%arg7 : memref<640xf32, #tpu.memory_space<vmem>>) target(%dma_start3A_88 : memref<640xf32, #tpu.memory_space<hbm>>) target_semaphore(%run_scoped3A_85 : memref<!tpu.dma_semaphore, #tpu.memory_space<semaphore_mem>>)
      %dma_wait3A = tpu.memref_slice %arg3[%arg0, %mul3A_84] : memref<2x10240xf32, #tpu.memory_space<hbm>> -> memref<1x640xf32, #tpu.memory_space<hbm>>
      %dma_wait3A_89 = tpu.memref_squeeze %dma_wait3A : memref<1x640xf32, #tpu.memory_space<hbm>> -> memref<640xf32, #tpu.memory_space<hbm>>
      %dma_wait3A_90 = tpu.memref_slice %arg3[%arg0, %mul3A_84] : memref<2x10240xf32, #tpu.memory_space<hbm>> -> memref<1x640xf32, #tpu.memory_space<hbm>>
      %dma_wait3A_91 = tpu.memref_squeeze %dma_wait3A_90 : memref<1x640xf32, #tpu.memory_space<hbm>> -> memref<640xf32, #tpu.memory_space<hbm>>
      tpu.wait_dma2 semaphore(%run_scoped3A_85 : memref<!tpu.dma_semaphore, #tpu.memory_space<semaphore_mem>>) src(%arg7 : memref<640xf32, #tpu.memory_space<vmem>>) dst(%dma_wait3A_91 : memref<640xf32, #tpu.memory_space<hbm>>)
      tpu.yield
    }) : () -> ()
    return
  }
}

#map = affine_map<(d0, d1) -> (0, 0)>
#map1 = affine_map<(d0, d1) -> (0, 0, 0, 0)>
module attributes {stable_mosaic.version = 14 : i64} {
  func.func @edge_pass(%arg0: i32, %arg1: i32, %arg2: memref<10240x128xbf16, #tpu.memory_space<hbm>>, %arg3: memref<2560x128xi32, #tpu.memory_space<hbm>>, %arg4: memref<2560x128xi32, #tpu.memory_space<hbm>>, %arg5: memref<10240x128xbf16, #tpu.memory_space<hbm>>, %arg6: memref<2x2x10240x128xbf16, #tpu.memory_space<hbm>>, %arg7: memref<40x128xi32, #tpu.memory_space<vmem>>, %arg8: memref<40x128xi32, #tpu.memory_space<vmem>>, %arg9: memref<128x128xbf16, #tpu.memory_space<vmem>>, %arg10: memref<128x128xbf16, #tpu.memory_space<vmem>>, %arg11: memref<128x128xbf16, #tpu.memory_space<vmem>>, %arg12: memref<128x128xbf16, #tpu.memory_space<vmem>>, %arg13: memref<!tpu.dma_semaphore, #tpu.memory_space<semaphore_mem>>, %arg14: memref<!tpu.dma_semaphore, #tpu.memory_space<semaphore_mem>>, %arg15: memref<!tpu.dma_semaphore, #tpu.memory_space<semaphore_mem>>, %arg16: memref<!tpu.dma_semaphore, #tpu.memory_space<semaphore_mem>>, %arg17: memref<!tpu.dma_semaphore, #tpu.memory_space<semaphore_mem>>, %arg18: memref<!tpu.dma_semaphore, #tpu.memory_space<semaphore_mem>>, %arg19: memref<!tpu.dma_semaphore, #tpu.memory_space<semaphore_mem>>, %arg20: memref<!tpu.dma_semaphore, #tpu.memory_space<semaphore_mem>>, %arg21: memref<10240x128xbf16, #tpu.memory_space<vmem_shared>>, %arg22: memref<10240x128xbf16, #tpu.memory_space<vmem_shared>>) attributes {dimension_semantics = [#tpu.dimension_semantics<core_parallel>, #tpu.dimension_semantics<subcore_parallel>], iteration_bounds = array<i64: 2, 16>, scalar_prefetch = 0 : i64, scratch_operands = 16 : i64, tpu.core_type = #tpu.core_type<sc_vector_subcore>, window_params = [{transform_indices = #map}, {transform_indices = #map}, {transform_indices = #map}, {transform_indices = #map}, {transform_indices = #map1}]} {
    %mul3A = arith.constant 16 : i32
    %mul3A_0 = arith.muli %arg0, %mul3A : i32
    %add3A = arith.addi %mul3A_0, %arg1 : i32
    %mul3A_1 = arith.constant 640 : i32
    %mul3A_2 = arith.muli %arg1, %mul3A_1 : i32
    %mul3A_3 = arith.constant 640 : i32
    %mul3A_4 = arith.muli %arg1, %mul3A_3 : i32
    "tpu.region"() ({
      %run_scoped3A_25 = tpu.sem_alloc : memref<!tpu.dma_semaphore, #tpu.memory_space<semaphore_mem>>
      %dma_start3A = arith.constant 0 : i32
      %dma_start3A_26 = tpu.memref_slice %arg21[%mul3A_4, %dma_start3A] : memref<10240x128xbf16, #tpu.memory_space<vmem_shared>> -> memref<640x128xbf16, #tpu.memory_space<vmem_shared>>
      %dma_start3A_27 = arith.constant 0 : i32
      %dma_start3A_28 = tpu.memref_slice %arg5[%mul3A_2, %dma_start3A_27] : memref<10240x128xbf16, #tpu.memory_space<hbm>> -> memref<640x128xbf16, #tpu.memory_space<hbm>>
      tpu.enqueue_dma source(%dma_start3A_28 : memref<640x128xbf16, #tpu.memory_space<hbm>>) target(%dma_start3A_26 : memref<640x128xbf16, #tpu.memory_space<vmem_shared>>) target_semaphore(%run_scoped3A_25 : memref<!tpu.dma_semaphore, #tpu.memory_space<semaphore_mem>>)
      %dma_wait3A = arith.constant 0 : i32
      %dma_wait3A_29 = tpu.memref_slice %arg21[%mul3A_4, %dma_wait3A] : memref<10240x128xbf16, #tpu.memory_space<vmem_shared>> -> memref<640x128xbf16, #tpu.memory_space<vmem_shared>>
      %dma_wait3A_30 = arith.constant 0 : i32
      %dma_wait3A_31 = tpu.memref_slice %arg5[%mul3A_2, %dma_wait3A_30] : memref<10240x128xbf16, #tpu.memory_space<hbm>> -> memref<640x128xbf16, #tpu.memory_space<hbm>>
      tpu.wait_dma2 semaphore(%run_scoped3A_25 : memref<!tpu.dma_semaphore, #tpu.memory_space<semaphore_mem>>) src(%dma_wait3A_31 : memref<640x128xbf16, #tpu.memory_space<hbm>>) dst(%dma_wait3A_29 : memref<640x128xbf16, #tpu.memory_space<vmem_shared>>)
      tpu.yield
    }) : () -> ()
    %mul3A_5 = arith.constant 640 : i32
    %mul3A_6 = arith.muli %arg1, %mul3A_5 : i32
    %mul3A_7 = arith.constant 640 : i32
    %mul3A_8 = arith.muli %arg1, %mul3A_7 : i32
    "tpu.region"() ({
      %run_scoped3A_25 = tpu.sem_alloc : memref<!tpu.dma_semaphore, #tpu.memory_space<semaphore_mem>>
      %dma_start3A = arith.constant 0 : i32
      %dma_start3A_26 = tpu.memref_slice %arg22[%mul3A_8, %dma_start3A] : memref<10240x128xbf16, #tpu.memory_space<vmem_shared>> -> memref<640x128xbf16, #tpu.memory_space<vmem_shared>>
      %dma_start3A_27 = arith.constant 0 : i32
      %dma_start3A_28 = tpu.memref_slice %arg5[%mul3A_6, %dma_start3A_27] : memref<10240x128xbf16, #tpu.memory_space<hbm>> -> memref<640x128xbf16, #tpu.memory_space<hbm>>
      tpu.enqueue_dma source(%dma_start3A_28 : memref<640x128xbf16, #tpu.memory_space<hbm>>) target(%dma_start3A_26 : memref<640x128xbf16, #tpu.memory_space<vmem_shared>>) target_semaphore(%run_scoped3A_25 : memref<!tpu.dma_semaphore, #tpu.memory_space<semaphore_mem>>)
      %dma_wait3A = arith.constant 0 : i32
      %dma_wait3A_29 = tpu.memref_slice %arg22[%mul3A_8, %dma_wait3A] : memref<10240x128xbf16, #tpu.memory_space<vmem_shared>> -> memref<640x128xbf16, #tpu.memory_space<vmem_shared>>
      %dma_wait3A_30 = arith.constant 0 : i32
      %dma_wait3A_31 = tpu.memref_slice %arg5[%mul3A_6, %dma_wait3A_30] : memref<10240x128xbf16, #tpu.memory_space<hbm>> -> memref<640x128xbf16, #tpu.memory_space<hbm>>
      tpu.wait_dma2 semaphore(%run_scoped3A_25 : memref<!tpu.dma_semaphore, #tpu.memory_space<semaphore_mem>>) src(%dma_wait3A_31 : memref<640x128xbf16, #tpu.memory_space<hbm>>) dst(%dma_wait3A_29 : memref<640x128xbf16, #tpu.memory_space<vmem_shared>>)
      tpu.yield
    }) : () -> ()
    %barrier3A = arith.constant 0 : index
    tpu.barrier barrier_id(%barrier3A)
    %mul3A_9 = arith.constant 80 : i32
    %mul3A_10 = arith.muli %add3A, %mul3A_9 : i32
    %scan3A = arith.constant 0 : i32
    %scan3A_11 = arith.constant 2 : i32
    %scan3A_12 = arith.addi %scan3A, %scan3A_11 : i32
    %scan3A_13 = arith.constant 1 : i32
    scf.for %scan3A_25 = %scan3A to %scan3A_12 step %scan3A_13  : i32 {
      %mul3A_26 = arith.constant 1 : i32
      %mul3A_27 = arith.muli %scan3A_25, %mul3A_26 : i32
      %add3A_28 = arith.constant 0 : i32
      %add3A_29 = arith.addi %add3A_28, %mul3A_27 : i32
      %mul3A_30 = arith.constant 40 : i32
      %mul3A_31 = arith.muli %add3A_29, %mul3A_30 : i32
      %add3A_32 = arith.addi %mul3A_10, %mul3A_31 : i32
      "tpu.region"() ({
        %run_scoped3A_148 = tpu.sem_alloc : memref<!tpu.dma_semaphore, #tpu.memory_space<semaphore_mem>>
        %dma_start3A_149 = arith.constant 0 : i32
        %dma_start3A_150 = tpu.memref_slice %arg3[%add3A_32, %dma_start3A_149] : memref<2560x128xi32, #tpu.memory_space<hbm>> -> memref<40x128xi32, #tpu.memory_space<hbm>>
        %dma_start3A_151 = arith.constant 0 : i32
        %dma_start3A_152 = tpu.memref_slice %arg3[%add3A_32, %dma_start3A_151] : memref<2560x128xi32, #tpu.memory_space<hbm>> -> memref<40x128xi32, #tpu.memory_space<hbm>>
        tpu.enqueue_dma source(%dma_start3A_152 : memref<40x128xi32, #tpu.memory_space<hbm>>) target(%arg7 : memref<40x128xi32, #tpu.memory_space<vmem>>) target_semaphore(%run_scoped3A_148 : memref<!tpu.dma_semaphore, #tpu.memory_space<semaphore_mem>>)
        %dma_wait3A_153 = arith.constant 0 : i32
        %dma_wait3A_154 = tpu.memref_slice %arg3[%add3A_32, %dma_wait3A_153] : memref<2560x128xi32, #tpu.memory_space<hbm>> -> memref<40x128xi32, #tpu.memory_space<hbm>>
        %dma_wait3A_155 = arith.constant 0 : i32
        %dma_wait3A_156 = tpu.memref_slice %arg3[%add3A_32, %dma_wait3A_155] : memref<2560x128xi32, #tpu.memory_space<hbm>> -> memref<40x128xi32, #tpu.memory_space<hbm>>
        tpu.wait_dma2 semaphore(%run_scoped3A_148 : memref<!tpu.dma_semaphore, #tpu.memory_space<semaphore_mem>>) src(%dma_wait3A_156 : memref<40x128xi32, #tpu.memory_space<hbm>>) dst(%arg7 : memref<40x128xi32, #tpu.memory_space<vmem>>)
        tpu.yield
      }) : () -> ()
      "tpu.region"() ({
        %run_scoped3A_148 = tpu.sem_alloc : memref<!tpu.dma_semaphore, #tpu.memory_space<semaphore_mem>>
        %dma_start3A_149 = arith.constant 0 : i32
        %dma_start3A_150 = tpu.memref_slice %arg4[%add3A_32, %dma_start3A_149] : memref<2560x128xi32, #tpu.memory_space<hbm>> -> memref<40x128xi32, #tpu.memory_space<hbm>>
        %dma_start3A_151 = arith.constant 0 : i32
        %dma_start3A_152 = tpu.memref_slice %arg4[%add3A_32, %dma_start3A_151] : memref<2560x128xi32, #tpu.memory_space<hbm>> -> memref<40x128xi32, #tpu.memory_space<hbm>>
        tpu.enqueue_dma source(%dma_start3A_152 : memref<40x128xi32, #tpu.memory_space<hbm>>) target(%arg8 : memref<40x128xi32, #tpu.memory_space<vmem>>) target_semaphore(%run_scoped3A_148 : memref<!tpu.dma_semaphore, #tpu.memory_space<semaphore_mem>>)
        %dma_wait3A_153 = arith.constant 0 : i32
        %dma_wait3A_154 = tpu.memref_slice %arg4[%add3A_32, %dma_wait3A_153] : memref<2560x128xi32, #tpu.memory_space<hbm>> -> memref<40x128xi32, #tpu.memory_space<hbm>>
        %dma_wait3A_155 = arith.constant 0 : i32
        %dma_wait3A_156 = tpu.memref_slice %arg4[%add3A_32, %dma_wait3A_155] : memref<2560x128xi32, #tpu.memory_space<hbm>> -> memref<40x128xi32, #tpu.memory_space<hbm>>
        tpu.wait_dma2 semaphore(%run_scoped3A_148 : memref<!tpu.dma_semaphore, #tpu.memory_space<semaphore_mem>>) src(%dma_wait3A_156 : memref<40x128xi32, #tpu.memory_space<hbm>>) dst(%arg8 : memref<40x128xi32, #tpu.memory_space<vmem>>)
        tpu.yield
      }) : () -> ()
      %dma_start3A = arith.constant 0 : i32
      %dma_start3A_33 = arith.constant 0 : i32
      %dma_start3A_34 = tpu.memref_slice %arg7[%dma_start3A, %dma_start3A_33] : memref<40x128xi32, #tpu.memory_space<vmem>> -> memref<1x128xi32, #tpu.memory_space<vmem>>
      %dma_start3A_35 = tpu.memref_squeeze %dma_start3A_34 : memref<1x128xi32, #tpu.memory_space<vmem>> -> memref<128xi32, #tpu.memory_space<vmem>>
      %dma_start3A_36 = arith.constant 0 : i32
      %dma_start3A_37 = arith.constant 0 : i32
      %dma_start3A_38 = tpu.memref_slice %arg2[%dma_start3A_36, %dma_start3A_37] : memref<10240x128xbf16, #tpu.memory_space<hbm>> -> memref<10240x128xbf16, #tpu.memory_space<hbm>>
      tpu.enqueue_indirect_dma source(%dma_start3A_38 : memref<10240x128xbf16, #tpu.memory_space<hbm>>) target(%arg9 : memref<128x128xbf16, #tpu.memory_space<vmem>>) offsets(%dma_start3A_35 : memref<128xi32, #tpu.memory_space<vmem>>) semaphore(%arg13 : memref<!tpu.dma_semaphore, #tpu.memory_space<semaphore_mem>>)
      %dma_start3A_39 = arith.constant 1 : i32
      %dma_start3A_40 = arith.constant 0 : i32
      %dma_start3A_41 = tpu.memref_slice %arg7[%dma_start3A_39, %dma_start3A_40] : memref<40x128xi32, #tpu.memory_space<vmem>> -> memref<1x128xi32, #tpu.memory_space<vmem>>
      %dma_start3A_42 = tpu.memref_squeeze %dma_start3A_41 : memref<1x128xi32, #tpu.memory_space<vmem>> -> memref<128xi32, #tpu.memory_space<vmem>>
      %dma_start3A_43 = arith.constant 0 : i32
      %dma_start3A_44 = arith.constant 0 : i32
      %dma_start3A_45 = tpu.memref_slice %arg2[%dma_start3A_43, %dma_start3A_44] : memref<10240x128xbf16, #tpu.memory_space<hbm>> -> memref<10240x128xbf16, #tpu.memory_space<hbm>>
      tpu.enqueue_indirect_dma source(%dma_start3A_45 : memref<10240x128xbf16, #tpu.memory_space<hbm>>) target(%arg10 : memref<128x128xbf16, #tpu.memory_space<vmem>>) offsets(%dma_start3A_42 : memref<128xi32, #tpu.memory_space<vmem>>) semaphore(%arg14 : memref<!tpu.dma_semaphore, #tpu.memory_space<semaphore_mem>>)
      %dma_start3A_46 = arith.constant 2 : i32
      %dma_start3A_47 = arith.constant 0 : i32
      %dma_start3A_48 = tpu.memref_slice %arg7[%dma_start3A_46, %dma_start3A_47] : memref<40x128xi32, #tpu.memory_space<vmem>> -> memref<1x128xi32, #tpu.memory_space<vmem>>
      %dma_start3A_49 = tpu.memref_squeeze %dma_start3A_48 : memref<1x128xi32, #tpu.memory_space<vmem>> -> memref<128xi32, #tpu.memory_space<vmem>>
      %dma_start3A_50 = arith.constant 0 : i32
      %dma_start3A_51 = arith.constant 0 : i32
      %dma_start3A_52 = tpu.memref_slice %arg2[%dma_start3A_50, %dma_start3A_51] : memref<10240x128xbf16, #tpu.memory_space<hbm>> -> memref<10240x128xbf16, #tpu.memory_space<hbm>>
      tpu.enqueue_indirect_dma source(%dma_start3A_52 : memref<10240x128xbf16, #tpu.memory_space<hbm>>) target(%arg11 : memref<128x128xbf16, #tpu.memory_space<vmem>>) offsets(%dma_start3A_49 : memref<128xi32, #tpu.memory_space<vmem>>) semaphore(%arg15 : memref<!tpu.dma_semaphore, #tpu.memory_space<semaphore_mem>>)
      %dma_start3A_53 = arith.constant 3 : i32
      %dma_start3A_54 = arith.constant 0 : i32
      %dma_start3A_55 = tpu.memref_slice %arg7[%dma_start3A_53, %dma_start3A_54] : memref<40x128xi32, #tpu.memory_space<vmem>> -> memref<1x128xi32, #tpu.memory_space<vmem>>
      %dma_start3A_56 = tpu.memref_squeeze %dma_start3A_55 : memref<1x128xi32, #tpu.memory_space<vmem>> -> memref<128xi32, #tpu.memory_space<vmem>>
      %dma_start3A_57 = arith.constant 0 : i32
      %dma_start3A_58 = arith.constant 0 : i32
      %dma_start3A_59 = tpu.memref_slice %arg2[%dma_start3A_57, %dma_start3A_58] : memref<10240x128xbf16, #tpu.memory_space<hbm>> -> memref<10240x128xbf16, #tpu.memory_space<hbm>>
      tpu.enqueue_indirect_dma source(%dma_start3A_59 : memref<10240x128xbf16, #tpu.memory_space<hbm>>) target(%arg12 : memref<128x128xbf16, #tpu.memory_space<vmem>>) offsets(%dma_start3A_56 : memref<128xi32, #tpu.memory_space<vmem>>) semaphore(%arg16 : memref<!tpu.dma_semaphore, #tpu.memory_space<semaphore_mem>>)
      %scan3A_60 = arith.constant 0 : i32
      %scan3A_61 = arith.constant 9 : i32
      %scan3A_62 = arith.addi %scan3A_60, %scan3A_61 : i32
      %scan3A_63 = arith.constant 1 : i32
      scf.for %scan3A_148 = %scan3A_60 to %scan3A_62 step %scan3A_63  : i32 {
        %mul3A_149 = arith.constant 4 : i32
        %mul3A_150 = arith.muli %scan3A_148, %mul3A_149 : i32
        %add3A_151 = arith.constant 0 : i32
        %add3A_152 = arith.addi %add3A_151, %mul3A_150 : i32
        %add3A_153 = arith.constant 0 : i32
        %add3A_154 = arith.addi %add3A_152, %add3A_153 : i32
        %dma_wait3A_155 = arith.constant 0 : i32
        %dma_wait3A_156 = tpu.memref_slice %arg7[%add3A_154, %dma_wait3A_155] : memref<40x128xi32, #tpu.memory_space<vmem>> -> memref<1x128xi32, #tpu.memory_space<vmem>>
        %dma_wait3A_157 = tpu.memref_squeeze %dma_wait3A_156 : memref<1x128xi32, #tpu.memory_space<vmem>> -> memref<128xi32, #tpu.memory_space<vmem>>
        %dma_wait3A_158 = arith.constant 0 : i32
        %dma_wait3A_159 = arith.constant 0 : i32
        %dma_wait3A_160 = tpu.memref_slice %arg2[%dma_wait3A_158, %dma_wait3A_159] : memref<10240x128xbf16, #tpu.memory_space<hbm>> -> memref<10240x128xbf16, #tpu.memory_space<hbm>>
        tpu.wait_indirect_dma semaphore(%arg13 : memref<!tpu.dma_semaphore, #tpu.memory_space<semaphore_mem>>) src(%dma_wait3A_160 : memref<10240x128xbf16, #tpu.memory_space<hbm>>) dst(%arg9 : memref<128x128xbf16, #tpu.memory_space<vmem>>)
        %add3A_161 = arith.constant 0 : i32
        %add3A_162 = arith.addi %add3A_152, %add3A_161 : i32
        %dma_start3A_163 = arith.constant 0 : i32
        %dma_start3A_164 = tpu.memref_slice %arg8[%add3A_162, %dma_start3A_163] : memref<40x128xi32, #tpu.memory_space<vmem>> -> memref<1x128xi32, #tpu.memory_space<vmem>>
        %dma_start3A_165 = tpu.memref_squeeze %dma_start3A_164 : memref<1x128xi32, #tpu.memory_space<vmem>> -> memref<128xi32, #tpu.memory_space<vmem>>
        %dma_start3A_166 = arith.constant 0 : i32
        %dma_start3A_167 = arith.constant 0 : i32
        %dma_start3A_168 = tpu.memref_slice %arg21[%dma_start3A_166, %dma_start3A_167] : memref<10240x128xbf16, #tpu.memory_space<vmem_shared>> -> memref<10240x128xbf16, #tpu.memory_space<vmem_shared>>
        tpu.enqueue_indirect_dma source(%arg9 : memref<128x128xbf16, #tpu.memory_space<vmem>>) target(%dma_start3A_168 : memref<10240x128xbf16, #tpu.memory_space<vmem_shared>>) offsets(%dma_start3A_165 : memref<128xi32, #tpu.memory_space<vmem>>) semaphore(%arg17 : memref<!tpu.dma_semaphore, #tpu.memory_space<semaphore_mem>>) {add = true}
        %add3A_169 = arith.constant 1 : i32
        %add3A_170 = arith.addi %add3A_152, %add3A_169 : i32
        %dma_wait3A_171 = arith.constant 0 : i32
        %dma_wait3A_172 = tpu.memref_slice %arg7[%add3A_170, %dma_wait3A_171] : memref<40x128xi32, #tpu.memory_space<vmem>> -> memref<1x128xi32, #tpu.memory_space<vmem>>
        %dma_wait3A_173 = tpu.memref_squeeze %dma_wait3A_172 : memref<1x128xi32, #tpu.memory_space<vmem>> -> memref<128xi32, #tpu.memory_space<vmem>>
        %dma_wait3A_174 = arith.constant 0 : i32
        %dma_wait3A_175 = arith.constant 0 : i32
        %dma_wait3A_176 = tpu.memref_slice %arg2[%dma_wait3A_174, %dma_wait3A_175] : memref<10240x128xbf16, #tpu.memory_space<hbm>> -> memref<10240x128xbf16, #tpu.memory_space<hbm>>
        tpu.wait_indirect_dma semaphore(%arg14 : memref<!tpu.dma_semaphore, #tpu.memory_space<semaphore_mem>>) src(%dma_wait3A_176 : memref<10240x128xbf16, #tpu.memory_space<hbm>>) dst(%arg10 : memref<128x128xbf16, #tpu.memory_space<vmem>>)
        %add3A_177 = arith.constant 1 : i32
        %add3A_178 = arith.addi %add3A_152, %add3A_177 : i32
        %dma_start3A_179 = arith.constant 0 : i32
        %dma_start3A_180 = tpu.memref_slice %arg8[%add3A_178, %dma_start3A_179] : memref<40x128xi32, #tpu.memory_space<vmem>> -> memref<1x128xi32, #tpu.memory_space<vmem>>
        %dma_start3A_181 = tpu.memref_squeeze %dma_start3A_180 : memref<1x128xi32, #tpu.memory_space<vmem>> -> memref<128xi32, #tpu.memory_space<vmem>>
        %dma_start3A_182 = arith.constant 0 : i32
        %dma_start3A_183 = arith.constant 0 : i32
        %dma_start3A_184 = tpu.memref_slice %arg22[%dma_start3A_182, %dma_start3A_183] : memref<10240x128xbf16, #tpu.memory_space<vmem_shared>> -> memref<10240x128xbf16, #tpu.memory_space<vmem_shared>>
        tpu.enqueue_indirect_dma source(%arg10 : memref<128x128xbf16, #tpu.memory_space<vmem>>) target(%dma_start3A_184 : memref<10240x128xbf16, #tpu.memory_space<vmem_shared>>) offsets(%dma_start3A_181 : memref<128xi32, #tpu.memory_space<vmem>>) semaphore(%arg18 : memref<!tpu.dma_semaphore, #tpu.memory_space<semaphore_mem>>) {add = true}
        %add3A_185 = arith.constant 2 : i32
        %add3A_186 = arith.addi %add3A_152, %add3A_185 : i32
        %dma_wait3A_187 = arith.constant 0 : i32
        %dma_wait3A_188 = tpu.memref_slice %arg7[%add3A_186, %dma_wait3A_187] : memref<40x128xi32, #tpu.memory_space<vmem>> -> memref<1x128xi32, #tpu.memory_space<vmem>>
        %dma_wait3A_189 = tpu.memref_squeeze %dma_wait3A_188 : memref<1x128xi32, #tpu.memory_space<vmem>> -> memref<128xi32, #tpu.memory_space<vmem>>
        %dma_wait3A_190 = arith.constant 0 : i32
        %dma_wait3A_191 = arith.constant 0 : i32
        %dma_wait3A_192 = tpu.memref_slice %arg2[%dma_wait3A_190, %dma_wait3A_191] : memref<10240x128xbf16, #tpu.memory_space<hbm>> -> memref<10240x128xbf16, #tpu.memory_space<hbm>>
        tpu.wait_indirect_dma semaphore(%arg15 : memref<!tpu.dma_semaphore, #tpu.memory_space<semaphore_mem>>) src(%dma_wait3A_192 : memref<10240x128xbf16, #tpu.memory_space<hbm>>) dst(%arg11 : memref<128x128xbf16, #tpu.memory_space<vmem>>)
        %add3A_193 = arith.constant 2 : i32
        %add3A_194 = arith.addi %add3A_152, %add3A_193 : i32
        %dma_start3A_195 = arith.constant 0 : i32
        %dma_start3A_196 = tpu.memref_slice %arg8[%add3A_194, %dma_start3A_195] : memref<40x128xi32, #tpu.memory_space<vmem>> -> memref<1x128xi32, #tpu.memory_space<vmem>>
        %dma_start3A_197 = tpu.memref_squeeze %dma_start3A_196 : memref<1x128xi32, #tpu.memory_space<vmem>> -> memref<128xi32, #tpu.memory_space<vmem>>
        %dma_start3A_198 = arith.constant 0 : i32
        %dma_start3A_199 = arith.constant 0 : i32
        %dma_start3A_200 = tpu.memref_slice %arg21[%dma_start3A_198, %dma_start3A_199] : memref<10240x128xbf16, #tpu.memory_space<vmem_shared>> -> memref<10240x128xbf16, #tpu.memory_space<vmem_shared>>
        tpu.enqueue_indirect_dma source(%arg11 : memref<128x128xbf16, #tpu.memory_space<vmem>>) target(%dma_start3A_200 : memref<10240x128xbf16, #tpu.memory_space<vmem_shared>>) offsets(%dma_start3A_197 : memref<128xi32, #tpu.memory_space<vmem>>) semaphore(%arg19 : memref<!tpu.dma_semaphore, #tpu.memory_space<semaphore_mem>>) {add = true}
        %add3A_201 = arith.constant 3 : i32
        %add3A_202 = arith.addi %add3A_152, %add3A_201 : i32
        %dma_wait3A_203 = arith.constant 0 : i32
        %dma_wait3A_204 = tpu.memref_slice %arg7[%add3A_202, %dma_wait3A_203] : memref<40x128xi32, #tpu.memory_space<vmem>> -> memref<1x128xi32, #tpu.memory_space<vmem>>
        %dma_wait3A_205 = tpu.memref_squeeze %dma_wait3A_204 : memref<1x128xi32, #tpu.memory_space<vmem>> -> memref<128xi32, #tpu.memory_space<vmem>>
        %dma_wait3A_206 = arith.constant 0 : i32
        %dma_wait3A_207 = arith.constant 0 : i32
        %dma_wait3A_208 = tpu.memref_slice %arg2[%dma_wait3A_206, %dma_wait3A_207] : memref<10240x128xbf16, #tpu.memory_space<hbm>> -> memref<10240x128xbf16, #tpu.memory_space<hbm>>
        tpu.wait_indirect_dma semaphore(%arg16 : memref<!tpu.dma_semaphore, #tpu.memory_space<semaphore_mem>>) src(%dma_wait3A_208 : memref<10240x128xbf16, #tpu.memory_space<hbm>>) dst(%arg12 : memref<128x128xbf16, #tpu.memory_space<vmem>>)
        %add3A_209 = arith.constant 3 : i32
        %add3A_210 = arith.addi %add3A_152, %add3A_209 : i32
        %dma_start3A_211 = arith.constant 0 : i32
        %dma_start3A_212 = tpu.memref_slice %arg8[%add3A_210, %dma_start3A_211] : memref<40x128xi32, #tpu.memory_space<vmem>> -> memref<1x128xi32, #tpu.memory_space<vmem>>
        %dma_start3A_213 = tpu.memref_squeeze %dma_start3A_212 : memref<1x128xi32, #tpu.memory_space<vmem>> -> memref<128xi32, #tpu.memory_space<vmem>>
        %dma_start3A_214 = arith.constant 0 : i32
        %dma_start3A_215 = arith.constant 0 : i32
        %dma_start3A_216 = tpu.memref_slice %arg22[%dma_start3A_214, %dma_start3A_215] : memref<10240x128xbf16, #tpu.memory_space<vmem_shared>> -> memref<10240x128xbf16, #tpu.memory_space<vmem_shared>>
        tpu.enqueue_indirect_dma source(%arg12 : memref<128x128xbf16, #tpu.memory_space<vmem>>) target(%dma_start3A_216 : memref<10240x128xbf16, #tpu.memory_space<vmem_shared>>) offsets(%dma_start3A_213 : memref<128xi32, #tpu.memory_space<vmem>>) semaphore(%arg20 : memref<!tpu.dma_semaphore, #tpu.memory_space<semaphore_mem>>) {add = true}
        %add3A_217 = arith.constant 0 : i32
        %add3A_218 = arith.addi %add3A_152, %add3A_217 : i32
        %dma_wait3A_219 = arith.constant 0 : i32
        %dma_wait3A_220 = tpu.memref_slice %arg8[%add3A_218, %dma_wait3A_219] : memref<40x128xi32, #tpu.memory_space<vmem>> -> memref<1x128xi32, #tpu.memory_space<vmem>>
        %dma_wait3A_221 = tpu.memref_squeeze %dma_wait3A_220 : memref<1x128xi32, #tpu.memory_space<vmem>> -> memref<128xi32, #tpu.memory_space<vmem>>
        %dma_wait3A_222 = arith.constant 0 : i32
        %dma_wait3A_223 = arith.constant 0 : i32
        %dma_wait3A_224 = tpu.memref_slice %arg21[%dma_wait3A_222, %dma_wait3A_223] : memref<10240x128xbf16, #tpu.memory_space<vmem_shared>> -> memref<10240x128xbf16, #tpu.memory_space<vmem_shared>>
        tpu.wait_indirect_dma semaphore(%arg17 : memref<!tpu.dma_semaphore, #tpu.memory_space<semaphore_mem>>) src(%arg9 : memref<128x128xbf16, #tpu.memory_space<vmem>>) dst(%dma_wait3A_224 : memref<10240x128xbf16, #tpu.memory_space<vmem_shared>>)
        %add3A_225 = arith.constant 4 : i32
        %add3A_226 = arith.addi %add3A_152, %add3A_225 : i32
        %add3A_227 = arith.constant 0 : i32
        %add3A_228 = arith.addi %add3A_226, %add3A_227 : i32
        %dma_start3A_229 = arith.constant 0 : i32
        %dma_start3A_230 = tpu.memref_slice %arg7[%add3A_228, %dma_start3A_229] : memref<40x128xi32, #tpu.memory_space<vmem>> -> memref<1x128xi32, #tpu.memory_space<vmem>>
        %dma_start3A_231 = tpu.memref_squeeze %dma_start3A_230 : memref<1x128xi32, #tpu.memory_space<vmem>> -> memref<128xi32, #tpu.memory_space<vmem>>
        %dma_start3A_232 = arith.constant 0 : i32
        %dma_start3A_233 = arith.constant 0 : i32
        %dma_start3A_234 = tpu.memref_slice %arg2[%dma_start3A_232, %dma_start3A_233] : memref<10240x128xbf16, #tpu.memory_space<hbm>> -> memref<10240x128xbf16, #tpu.memory_space<hbm>>
        tpu.enqueue_indirect_dma source(%dma_start3A_234 : memref<10240x128xbf16, #tpu.memory_space<hbm>>) target(%arg9 : memref<128x128xbf16, #tpu.memory_space<vmem>>) offsets(%dma_start3A_231 : memref<128xi32, #tpu.memory_space<vmem>>) semaphore(%arg13 : memref<!tpu.dma_semaphore, #tpu.memory_space<semaphore_mem>>)
        %add3A_235 = arith.constant 1 : i32
        %add3A_236 = arith.addi %add3A_152, %add3A_235 : i32
        %dma_wait3A_237 = arith.constant 0 : i32
        %dma_wait3A_238 = tpu.memref_slice %arg8[%add3A_236, %dma_wait3A_237] : memref<40x128xi32, #tpu.memory_space<vmem>> -> memref<1x128xi32, #tpu.memory_space<vmem>>
        %dma_wait3A_239 = tpu.memref_squeeze %dma_wait3A_238 : memref<1x128xi32, #tpu.memory_space<vmem>> -> memref<128xi32, #tpu.memory_space<vmem>>
        %dma_wait3A_240 = arith.constant 0 : i32
        %dma_wait3A_241 = arith.constant 0 : i32
        %dma_wait3A_242 = tpu.memref_slice %arg22[%dma_wait3A_240, %dma_wait3A_241] : memref<10240x128xbf16, #tpu.memory_space<vmem_shared>> -> memref<10240x128xbf16, #tpu.memory_space<vmem_shared>>
        tpu.wait_indirect_dma semaphore(%arg18 : memref<!tpu.dma_semaphore, #tpu.memory_space<semaphore_mem>>) src(%arg10 : memref<128x128xbf16, #tpu.memory_space<vmem>>) dst(%dma_wait3A_242 : memref<10240x128xbf16, #tpu.memory_space<vmem_shared>>)
        %add3A_243 = arith.constant 4 : i32
        %add3A_244 = arith.addi %add3A_152, %add3A_243 : i32
        %add3A_245 = arith.constant 1 : i32
        %add3A_246 = arith.addi %add3A_244, %add3A_245 : i32
        %dma_start3A_247 = arith.constant 0 : i32
        %dma_start3A_248 = tpu.memref_slice %arg7[%add3A_246, %dma_start3A_247] : memref<40x128xi32, #tpu.memory_space<vmem>> -> memref<1x128xi32, #tpu.memory_space<vmem>>
        %dma_start3A_249 = tpu.memref_squeeze %dma_start3A_248 : memref<1x128xi32, #tpu.memory_space<vmem>> -> memref<128xi32, #tpu.memory_space<vmem>>
        %dma_start3A_250 = arith.constant 0 : i32
        %dma_start3A_251 = arith.constant 0 : i32
        %dma_start3A_252 = tpu.memref_slice %arg2[%dma_start3A_250, %dma_start3A_251] : memref<10240x128xbf16, #tpu.memory_space<hbm>> -> memref<10240x128xbf16, #tpu.memory_space<hbm>>
        tpu.enqueue_indirect_dma source(%dma_start3A_252 : memref<10240x128xbf16, #tpu.memory_space<hbm>>) target(%arg10 : memref<128x128xbf16, #tpu.memory_space<vmem>>) offsets(%dma_start3A_249 : memref<128xi32, #tpu.memory_space<vmem>>) semaphore(%arg14 : memref<!tpu.dma_semaphore, #tpu.memory_space<semaphore_mem>>)
        %add3A_253 = arith.constant 2 : i32
        %add3A_254 = arith.addi %add3A_152, %add3A_253 : i32
        %dma_wait3A_255 = arith.constant 0 : i32
        %dma_wait3A_256 = tpu.memref_slice %arg8[%add3A_254, %dma_wait3A_255] : memref<40x128xi32, #tpu.memory_space<vmem>> -> memref<1x128xi32, #tpu.memory_space<vmem>>
        %dma_wait3A_257 = tpu.memref_squeeze %dma_wait3A_256 : memref<1x128xi32, #tpu.memory_space<vmem>> -> memref<128xi32, #tpu.memory_space<vmem>>
        %dma_wait3A_258 = arith.constant 0 : i32
        %dma_wait3A_259 = arith.constant 0 : i32
        %dma_wait3A_260 = tpu.memref_slice %arg21[%dma_wait3A_258, %dma_wait3A_259] : memref<10240x128xbf16, #tpu.memory_space<vmem_shared>> -> memref<10240x128xbf16, #tpu.memory_space<vmem_shared>>
        tpu.wait_indirect_dma semaphore(%arg19 : memref<!tpu.dma_semaphore, #tpu.memory_space<semaphore_mem>>) src(%arg11 : memref<128x128xbf16, #tpu.memory_space<vmem>>) dst(%dma_wait3A_260 : memref<10240x128xbf16, #tpu.memory_space<vmem_shared>>)
        %add3A_261 = arith.constant 4 : i32
        %add3A_262 = arith.addi %add3A_152, %add3A_261 : i32
        %add3A_263 = arith.constant 2 : i32
        %add3A_264 = arith.addi %add3A_262, %add3A_263 : i32
        %dma_start3A_265 = arith.constant 0 : i32
        %dma_start3A_266 = tpu.memref_slice %arg7[%add3A_264, %dma_start3A_265] : memref<40x128xi32, #tpu.memory_space<vmem>> -> memref<1x128xi32, #tpu.memory_space<vmem>>
        %dma_start3A_267 = tpu.memref_squeeze %dma_start3A_266 : memref<1x128xi32, #tpu.memory_space<vmem>> -> memref<128xi32, #tpu.memory_space<vmem>>
        %dma_start3A_268 = arith.constant 0 : i32
        %dma_start3A_269 = arith.constant 0 : i32
        %dma_start3A_270 = tpu.memref_slice %arg2[%dma_start3A_268, %dma_start3A_269] : memref<10240x128xbf16, #tpu.memory_space<hbm>> -> memref<10240x128xbf16, #tpu.memory_space<hbm>>
        tpu.enqueue_indirect_dma source(%dma_start3A_270 : memref<10240x128xbf16, #tpu.memory_space<hbm>>) target(%arg11 : memref<128x128xbf16, #tpu.memory_space<vmem>>) offsets(%dma_start3A_267 : memref<128xi32, #tpu.memory_space<vmem>>) semaphore(%arg15 : memref<!tpu.dma_semaphore, #tpu.memory_space<semaphore_mem>>)
        %add3A_271 = arith.constant 3 : i32
        %add3A_272 = arith.addi %add3A_152, %add3A_271 : i32
        %dma_wait3A_273 = arith.constant 0 : i32
        %dma_wait3A_274 = tpu.memref_slice %arg8[%add3A_272, %dma_wait3A_273] : memref<40x128xi32, #tpu.memory_space<vmem>> -> memref<1x128xi32, #tpu.memory_space<vmem>>
        %dma_wait3A_275 = tpu.memref_squeeze %dma_wait3A_274 : memref<1x128xi32, #tpu.memory_space<vmem>> -> memref<128xi32, #tpu.memory_space<vmem>>
        %dma_wait3A_276 = arith.constant 0 : i32
        %dma_wait3A_277 = arith.constant 0 : i32
        %dma_wait3A_278 = tpu.memref_slice %arg22[%dma_wait3A_276, %dma_wait3A_277] : memref<10240x128xbf16, #tpu.memory_space<vmem_shared>> -> memref<10240x128xbf16, #tpu.memory_space<vmem_shared>>
        tpu.wait_indirect_dma semaphore(%arg20 : memref<!tpu.dma_semaphore, #tpu.memory_space<semaphore_mem>>) src(%arg12 : memref<128x128xbf16, #tpu.memory_space<vmem>>) dst(%dma_wait3A_278 : memref<10240x128xbf16, #tpu.memory_space<vmem_shared>>)
        %add3A_279 = arith.constant 4 : i32
        %add3A_280 = arith.addi %add3A_152, %add3A_279 : i32
        %add3A_281 = arith.constant 3 : i32
        %add3A_282 = arith.addi %add3A_280, %add3A_281 : i32
        %dma_start3A_283 = arith.constant 0 : i32
        %dma_start3A_284 = tpu.memref_slice %arg7[%add3A_282, %dma_start3A_283] : memref<40x128xi32, #tpu.memory_space<vmem>> -> memref<1x128xi32, #tpu.memory_space<vmem>>
        %dma_start3A_285 = tpu.memref_squeeze %dma_start3A_284 : memref<1x128xi32, #tpu.memory_space<vmem>> -> memref<128xi32, #tpu.memory_space<vmem>>
        %dma_start3A_286 = arith.constant 0 : i32
        %dma_start3A_287 = arith.constant 0 : i32
        %dma_start3A_288 = tpu.memref_slice %arg2[%dma_start3A_286, %dma_start3A_287] : memref<10240x128xbf16, #tpu.memory_space<hbm>> -> memref<10240x128xbf16, #tpu.memory_space<hbm>>
        tpu.enqueue_indirect_dma source(%dma_start3A_288 : memref<10240x128xbf16, #tpu.memory_space<hbm>>) target(%arg12 : memref<128x128xbf16, #tpu.memory_space<vmem>>) offsets(%dma_start3A_285 : memref<128xi32, #tpu.memory_space<vmem>>) semaphore(%arg16 : memref<!tpu.dma_semaphore, #tpu.memory_space<semaphore_mem>>)
      }
      %scan3A_64 = arith.constant 9 : i32
      %dma_wait3A = arith.constant 36 : i32
      %dma_wait3A_65 = arith.constant 0 : i32
      %dma_wait3A_66 = tpu.memref_slice %arg7[%dma_wait3A, %dma_wait3A_65] : memref<40x128xi32, #tpu.memory_space<vmem>> -> memref<1x128xi32, #tpu.memory_space<vmem>>
      %dma_wait3A_67 = tpu.memref_squeeze %dma_wait3A_66 : memref<1x128xi32, #tpu.memory_space<vmem>> -> memref<128xi32, #tpu.memory_space<vmem>>
      %dma_wait3A_68 = arith.constant 0 : i32
      %dma_wait3A_69 = arith.constant 0 : i32
      %dma_wait3A_70 = tpu.memref_slice %arg2[%dma_wait3A_68, %dma_wait3A_69] : memref<10240x128xbf16, #tpu.memory_space<hbm>> -> memref<10240x128xbf16, #tpu.memory_space<hbm>>
      tpu.wait_indirect_dma semaphore(%arg13 : memref<!tpu.dma_semaphore, #tpu.memory_space<semaphore_mem>>) src(%dma_wait3A_70 : memref<10240x128xbf16, #tpu.memory_space<hbm>>) dst(%arg9 : memref<128x128xbf16, #tpu.memory_space<vmem>>)
      %dma_start3A_71 = arith.constant 36 : i32
      %dma_start3A_72 = arith.constant 0 : i32
      %dma_start3A_73 = tpu.memref_slice %arg8[%dma_start3A_71, %dma_start3A_72] : memref<40x128xi32, #tpu.memory_space<vmem>> -> memref<1x128xi32, #tpu.memory_space<vmem>>
      %dma_start3A_74 = tpu.memref_squeeze %dma_start3A_73 : memref<1x128xi32, #tpu.memory_space<vmem>> -> memref<128xi32, #tpu.memory_space<vmem>>
      %dma_start3A_75 = arith.constant 0 : i32
      %dma_start3A_76 = arith.constant 0 : i32
      %dma_start3A_77 = tpu.memref_slice %arg21[%dma_start3A_75, %dma_start3A_76] : memref<10240x128xbf16, #tpu.memory_space<vmem_shared>> -> memref<10240x128xbf16, #tpu.memory_space<vmem_shared>>
      tpu.enqueue_indirect_dma source(%arg9 : memref<128x128xbf16, #tpu.memory_space<vmem>>) target(%dma_start3A_77 : memref<10240x128xbf16, #tpu.memory_space<vmem_shared>>) offsets(%dma_start3A_74 : memref<128xi32, #tpu.memory_space<vmem>>) semaphore(%arg17 : memref<!tpu.dma_semaphore, #tpu.memory_space<semaphore_mem>>) {add = true}
      %dma_wait3A_78 = arith.constant 37 : i32
      %dma_wait3A_79 = arith.constant 0 : i32
      %dma_wait3A_80 = tpu.memref_slice %arg7[%dma_wait3A_78, %dma_wait3A_79] : memref<40x128xi32, #tpu.memory_space<vmem>> -> memref<1x128xi32, #tpu.memory_space<vmem>>
      %dma_wait3A_81 = tpu.memref_squeeze %dma_wait3A_80 : memref<1x128xi32, #tpu.memory_space<vmem>> -> memref<128xi32, #tpu.memory_space<vmem>>
      %dma_wait3A_82 = arith.constant 0 : i32
      %dma_wait3A_83 = arith.constant 0 : i32
      %dma_wait3A_84 = tpu.memref_slice %arg2[%dma_wait3A_82, %dma_wait3A_83] : memref<10240x128xbf16, #tpu.memory_space<hbm>> -> memref<10240x128xbf16, #tpu.memory_space<hbm>>
      tpu.wait_indirect_dma semaphore(%arg14 : memref<!tpu.dma_semaphore, #tpu.memory_space<semaphore_mem>>) src(%dma_wait3A_84 : memref<10240x128xbf16, #tpu.memory_space<hbm>>) dst(%arg10 : memref<128x128xbf16, #tpu.memory_space<vmem>>)
      %dma_start3A_85 = arith.constant 37 : i32
      %dma_start3A_86 = arith.constant 0 : i32
      %dma_start3A_87 = tpu.memref_slice %arg8[%dma_start3A_85, %dma_start3A_86] : memref<40x128xi32, #tpu.memory_space<vmem>> -> memref<1x128xi32, #tpu.memory_space<vmem>>
      %dma_start3A_88 = tpu.memref_squeeze %dma_start3A_87 : memref<1x128xi32, #tpu.memory_space<vmem>> -> memref<128xi32, #tpu.memory_space<vmem>>
      %dma_start3A_89 = arith.constant 0 : i32
      %dma_start3A_90 = arith.constant 0 : i32
      %dma_start3A_91 = tpu.memref_slice %arg22[%dma_start3A_89, %dma_start3A_90] : memref<10240x128xbf16, #tpu.memory_space<vmem_shared>> -> memref<10240x128xbf16, #tpu.memory_space<vmem_shared>>
      tpu.enqueue_indirect_dma source(%arg10 : memref<128x128xbf16, #tpu.memory_space<vmem>>) target(%dma_start3A_91 : memref<10240x128xbf16, #tpu.memory_space<vmem_shared>>) offsets(%dma_start3A_88 : memref<128xi32, #tpu.memory_space<vmem>>) semaphore(%arg18 : memref<!tpu.dma_semaphore, #tpu.memory_space<semaphore_mem>>) {add = true}
      %dma_wait3A_92 = arith.constant 38 : i32
      %dma_wait3A_93 = arith.constant 0 : i32
      %dma_wait3A_94 = tpu.memref_slice %arg7[%dma_wait3A_92, %dma_wait3A_93] : memref<40x128xi32, #tpu.memory_space<vmem>> -> memref<1x128xi32, #tpu.memory_space<vmem>>
      %dma_wait3A_95 = tpu.memref_squeeze %dma_wait3A_94 : memref<1x128xi32, #tpu.memory_space<vmem>> -> memref<128xi32, #tpu.memory_space<vmem>>
      %dma_wait3A_96 = arith.constant 0 : i32
      %dma_wait3A_97 = arith.constant 0 : i32
      %dma_wait3A_98 = tpu.memref_slice %arg2[%dma_wait3A_96, %dma_wait3A_97] : memref<10240x128xbf16, #tpu.memory_space<hbm>> -> memref<10240x128xbf16, #tpu.memory_space<hbm>>
      tpu.wait_indirect_dma semaphore(%arg15 : memref<!tpu.dma_semaphore, #tpu.memory_space<semaphore_mem>>) src(%dma_wait3A_98 : memref<10240x128xbf16, #tpu.memory_space<hbm>>) dst(%arg11 : memref<128x128xbf16, #tpu.memory_space<vmem>>)
      %dma_start3A_99 = arith.constant 38 : i32
      %dma_start3A_100 = arith.constant 0 : i32
      %dma_start3A_101 = tpu.memref_slice %arg8[%dma_start3A_99, %dma_start3A_100] : memref<40x128xi32, #tpu.memory_space<vmem>> -> memref<1x128xi32, #tpu.memory_space<vmem>>
      %dma_start3A_102 = tpu.memref_squeeze %dma_start3A_101 : memref<1x128xi32, #tpu.memory_space<vmem>> -> memref<128xi32, #tpu.memory_space<vmem>>
      %dma_start3A_103 = arith.constant 0 : i32
      %dma_start3A_104 = arith.constant 0 : i32
      %dma_start3A_105 = tpu.memref_slice %arg21[%dma_start3A_103, %dma_start3A_104] : memref<10240x128xbf16, #tpu.memory_space<vmem_shared>> -> memref<10240x128xbf16, #tpu.memory_space<vmem_shared>>
      tpu.enqueue_indirect_dma source(%arg11 : memref<128x128xbf16, #tpu.memory_space<vmem>>) target(%dma_start3A_105 : memref<10240x128xbf16, #tpu.memory_space<vmem_shared>>) offsets(%dma_start3A_102 : memref<128xi32, #tpu.memory_space<vmem>>) semaphore(%arg19 : memref<!tpu.dma_semaphore, #tpu.memory_space<semaphore_mem>>) {add = true}
      %dma_wait3A_106 = arith.constant 39 : i32
      %dma_wait3A_107 = arith.constant 0 : i32
      %dma_wait3A_108 = tpu.memref_slice %arg7[%dma_wait3A_106, %dma_wait3A_107] : memref<40x128xi32, #tpu.memory_space<vmem>> -> memref<1x128xi32, #tpu.memory_space<vmem>>
      %dma_wait3A_109 = tpu.memref_squeeze %dma_wait3A_108 : memref<1x128xi32, #tpu.memory_space<vmem>> -> memref<128xi32, #tpu.memory_space<vmem>>
      %dma_wait3A_110 = arith.constant 0 : i32
      %dma_wait3A_111 = arith.constant 0 : i32
      %dma_wait3A_112 = tpu.memref_slice %arg2[%dma_wait3A_110, %dma_wait3A_111] : memref<10240x128xbf16, #tpu.memory_space<hbm>> -> memref<10240x128xbf16, #tpu.memory_space<hbm>>
      tpu.wait_indirect_dma semaphore(%arg16 : memref<!tpu.dma_semaphore, #tpu.memory_space<semaphore_mem>>) src(%dma_wait3A_112 : memref<10240x128xbf16, #tpu.memory_space<hbm>>) dst(%arg12 : memref<128x128xbf16, #tpu.memory_space<vmem>>)
      %dma_start3A_113 = arith.constant 39 : i32
      %dma_start3A_114 = arith.constant 0 : i32
      %dma_start3A_115 = tpu.memref_slice %arg8[%dma_start3A_113, %dma_start3A_114] : memref<40x128xi32, #tpu.memory_space<vmem>> -> memref<1x128xi32, #tpu.memory_space<vmem>>
      %dma_start3A_116 = tpu.memref_squeeze %dma_start3A_115 : memref<1x128xi32, #tpu.memory_space<vmem>> -> memref<128xi32, #tpu.memory_space<vmem>>
      %dma_start3A_117 = arith.constant 0 : i32
      %dma_start3A_118 = arith.constant 0 : i32
      %dma_start3A_119 = tpu.memref_slice %arg22[%dma_start3A_117, %dma_start3A_118] : memref<10240x128xbf16, #tpu.memory_space<vmem_shared>> -> memref<10240x128xbf16, #tpu.memory_space<vmem_shared>>
      tpu.enqueue_indirect_dma source(%arg12 : memref<128x128xbf16, #tpu.memory_space<vmem>>) target(%dma_start3A_119 : memref<10240x128xbf16, #tpu.memory_space<vmem_shared>>) offsets(%dma_start3A_116 : memref<128xi32, #tpu.memory_space<vmem>>) semaphore(%arg20 : memref<!tpu.dma_semaphore, #tpu.memory_space<semaphore_mem>>) {add = true}
      %dma_wait3A_120 = arith.constant 36 : i32
      %dma_wait3A_121 = arith.constant 0 : i32
      %dma_wait3A_122 = tpu.memref_slice %arg8[%dma_wait3A_120, %dma_wait3A_121] : memref<40x128xi32, #tpu.memory_space<vmem>> -> memref<1x128xi32, #tpu.memory_space<vmem>>
      %dma_wait3A_123 = tpu.memref_squeeze %dma_wait3A_122 : memref<1x128xi32, #tpu.memory_space<vmem>> -> memref<128xi32, #tpu.memory_space<vmem>>
      %dma_wait3A_124 = arith.constant 0 : i32
      %dma_wait3A_125 = arith.constant 0 : i32
      %dma_wait3A_126 = tpu.memref_slice %arg21[%dma_wait3A_124, %dma_wait3A_125] : memref<10240x128xbf16, #tpu.memory_space<vmem_shared>> -> memref<10240x128xbf16, #tpu.memory_space<vmem_shared>>
      tpu.wait_indirect_dma semaphore(%arg17 : memref<!tpu.dma_semaphore, #tpu.memory_space<semaphore_mem>>) src(%arg9 : memref<128x128xbf16, #tpu.memory_space<vmem>>) dst(%dma_wait3A_126 : memref<10240x128xbf16, #tpu.memory_space<vmem_shared>>)
      %dma_wait3A_127 = arith.constant 37 : i32
      %dma_wait3A_128 = arith.constant 0 : i32
      %dma_wait3A_129 = tpu.memref_slice %arg8[%dma_wait3A_127, %dma_wait3A_128] : memref<40x128xi32, #tpu.memory_space<vmem>> -> memref<1x128xi32, #tpu.memory_space<vmem>>
      %dma_wait3A_130 = tpu.memref_squeeze %dma_wait3A_129 : memref<1x128xi32, #tpu.memory_space<vmem>> -> memref<128xi32, #tpu.memory_space<vmem>>
      %dma_wait3A_131 = arith.constant 0 : i32
      %dma_wait3A_132 = arith.constant 0 : i32
      %dma_wait3A_133 = tpu.memref_slice %arg22[%dma_wait3A_131, %dma_wait3A_132] : memref<10240x128xbf16, #tpu.memory_space<vmem_shared>> -> memref<10240x128xbf16, #tpu.memory_space<vmem_shared>>
      tpu.wait_indirect_dma semaphore(%arg18 : memref<!tpu.dma_semaphore, #tpu.memory_space<semaphore_mem>>) src(%arg10 : memref<128x128xbf16, #tpu.memory_space<vmem>>) dst(%dma_wait3A_133 : memref<10240x128xbf16, #tpu.memory_space<vmem_shared>>)
      %dma_wait3A_134 = arith.constant 38 : i32
      %dma_wait3A_135 = arith.constant 0 : i32
      %dma_wait3A_136 = tpu.memref_slice %arg8[%dma_wait3A_134, %dma_wait3A_135] : memref<40x128xi32, #tpu.memory_space<vmem>> -> memref<1x128xi32, #tpu.memory_space<vmem>>
      %dma_wait3A_137 = tpu.memref_squeeze %dma_wait3A_136 : memref<1x128xi32, #tpu.memory_space<vmem>> -> memref<128xi32, #tpu.memory_space<vmem>>
      %dma_wait3A_138 = arith.constant 0 : i32
      %dma_wait3A_139 = arith.constant 0 : i32
      %dma_wait3A_140 = tpu.memref_slice %arg21[%dma_wait3A_138, %dma_wait3A_139] : memref<10240x128xbf16, #tpu.memory_space<vmem_shared>> -> memref<10240x128xbf16, #tpu.memory_space<vmem_shared>>
      tpu.wait_indirect_dma semaphore(%arg19 : memref<!tpu.dma_semaphore, #tpu.memory_space<semaphore_mem>>) src(%arg11 : memref<128x128xbf16, #tpu.memory_space<vmem>>) dst(%dma_wait3A_140 : memref<10240x128xbf16, #tpu.memory_space<vmem_shared>>)
      %dma_wait3A_141 = arith.constant 39 : i32
      %dma_wait3A_142 = arith.constant 0 : i32
      %dma_wait3A_143 = tpu.memref_slice %arg8[%dma_wait3A_141, %dma_wait3A_142] : memref<40x128xi32, #tpu.memory_space<vmem>> -> memref<1x128xi32, #tpu.memory_space<vmem>>
      %dma_wait3A_144 = tpu.memref_squeeze %dma_wait3A_143 : memref<1x128xi32, #tpu.memory_space<vmem>> -> memref<128xi32, #tpu.memory_space<vmem>>
      %dma_wait3A_145 = arith.constant 0 : i32
      %dma_wait3A_146 = arith.constant 0 : i32
      %dma_wait3A_147 = tpu.memref_slice %arg22[%dma_wait3A_145, %dma_wait3A_146] : memref<10240x128xbf16, #tpu.memory_space<vmem_shared>> -> memref<10240x128xbf16, #tpu.memory_space<vmem_shared>>
      tpu.wait_indirect_dma semaphore(%arg20 : memref<!tpu.dma_semaphore, #tpu.memory_space<semaphore_mem>>) src(%arg12 : memref<128x128xbf16, #tpu.memory_space<vmem>>) dst(%dma_wait3A_147 : memref<10240x128xbf16, #tpu.memory_space<vmem_shared>>)
    }
    %scan3A_14 = arith.constant 2 : i32
    %barrier3A_15 = arith.constant 0 : index
    tpu.barrier barrier_id(%barrier3A_15)
    %mul3A_16 = arith.constant 640 : i32
    %mul3A_17 = arith.muli %arg1, %mul3A_16 : i32
    %mul3A_18 = arith.constant 640 : i32
    %mul3A_19 = arith.muli %arg1, %mul3A_18 : i32
    %run_scoped3A = arith.constant 0 : i32
    "tpu.region"() ({
      %run_scoped3A_25 = tpu.sem_alloc : memref<!tpu.dma_semaphore, #tpu.memory_space<semaphore_mem>>
      %dma_start3A = arith.constant 0 : i32
      %dma_start3A_26 = tpu.memref_slice %arg6[%arg0, %run_scoped3A, %mul3A_19, %dma_start3A] : memref<2x2x10240x128xbf16, #tpu.memory_space<hbm>> -> memref<1x1x640x128xbf16, #tpu.memory_space<hbm>>
      %dma_start3A_27 = tpu.memref_squeeze %dma_start3A_26 : memref<1x1x640x128xbf16, #tpu.memory_space<hbm>> -> memref<640x128xbf16, #tpu.memory_space<hbm>>
      %dma_start3A_28 = arith.constant 0 : i32
      %dma_start3A_29 = tpu.memref_slice %arg21[%mul3A_17, %dma_start3A_28] : memref<10240x128xbf16, #tpu.memory_space<vmem_shared>> -> memref<640x128xbf16, #tpu.memory_space<vmem_shared>>
      tpu.enqueue_dma source(%dma_start3A_29 : memref<640x128xbf16, #tpu.memory_space<vmem_shared>>) target(%dma_start3A_27 : memref<640x128xbf16, #tpu.memory_space<hbm>>) target_semaphore(%run_scoped3A_25 : memref<!tpu.dma_semaphore, #tpu.memory_space<semaphore_mem>>)
      %dma_wait3A = arith.constant 0 : i32
      %dma_wait3A_30 = tpu.memref_slice %arg6[%arg0, %run_scoped3A, %mul3A_19, %dma_wait3A] : memref<2x2x10240x128xbf16, #tpu.memory_space<hbm>> -> memref<1x1x640x128xbf16, #tpu.memory_space<hbm>>
      %dma_wait3A_31 = tpu.memref_squeeze %dma_wait3A_30 : memref<1x1x640x128xbf16, #tpu.memory_space<hbm>> -> memref<640x128xbf16, #tpu.memory_space<hbm>>
      %dma_wait3A_32 = arith.constant 0 : i32
      %dma_wait3A_33 = tpu.memref_slice %arg21[%mul3A_17, %dma_wait3A_32] : memref<10240x128xbf16, #tpu.memory_space<vmem_shared>> -> memref<640x128xbf16, #tpu.memory_space<vmem_shared>>
      tpu.wait_dma2 semaphore(%run_scoped3A_25 : memref<!tpu.dma_semaphore, #tpu.memory_space<semaphore_mem>>) src(%dma_wait3A_33 : memref<640x128xbf16, #tpu.memory_space<vmem_shared>>) dst(%dma_wait3A_31 : memref<640x128xbf16, #tpu.memory_space<hbm>>)
      tpu.yield
    }) : () -> ()
    %mul3A_20 = arith.constant 640 : i32
    %mul3A_21 = arith.muli %arg1, %mul3A_20 : i32
    %mul3A_22 = arith.constant 640 : i32
    %mul3A_23 = arith.muli %arg1, %mul3A_22 : i32
    %run_scoped3A_24 = arith.constant 1 : i32
    "tpu.region"() ({
      %run_scoped3A_25 = tpu.sem_alloc : memref<!tpu.dma_semaphore, #tpu.memory_space<semaphore_mem>>
      %dma_start3A = arith.constant 0 : i32
      %dma_start3A_26 = tpu.memref_slice %arg6[%arg0, %run_scoped3A_24, %mul3A_23, %dma_start3A] : memref<2x2x10240x128xbf16, #tpu.memory_space<hbm>> -> memref<1x1x640x128xbf16, #tpu.memory_space<hbm>>
      %dma_start3A_27 = tpu.memref_squeeze %dma_start3A_26 : memref<1x1x640x128xbf16, #tpu.memory_space<hbm>> -> memref<640x128xbf16, #tpu.memory_space<hbm>>
      %dma_start3A_28 = arith.constant 0 : i32
      %dma_start3A_29 = tpu.memref_slice %arg22[%mul3A_21, %dma_start3A_28] : memref<10240x128xbf16, #tpu.memory_space<vmem_shared>> -> memref<640x128xbf16, #tpu.memory_space<vmem_shared>>
      tpu.enqueue_dma source(%dma_start3A_29 : memref<640x128xbf16, #tpu.memory_space<vmem_shared>>) target(%dma_start3A_27 : memref<640x128xbf16, #tpu.memory_space<hbm>>) target_semaphore(%run_scoped3A_25 : memref<!tpu.dma_semaphore, #tpu.memory_space<semaphore_mem>>)
      %dma_wait3A = arith.constant 0 : i32
      %dma_wait3A_30 = tpu.memref_slice %arg6[%arg0, %run_scoped3A_24, %mul3A_23, %dma_wait3A] : memref<2x2x10240x128xbf16, #tpu.memory_space<hbm>> -> memref<1x1x640x128xbf16, #tpu.memory_space<hbm>>
      %dma_wait3A_31 = tpu.memref_squeeze %dma_wait3A_30 : memref<1x1x640x128xbf16, #tpu.memory_space<hbm>> -> memref<640x128xbf16, #tpu.memory_space<hbm>>
      %dma_wait3A_32 = arith.constant 0 : i32
      %dma_wait3A_33 = tpu.memref_slice %arg22[%mul3A_21, %dma_wait3A_32] : memref<10240x128xbf16, #tpu.memory_space<vmem_shared>> -> memref<640x128xbf16, #tpu.memory_space<vmem_shared>>
      tpu.wait_dma2 semaphore(%run_scoped3A_25 : memref<!tpu.dma_semaphore, #tpu.memory_space<semaphore_mem>>) src(%dma_wait3A_33 : memref<640x128xbf16, #tpu.memory_space<vmem_shared>>) dst(%dma_wait3A_31 : memref<640x128xbf16, #tpu.memory_space<hbm>>)
      tpu.yield
    }) : () -> ()
    return
  }
}

module attributes {stable_mosaic.version = 14 : i64} {
  func.func @_tc_hs1_body(%arg0: i32, %arg1: memref<1000x128xbf16, #tpu.memory_space<vmem>>, %arg2: memref<128x128xbf16, #tpu.memory_space<vmem>>, %arg3: memref<2x1000x1xf32, #tpu.memory_space<vmem>>, %arg4: memref<1000x128xf32, #tpu.memory_space<vmem>>) attributes {dimension_semantics = [#tpu.dimension_semantics<arbitrary>], iteration_bounds = array<i64: 10>, scalar_prefetch = 0 : i64, scratch_operands = 0 : i64, tpu.core_type = #tpu.core_type<tc>, window_params = [{transform_indices = @transform_0, window_bounds = array<i64: 1000, 128>}, {pipeline_mode = #tpu.pipeline_mode<synchronous>, transform_indices = @transform_1, window_bounds = array<i64: 128, 128>}, {transform_indices = @transform_2, window_bounds = array<i64: 2, 1000, 1>}, {transform_indices = @transform_3, window_bounds = array<i64: 1000, 128>}]} {
    %get3A = arith.constant 0 : index
    %get3A_0 = arith.constant 0 : index
    %get3A_1 = arith.constant 0 : index
    %get3A_2 = vector.load %arg3[%get3A, %get3A_0, %get3A_1] : memref<2x1000x1xf32, #tpu.memory_space<vmem>>, vector<1x1000x1xf32>
    %get3A_3 = vector.shape_cast %get3A_2 : vector<1x1000x1xf32> to vector<1000x1xf32>
    %get3A_4 = arith.constant 1 : index
    %get3A_5 = arith.constant 0 : index
    %get3A_6 = arith.constant 0 : index
    %get3A_7 = vector.load %arg3[%get3A_4, %get3A_5, %get3A_6] : memref<2x1000x1xf32, #tpu.memory_space<vmem>>, vector<1x1000x1xf32>
    %get3A_8 = vector.shape_cast %get3A_7 : vector<1x1000x1xf32> to vector<1000x1xf32>
    %add3A = arith.addf %get3A_3, %get3A_8 : vector<1000x1xf32>
    %add3A_9 = arith.constant 1.000000e+00 : f32
    %add3A_10 = vector.broadcast %add3A_9 : f32 to vector<1000x1xf32>
    %add3A_11 = arith.addf %add3A_10, %add3A : vector<1000x1xf32>
    %rsqrt3A = math.rsqrt %add3A_11 : vector<1000x1xf32>
    %get3A_12 = arith.constant 0 : index
    %get3A_13 = arith.constant 0 : index
    %get3A_14 = vector.load %arg1[%get3A_12, %get3A_13] : memref<1000x128xbf16, #tpu.memory_space<vmem>>, vector<1000x128xbf16>
    %get3A_15 = arith.constant 0 : index
    %get3A_16 = arith.constant 0 : index
    %get3A_17 = vector.load %arg2[%get3A_15, %get3A_16] : memref<128x128xbf16, #tpu.memory_space<vmem>>, vector<128x128xbf16>
    %dot_general3A = arith.constant dense<0.000000e+00> : vector<1000x128xf32>
    %dot_general3A_18 = tpu.matmul %get3A_14, %get3A_17, %dot_general3A {dimension_numbers = #tpu.dot_dimension_numbers<[1], [0], [0], [1], [0, 0, 1, 1], [], []>, transpose_lhs_hint = false} : vector<1000x128xbf16>, vector<128x128xbf16>, vector<1000x128xf32> -> vector<1000x128xf32>
    %mul3A = vector.broadcast %rsqrt3A : vector<1000x1xf32> to vector<1000x128xf32>
    %mul3A_19 = arith.mulf %mul3A, %dot_general3A_18 : vector<1000x128xf32>
    %swap3A = arith.constant 0 : index
    %swap3A_20 = arith.constant 0 : index
    %swap3A_21 = vector.load %arg4[%swap3A, %swap3A_20] : memref<1000x128xf32, #tpu.memory_space<vmem>>, vector<1000x128xf32>
    tpu.vector_store %arg4[%swap3A, %swap3A_20], %mul3A_19 {strides = array<i32>} : memref<1000x128xf32, #tpu.memory_space<vmem>>, vector<1000x128xf32>,
    return
  }
  func.func @transform_0(%arg0: i32) -> (i32, i32) {
    %c0_i32 = arith.constant 0 : i32
    %c0_i32_0 = arith.constant 0 : i32
    return %arg0, %c0_i32 : i32, i32
  }
  func.func @transform_1(%arg0: i32) -> (i32, i32) {
    %c0_i32 = arith.constant 0 : i32
    %c0_i32_0 = arith.constant 0 : i32
    %c0_i32_1 = arith.constant 0 : i32
    return %c0_i32, %c0_i32_0 : i32, i32
  }
  func.func @transform_2(%arg0: i32) -> (i32, i32, i32) {
    %c0_i32 = arith.constant 0 : i32
    %c0_i32_0 = arith.constant 0 : i32
    %c0_i32_1 = arith.constant 0 : i32
    return %c0_i32, %arg0, %c0_i32_0 : i32, i32, i32
  }
  func.func @transform_3(%arg0: i32) -> (i32, i32) {
    %c0_i32 = arith.constant 0 : i32
    %c0_i32_0 = arith.constant 0 : i32
    return %arg0, %c0_i32 : i32, i32
  }
}

module attributes {stable_mosaic.version = 14 : i64} {
  func.func @_tc_mid_body_bf16(%arg0: i32, %arg1: memref<4x1000x128xbf16, #tpu.memory_space<vmem>>, %arg2: memref<1000x128xf32, #tpu.memory_space<vmem>>, %arg3: memref<2x1000x1xf32, #tpu.memory_space<vmem>>, %arg4: memref<1x128xf32, #tpu.memory_space<vmem>>, %arg5: memref<128x64xbf16, #tpu.memory_space<vmem>>, %arg6: memref<1000x64xf32, #tpu.memory_space<vmem>>) attributes {dimension_semantics = [#tpu.dimension_semantics<arbitrary>], iteration_bounds = array<i64: 10>, scalar_prefetch = 0 : i64, scratch_operands = 0 : i64, tpu.core_type = #tpu.core_type<tc>, window_params = [{transform_indices = @transform_0, window_bounds = array<i64: 4, 1000, 128>}, {transform_indices = @transform_1, window_bounds = array<i64: 1000, 128>}, {transform_indices = @transform_2, window_bounds = array<i64: 2, 1000, 1>}, {pipeline_mode = #tpu.pipeline_mode<synchronous>, transform_indices = @transform_3, window_bounds = array<i64: 1, 128>}, {pipeline_mode = #tpu.pipeline_mode<synchronous>, transform_indices = @transform_4, window_bounds = array<i64: 128, 64>}, {transform_indices = @transform_5, window_bounds = array<i64: 1000, 64>}]} {
    %get3A = arith.constant 0 : index
    %get3A_0 = arith.constant 0 : index
    %get3A_1 = arith.constant 0 : index
    %get3A_2 = vector.load %arg3[%get3A, %get3A_0, %get3A_1] : memref<2x1000x1xf32, #tpu.memory_space<vmem>>, vector<1x1000x1xf32>
    %get3A_3 = vector.shape_cast %get3A_2 : vector<1x1000x1xf32> to vector<1000x1xf32>
    %get3A_4 = arith.constant 1 : index
    %get3A_5 = arith.constant 0 : index
    %get3A_6 = arith.constant 0 : index
    %get3A_7 = vector.load %arg3[%get3A_4, %get3A_5, %get3A_6] : memref<2x1000x1xf32, #tpu.memory_space<vmem>>, vector<1x1000x1xf32>
    %get3A_8 = vector.shape_cast %get3A_7 : vector<1x1000x1xf32> to vector<1000x1xf32>
    %add3A = arith.addf %get3A_3, %get3A_8 : vector<1000x1xf32>
    %add3A_9 = arith.constant 1.000000e+00 : f32
    %add3A_10 = vector.broadcast %add3A_9 : f32 to vector<1000x1xf32>
    %add3A_11 = arith.addf %add3A_10, %add3A : vector<1000x1xf32>
    %rsqrt3A = math.rsqrt %add3A_11 : vector<1000x1xf32>
    %get3A_12 = arith.constant 0 : index
    %get3A_13 = arith.constant 0 : index
    %get3A_14 = arith.constant 0 : index
    %get3A_15 = vector.load %arg1[%get3A_12, %get3A_13, %get3A_14] : memref<4x1000x128xbf16, #tpu.memory_space<vmem>>, vector<4x1000x128xbf16>
    %convert_element_type3A = arith.extf %get3A_15 : vector<4x1000x128xbf16> to vector<4x1000x128xf32>
    %reduce_sum3A = arith.constant dense<0.000000e+00> : vector<1000x128xf32>
    %reduce_sum3A_16 = vector.multi_reduction <add>, %convert_element_type3A, %reduce_sum3A [0] : vector<4x1000x128xf32> to vector<1000x128xf32>
    %get3A_17 = arith.constant 0 : index
    %get3A_18 = arith.constant 0 : index
    %get3A_19 = vector.load %arg2[%get3A_17, %get3A_18] : memref<1000x128xf32, #tpu.memory_space<vmem>>, vector<1000x128xf32>
    %add3A_20 = arith.addf %reduce_sum3A_16, %get3A_19 : vector<1000x128xf32>
    %mul3A = vector.broadcast %rsqrt3A : vector<1000x1xf32> to vector<1000x128xf32>
    %mul3A_21 = arith.mulf %mul3A, %add3A_20 : vector<1000x128xf32>
    %get3A_22 = arith.constant 0 : index
    %get3A_23 = arith.constant 0 : index
    %get3A_24 = vector.load %arg4[%get3A_22, %get3A_23] : memref<1x128xf32, #tpu.memory_space<vmem>>, vector<1x128xf32>
    %add3A_25 = vector.broadcast %get3A_24 : vector<1x128xf32> to vector<1000x128xf32>
    %add3A_26 = arith.addf %mul3A_21, %add3A_25 : vector<1000x128xf32>
    %max3A = arith.constant 0.000000e+00 : f32
    %max3A_27 = vector.broadcast %max3A : f32 to vector<1000x128xf32>
    %max3A_28 = arith.maximumf %add3A_26, %max3A_27 : vector<1000x128xf32>
    %convert_element_type3A_29 = arith.truncf %max3A_28 : vector<1000x128xf32> to vector<1000x128xbf16>
    %get3A_30 = arith.constant 0 : index
    %get3A_31 = arith.constant 0 : index
    %get3A_32 = vector.load %arg5[%get3A_30, %get3A_31] : memref<128x64xbf16, #tpu.memory_space<vmem>>, vector<128x64xbf16>
    %dot_general3A = arith.constant dense<0.000000e+00> : vector<1000x64xf32>
    %dot_general3A_33 = tpu.matmul %convert_element_type3A_29, %get3A_32, %dot_general3A {dimension_numbers = #tpu.dot_dimension_numbers<[1], [0], [0], [1], [0, 0, 1, 1], [], []>, transpose_lhs_hint = false} : vector<1000x128xbf16>, vector<128x64xbf16>, vector<1000x64xf32> -> vector<1000x64xf32>
    %mul3A_34 = vector.broadcast %rsqrt3A : vector<1000x1xf32> to vector<1000x64xf32>
    %mul3A_35 = arith.mulf %mul3A_34, %dot_general3A_33 : vector<1000x64xf32>
    %swap3A = arith.constant 0 : index
    %swap3A_36 = arith.constant 0 : index
    %swap3A_37 = vector.load %arg6[%swap3A, %swap3A_36] : memref<1000x64xf32, #tpu.memory_space<vmem>>, vector<1000x64xf32>
    tpu.vector_store %arg6[%swap3A, %swap3A_36], %mul3A_35 {strides = array<i32>} : memref<1000x64xf32, #tpu.memory_space<vmem>>, vector<1000x64xf32>,
    return
  }
  func.func @transform_0(%arg0: i32) -> (i32, i32, i32) {
    %c0_i32 = arith.constant 0 : i32
    %c0_i32_0 = arith.constant 0 : i32
    %c0_i32_1 = arith.constant 0 : i32
    return %c0_i32, %arg0, %c0_i32_0 : i32, i32, i32
  }
  func.func @transform_1(%arg0: i32) -> (i32, i32) {
    %c0_i32 = arith.constant 0 : i32
    %c0_i32_0 = arith.constant 0 : i32
    return %arg0, %c0_i32 : i32, i32
  }
  func.func @transform_2(%arg0: i32) -> (i32, i32, i32) {
    %c0_i32 = arith.constant 0 : i32
    %c0_i32_0 = arith.constant 0 : i32
    %c0_i32_1 = arith.constant 0 : i32
    return %c0_i32, %arg0, %c0_i32_0 : i32, i32, i32
  }
  func.func @transform_3(%arg0: i32) -> (i32, i32) {
    %c0_i32 = arith.constant 0 : i32
    %c0_i32_0 = arith.constant 0 : i32
    %c0_i32_1 = arith.constant 0 : i32
    return %c0_i32, %c0_i32_0 : i32, i32
  }
  func.func @transform_4(%arg0: i32) -> (i32, i32) {
    %c0_i32 = arith.constant 0 : i32
    %c0_i32_0 = arith.constant 0 : i32
    %c0_i32_1 = arith.constant 0 : i32
    return %c0_i32, %c0_i32_0 : i32, i32
  }
  func.func @transform_5(%arg0: i32) -> (i32, i32) {
    %c0_i32 = arith.constant 0 : i32
    %c0_i32_0 = arith.constant 0 : i32
    return %arg0, %c0_i32 : i32, i32
  }
}

module attributes {stable_mosaic.version = 14 : i64} {
  func.func @_tc_fin_body(%arg0: i32, %arg1: memref<4x1000x64xbf16, #tpu.memory_space<vmem>>, %arg2: memref<1000x64xf32, #tpu.memory_space<vmem>>, %arg3: memref<2x1000x1xf32, #tpu.memory_space<vmem>>, %arg4: memref<1x64xf32, #tpu.memory_space<vmem>>, %arg5: memref<1000x64xf32, #tpu.memory_space<vmem>>) attributes {dimension_semantics = [#tpu.dimension_semantics<arbitrary>], iteration_bounds = array<i64: 10>, scalar_prefetch = 0 : i64, scratch_operands = 0 : i64, tpu.core_type = #tpu.core_type<tc>, window_params = [{transform_indices = @transform_0, window_bounds = array<i64: 4, 1000, 64>}, {transform_indices = @transform_1, window_bounds = array<i64: 1000, 64>}, {transform_indices = @transform_2, window_bounds = array<i64: 2, 1000, 1>}, {pipeline_mode = #tpu.pipeline_mode<synchronous>, transform_indices = @transform_3, window_bounds = array<i64: 1, 64>}, {transform_indices = @transform_4, window_bounds = array<i64: 1000, 64>}]} {
    %get3A = arith.constant 0 : index
    %get3A_0 = arith.constant 0 : index
    %get3A_1 = arith.constant 0 : index
    %get3A_2 = vector.load %arg3[%get3A, %get3A_0, %get3A_1] : memref<2x1000x1xf32, #tpu.memory_space<vmem>>, vector<1x1000x1xf32>
    %get3A_3 = vector.shape_cast %get3A_2 : vector<1x1000x1xf32> to vector<1000x1xf32>
    %get3A_4 = arith.constant 1 : index
    %get3A_5 = arith.constant 0 : index
    %get3A_6 = arith.constant 0 : index
    %get3A_7 = vector.load %arg3[%get3A_4, %get3A_5, %get3A_6] : memref<2x1000x1xf32, #tpu.memory_space<vmem>>, vector<1x1000x1xf32>
    %get3A_8 = vector.shape_cast %get3A_7 : vector<1x1000x1xf32> to vector<1000x1xf32>
    %add3A = arith.addf %get3A_3, %get3A_8 : vector<1000x1xf32>
    %add3A_9 = arith.constant 1.000000e+00 : f32
    %add3A_10 = vector.broadcast %add3A_9 : f32 to vector<1000x1xf32>
    %add3A_11 = arith.addf %add3A_10, %add3A : vector<1000x1xf32>
    %rsqrt3A = math.rsqrt %add3A_11 : vector<1000x1xf32>
    %get3A_12 = arith.constant 0 : index
    %get3A_13 = arith.constant 0 : index
    %get3A_14 = arith.constant 0 : index
    %get3A_15 = vector.load %arg1[%get3A_12, %get3A_13, %get3A_14] : memref<4x1000x64xbf16, #tpu.memory_space<vmem>>, vector<4x1000x64xbf16>
    %convert_element_type3A = arith.extf %get3A_15 : vector<4x1000x64xbf16> to vector<4x1000x64xf32>
    %reduce_sum3A = arith.constant dense<0.000000e+00> : vector<1000x64xf32>
    %reduce_sum3A_16 = vector.multi_reduction <add>, %convert_element_type3A, %reduce_sum3A [0] : vector<4x1000x64xf32> to vector<1000x64xf32>
    %get3A_17 = arith.constant 0 : index
    %get3A_18 = arith.constant 0 : index
    %get3A_19 = vector.load %arg2[%get3A_17, %get3A_18] : memref<1000x64xf32, #tpu.memory_space<vmem>>, vector<1000x64xf32>
    %add3A_20 = arith.addf %reduce_sum3A_16, %get3A_19 : vector<1000x64xf32>
    %mul3A = vector.broadcast %rsqrt3A : vector<1000x1xf32> to vector<1000x64xf32>
    %mul3A_21 = arith.mulf %mul3A, %add3A_20 : vector<1000x64xf32>
    %get3A_22 = arith.constant 0 : index
    %get3A_23 = arith.constant 0 : index
    %get3A_24 = vector.load %arg4[%get3A_22, %get3A_23] : memref<1x64xf32, #tpu.memory_space<vmem>>, vector<1x64xf32>
    %add3A_25 = vector.broadcast %get3A_24 : vector<1x64xf32> to vector<1000x64xf32>
    %add3A_26 = arith.addf %mul3A_21, %add3A_25 : vector<1000x64xf32>
    %reduce_max3A = arith.constant dense<0xFF800000> : vector<1000xf32>
    %reduce_max3A_27 = vector.multi_reduction <maximumf>, %add3A_26, %reduce_max3A [1] : vector<1000x64xf32> to vector<1000xf32>
    %broadcast_in_dim3A = vector.shape_cast %reduce_max3A_27 : vector<1000xf32> to vector<1000x1xf32>
    %sub3A = vector.broadcast %broadcast_in_dim3A : vector<1000x1xf32> to vector<1000x64xf32>
    %sub3A_28 = arith.subf %add3A_26, %sub3A : vector<1000x64xf32>
    %exp3A = math.exp %sub3A_28 : vector<1000x64xf32>
    %reduce_sum3A_29 = arith.constant dense<0.000000e+00> : vector<1000xf32>
    %reduce_sum3A_30 = vector.multi_reduction <add>, %exp3A, %reduce_sum3A_29 [1] : vector<1000x64xf32> to vector<1000xf32>
    %broadcast_in_dim3A_31 = vector.shape_cast %reduce_sum3A_30 : vector<1000xf32> to vector<1000x1xf32>
    %log3A = math.log %broadcast_in_dim3A_31 : vector<1000x1xf32>
    %add3A_32 = arith.addf %log3A, %broadcast_in_dim3A : vector<1000x1xf32>
    %sub3A_33 = vector.broadcast %add3A_32 : vector<1000x1xf32> to vector<1000x64xf32>
    %sub3A_34 = arith.subf %add3A_26, %sub3A_33 : vector<1000x64xf32>
    %swap3A = arith.constant 0 : index
    %swap3A_35 = arith.constant 0 : index
    %swap3A_36 = vector.load %arg5[%swap3A, %swap3A_35] : memref<1000x64xf32, #tpu.memory_space<vmem>>, vector<1000x64xf32>
    tpu.vector_store %arg5[%swap3A, %swap3A_35], %sub3A_34 {strides = array<i32>} : memref<1000x64xf32, #tpu.memory_space<vmem>>, vector<1000x64xf32>,
    return
  }
  func.func @transform_0(%arg0: i32) -> (i32, i32, i32) {
    %c0_i32 = arith.constant 0 : i32
    %c0_i32_0 = arith.constant 0 : i32
    %c0_i32_1 = arith.constant 0 : i32
    return %c0_i32, %arg0, %c0_i32_0 : i32, i32, i32
  }
  func.func @transform_1(%arg0: i32) -> (i32, i32) {
    %c0_i32 = arith.constant 0 : i32
    %c0_i32_0 = arith.constant 0 : i32
    return %arg0, %c0_i32 : i32, i32
  }
  func.func @transform_2(%arg0: i32) -> (i32, i32, i32) {
    %c0_i32 = arith.constant 0 : i32
    %c0_i32_0 = arith.constant 0 : i32
    %c0_i32_1 = arith.constant 0 : i32
    return %c0_i32, %arg0, %c0_i32_0 : i32, i32, i32
  }
  func.func @transform_3(%arg0: i32) -> (i32, i32) {
    %c0_i32 = arith.constant 0 : i32
    %c0_i32_0 = arith.constant 0 : i32
    %c0_i32_1 = arith.constant 0 : i32
    return %c0_i32, %c0_i32_0 : i32, i32
  }
  func.func @transform_4(%arg0: i32) -> (i32, i32) {
    %c0_i32 = arith.constant 0 : i32
    %c0_i32_0 = arith.constant 0 : i32
    return %arg0, %c0_i32 : i32, i32
  }
}

</mosaic_0001>

<sc_bundles>
// kernel: kernel.11.cloned.1.call-start
scs
__scs_entry_jumppad:
0x0: {  	(pc) =	sbr.rel $0x88, $3  }
0x1: {  	(tag) =	ssettag $0x0;
	lr =	simm.s32 $0x1  }
0x2: {  	[smem:$0x3F9B] =	sst lr;
	_ =	strace $0xD0000000  }
0x3: {  	_ = 	snop  }
0x4: {  	_ = 	snop  }
0x5: {  	_ = 	snop  }
0x6: {  	_ = 	snop  }
0x7: {  	_ = 	snop  }
__scs_overlays_trampoline_lowered:
0x8: {  	[smem:$0x3FAA] =	sst s0  }
0x9: {  	[smem:$0x3FAB] =	sst s1  }
0xa: {  	[smem:$0x3FAC] =	sst s2  }
0xb: {  	[smem:$0x3FAD] =	sst s3  }
0xc: {  	[smem:$0x3FAE] =	sst s4  }
0xd: {  	[smem:$0x3FAF] =	sst s5  }
0xe: {  	[smem:$0x3FB0] =	sst s6  }
0xf: {  	[smem:$0x3FB1] =	sst s7  }
0x10: {  	[smem:$0x3FB2] =	sst s8  }
0x11: {  	[smem:$0x3FB3] =	sst s9;
	s0 =	simm.s32 @!p0 $0x0  }
0x12: {  	s1 =	sld [smem:$0x3F99];
	s0 =	simm.s32 @p0 $0x1  }
0x13: {  	[smem:$0x3FB4] =	sst s0;
	s0 =	simm.s32 @!p1 $0x0  }
0x14: {  	s2 =	sld [smem:$0x3F98];
	s0 =	simm.s32 @p1 $0x1  }
0x15: {  	[smem:$0x3FB5] =	sst s0;
	s0 =	simm.s32 @!p2 $0x0  }
0x16: {  	s3 =	sld [smem:$0x3FDB];
	s0 =	simm.s32 @p2 $0x1  }
0x17: {  	s4 =	simm.s32 $0x1BF5;
	[smem:$0x3FB7] =	sst s0  }
0x18: {  	s0 =	sld [smem:$0x3F9A];
	_ =	swait.ge [sflag:s4], $0x0  }
0x19: {  	s7 =	sld [smem:$0x3F9B]  }
0x1a: {  	s8 =	sadd.s32 $0xFFFFE003, lr  }
0x1b: {  	s9 =	sadd.s32 $0xFFFFFEF7, lr;
	s5 =	simm.s32 $0xFFFFFFFF;
	p2 =	slt.u32 s8, $0xFFFFF086  }
0x1c: {  	p1 =	slt.u32 s9, $0xF7A;
	s5 =	simm.s32 @!p2 $0x0  }
0x1d: {  	s5 =	simm.s32 @p1 $0x1;
	p0 =	seq.s32 s7, s2  }
0x1e: {  	s7 =	smul.u32 @!p0 $0xF7A, s2;
	p2 =	seq.s32 @!p0 s5, $0x0  }
0x1f: {  	s9 =	smul.u32 $0xF7A, s1;
	s8 =	simm.s32 @!p0 $0x1BF5;
	p2 =	por !p2, p0  }
0x20: {  	[sflag:s8] =	ssyncset.s32 @!p0 $0xFFFFF086;
	s6 =	sadd.s32 @!p0 s3, s7;
	s7 =	simm.s32 @!p0 $0x108  }
0x21: {  	s3 =	sadd.s32 s3, s9;
	s6 =	sadd.s32 @!p0 $0x88, s6;
	s7 =	simm.s32 @p2 $0x1082  }
0x22: {  	[simem:s7], [sflag:s8] =	dma.local @!p0 [hbm:s6], $0xF7A  }
0x23: {  	s9 =	sor.u32 $0xD0000000, s2;
	s6 =	simm.s32 $0x108;
	_ =	swait.ge @!p0 [sflag:s8], $0x0  }
0x24: {  	s3 =	sadd.s32 $0x88, s3;
	s6 =	simm.s32 @!p1 $0x1082;
	[sflag:s4] =	ssyncset.s32 $0xFFFFF086  }
0x25: {  	[simem:s6], [sflag:s4] =	dma.local [hbm:s3], $0xF7A  }
0x26: {  	[smem:$0x3F9B] =	sst s1;
	(tag) =	ssettag s2;
	_ =	strace s9  }
0x27: {  	s1 =	sld [smem:$0x3FAB]  }
0x28: {  	s2 =	sld [smem:$0x3FAC]  }
0x29: {  	s4 =	sld [smem:$0x3FAE]  }
0x2a: {  	p0 =	seq.s32 s5, $0x0;
	s5 =	sld [smem:$0x3FAF]  }
0x2b: {  	s6 =	sld [smem:$0x3FB0]  }
0x2c: {  	s7 =	sld [smem:$0x3FB1]  }
0x2d: {  	s3 =	simm.s32 $0x108;
	s8 =	sld [smem:$0x3FB2]  }
0x2e: {  	s3 =	simm.s32 @!p0 $0x1082;
	s9 =	sld [smem:$0x3FB3]  }
0x2f: {  	lr =	sadd.s32 s0, s3;
	s0 =	sld [smem:$0x3FAA]  }
0x30: {  	s3 =	sld [smem:$0x3FAD]  }
0x31: {  	[smem:$0x3FB6] =	sst s10  }
0x32: {  	s10 =	sld [smem:$0x3FB4];
	_ =	sdelay $0x3  }
0x33: {  	p0 =	seq.s32 s10, $0x1;
	s10 =	sld [smem:$0x3FB6];
	_ =	sdelay $0x3  }
0x34: {  	[smem:$0x3FB6] =	sst s10  }
0x35: {  	s10 =	sld [smem:$0x3FB5];
	_ =	sdelay $0x3  }
0x36: {  	p1 =	seq.s32 s10, $0x1;
	s10 =	sld [smem:$0x3FB6];
	_ =	sdelay $0x3  }
0x37: {  	[smem:$0x3FB6] =	sst s10  }
0x38: {  	s10 =	sld [smem:$0x3FB7]  }
0x39: {  	_ = 	snop;
	(pc) =	sbr.ind lr, $3  }
0x3a: {  	_ = 	snop  }
0x3b: {  	_ = 	snop  }
0x3c: {  	p2 =	seq.s32 s10, $0x1;
	s10 =	sld [smem:$0x3FB6]  }
0x3d: {  	_ =	shalt  }
0x3e: {  	_ =	shalt  }
0x3f: {  	_ =	shalt  }
0x40: {  	_ =	shalt  }
0x41: {  	_ =	shalt  }
0x42: {  	_ =	shalt  }
0x43: {  	_ =	shalt  }
0x44: {  	_ =	shalt  }
0x45: {  	_ =	shalt  }
0x46: {  	_ =	shalt  }
0x47: {  	_ =	shalt  }
0x48: {  	_ =	shalt  }
0x49: {  	_ =	shalt  }
0x4a: {  	_ =	shalt  }
0x4b: {  	_ =	shalt  }
0x4c: {  	_ =	shalt  }
0x4d: {  	_ =	shalt  }
0x4e: {  	_ =	shalt  }
0x4f: {  	_ =	shalt  }
0x50: {  	_ =	shalt  }
0x51: {  	_ =	shalt  }
0x52: {  	_ =	shalt  }
0x53: {  	_ =	shalt  }
0x54: {  	_ =	shalt  }
0x55: {  	_ =	shalt  }
0x56: {  	_ =	shalt  }
0x57: {  	_ =	shalt  }
0x58: {  	_ =	shalt  }
0x59: {  	_ =	shalt  }
0x5a: {  	_ =	shalt  }
0x5b: {  	_ =	shalt  }
0x5c: {  	_ =	shalt  }
0x5d: {  	_ =	shalt  }
0x5e: {  	_ =	shalt  }
0x5f: {  	_ =	shalt  }
0x60: {  	_ =	shalt  }
0x61: {  	_ =	shalt  }
0x62: {  	_ =	shalt  }
0x63: {  	_ =	shalt  }
0x64: {  	_ =	shalt  }
0x65: {  	_ =	shalt  }
0x66: {  	_ =	shalt  }
0x67: {  	_ =	shalt  }
0x68: {  	_ =	shalt  }
0x69: {  	_ =	shalt  }
0x6a: {  	_ =	shalt  }
0x6b: {  	_ =	shalt  }
0x6c: {  	_ =	shalt  }
0x6d: {  	_ =	shalt  }
0x6e: {  	_ =	shalt  }
0x6f: {  	_ =	shalt  }
0x70: {  	_ =	shalt  }
0x71: {  	_ =	shalt  }
0x72: {  	_ =	shalt  }
0x73: {  	_ =	shalt  }
0x74: {  	_ =	shalt  }
0x75: {  	_ =	shalt  }
0x76: {  	_ =	shalt  }
0x77: {  	_ =	shalt  }
0x78: {  	_ =	shalt  }
0x79: {  	_ =	shalt  }
0x7a: {  	_ =	shalt  }
0x7b: {  	_ =	shalt  }
0x7c: {  	_ =	shalt  }
0x7d: {  	_ =	shalt  }
0x7e: {  	_ =	shalt  }
0x7f: {  	_ =	shalt  }
0x80: {  	_ =	shalt  }
0x81: {  	_ =	shalt  }
0x82: {  	_ =	shalt  }
0x83: {  	_ =	shalt  }
0x84: {  	_ =	shalt  }
0x85: {  	_ =	shalt  }
0x86: {  	_ =	shalt  }
0x87: {  	_ =	shalt  }
.Lfunc_end0:
.L_simem_size_0:
called_computation.1_lowered:
.L_overlay_start_0:
0x88: {  	s2 =	sld [smem:$0x3FD9]  }
0x89: {  	s3 =	sld [smem:$0x3FFE];
	_ =	sdelay $0x1  }
0x8a: {  	s1 =	srdreg.scid  }
0x8b: {  	s0 =	sand.u32 $0x1, s1  }
0x8c: {  	s17 =	sshll.u32 s0, $0xA;
	s2 =	sadd.s32 s3, s2  }
0x8d: {  	s2 =	sadd.s32 s2, s17  }
0x8e: {  	[smem:$0x3FC2] =	sst s2  }
0x8f: {  	_ = 	snop  }
0x90: {  	s2 =	sld [smem:$0x3FD0];
	(tm) =	ssettm $0x1  }
0x91: {  	s18 =	sld [smem:$0x3FFB];
	_ =	sdelay $0x3  }
0x92: {  	_ =	strace s18  }
0x93: {  	s3 =	sld [smem:$0x3FFC];
	_ =	sdelay $0x3  }
0x94: {  	_ =	strace s3  }
0x95: {  	s3 =	sld [smem:$0x3FFD];
	_ =	sdelay $0x3  }
0x96: {  	_ =	strace s3  }
0x97: {  	_ =	strace $0x8FFFFFFF  }
0x98: {  	s19 =	sld [smem:$0x3FDB];
	_ =	sdelay $0x1  }
0x99: {  	s4 =	simm.s32 $_scs_section_size  }
0x9a: {  	s5 =	simm.s32 $_size__tile_overlayer_lowered;
	s6 =	simm.s32 $_tile_overlayer_lowered  }
0x9b: {  	s22 =	simm.s32 $0x1BFF;
	s21 =	sshll.u32 s6, $0x1;
	s3 =	sadd.s32 s4, s19  }
0x9c: {  	s7 =	simm.s32 $0x0;
	s20 =	sshll.u32 s5, $0x1;
	s5 =	sadd.s32 s21, s3  }
0x9d: {  	[timem:s7], [sflag:s22] =	dma.local [hbm:s5], s20  }
0x9e: {  	_ =	swait.ge [sflag:s22], s20  }
0x9f: {  	s4 =	ssub.s32 $0x0, s20;
	[sflag:s22] =	ssyncset.done $0x0  }
0xa0: {  	[sflag:s22] =	ssyncadd.s32 s4;
	_ =	sdelay $0x1  }
0xa1: {  	s23 =	simm.s32 $0x1B8B  }
0xa2: {  	_ =	swait.ge [sflag:s23], $0x1  }
0xa3: {  	[sflag:s23] =	ssyncset.done $0x0  }
0xa4: {  	s25 =	simm.s32 $0x1B8E;
	s24 =	sld [smem:$0x3FFE];
	[sflag:s23] =	ssyncadd.s32 $0xFFFFFFFF  }
0xa5: {  	s26 =	simm.s32 $execute0_lowered;
	[smem:$0x3FD2] =	sst s25  }
0xa6: {  	s5 =	sshll.u32 s26, $0x1;
	_ =	strace $0x80000049;
	[dreg:$0x1] =	wrdreg $0xFFFFFFFF  }
0xa7: {  	s28 =	simm.s32 $_size_execute0_lowered;
	s3 =	sadd.s32 s3, s5;
	[dreg:$0x0] =	wrdreg $0x0  }
0xa8: {  	s5 =	sshll.u32 s28, $0x1;
	[dreg:$0x2] =	wrdreg s3  }
0xa9: {  	[dreg:$0x3] =	wrdreg s5  }
0xaa: {  	[dreg:$0x4] =	wrdreg $0xC0  }
0xab: {  	_ =	task [dreg:s7], $0x5FFFF  }
0xac: {  	[dreg:$0x1] =	wrdreg $0xFFFFFFFF  }
0xad: {  	[dreg:$0x0] =	wrdreg $0x60  }
0xae: {  	[dreg:$0x2] =	wrdreg s24  }
0xaf: {  	[dreg:$0x3] =	wrdreg s2  }
0xb0: {  	[dreg:$0x4] =	wrdreg $0xA8000  }
0xb1: {  	[dreg:$0x5] =	wrdreg $0x148000  }
0xb2: {  	[dreg:$0x6] =	wrdreg $0x9  }
0xb3: {  	_ =	task.clear_ibuf [dreg:s7], $0x7FFFF;
	_ =	strace $0x90000049  }
0xb4: {  	s29 =	simm.s32 $0x9;
	_ =	strace $0x8000004B  }
0xb5: {  	_ =	swait.ge [sflag:s29], $0x1  }
0xb6: {  	[sflag:s29] =	ssyncadd.s32 $0xFFFFFFFF  }
0xb7: {  	_ =	strace $0x9000004B  }
0xb8: {  	_ =	sfence  }
0xb9: {  	s30 =	sld [smem:$0x0];
	_ =	sdelay $0x2  }
0xba: {  	s31 =	sshll.u32 s1, $0xD;
	s1 =	sshrl.u32 s1, $0x2  }
0xbb: {  	s3 =	sand.u32 $0x4000, s31;
	s1 =	sadd.s32 s1, s30  }
0xbc: {  	s0 =	sor.u32 s3, s0;
	s1 =	sshll.u32 s1, $0x11  }
0xbd: {  	s0 =	sor.u32 s1, s0  }
0xbe: {  	s0 =	sadd.s32 $0x8F2B, s0  }
0xbf: {  	[sflag:s0] =	ssyncadd.remote.s32 $0x1  }
0xc0: {  	_ =	sfence.sel $0xFFFF  }
0xc1: {  	[dreg:$0x0] =	wrdreg $0xFFFFFFFF;
	(pc) =	sbr.abs _section_cstart, $3  }
0xc2: {  	[dreg:$0x1] =	wrdreg $0xFFFFFFFF  }
0xc3: {  	_ =	task.clear_ibuf [dreg:s7], $0x2FFFF;
	_ =	strace $0x9FFFFFFF  }
0xc4: {  	(tm) =	ssettm $0x7FFFFFFF  }
0xc5: {  	_ =	shalt  }
tec
execute0_lowered:
.L_overlay_start_1:
0x0: {  	(tag) =	ssettag $0x1  }
0x1: {  	s0 =	rddreg [dreg:$0x0]  }
0x2: {  	s2 =	rddreg [dreg:$0x1]  }
0x3: {  	s3 =	rddreg [dreg:$0x2]  }
0x4: {  	s4 =	rddreg [dreg:$0x3]  }
0x5: {  	s13 =	stileid.u32;
	s1 =	srdreg.scid  }
0x6: {  	s6 =	simm.s32 $0x0;
	s5 =	simm.s32 $0x0;
	s15 =	simm.s32 $0x9  }
0x7: {  	s17 =	simm.s32 $0x1400;
	s18 =	simm.s32 $0x80;
	s19 =	simm.s32 $0x2800  }
0x8: {  	s20 =	simm.s32 $0x4800;
	s21 =	simm.s32 $0x100;
	s22 =	simm.s32 $0x6800  }
0x9: {  	s28 =	simm.s32 $0x3;
	s29 =	simm.s32 $0x4;
	s30 =	simm.s32 $0x5  }
0xa: {  	s31 =	simm.s32 $0x6;
	s8 =	smul.u32 $0x14000, s13;
	[dreg:$0xc] =	wrdreg s5  }
0xb: {  	s1 =	sand.u32 $0x1, s1;
	[smem:$0x7FF] =	sst s6;
	s6 =	sadd.s32 $0xA1E00, s0  }
0xc: {  	s7 =	sadd.s32 $0x20C00, s0;
	s24 =	sshll.u32 s13, $0x6;
	s9 =	smul.u32 $0x280000, s1  }
0xd: {  	_ =	strace $0x8000004A;
	s11 =	ssub.s32 $0x2, s1;
	s1 =	sshll.u32 s1, $0x4  }
0xe: {  	s14 =	sor.u32 $0x1C09, s24;
	s24 =	simm.s32 $0x8800;
	s10 =	sshrl.u32 s8, $0x4  }
0xf: {  	s23 =	sshrl.u32 s11, $0x1;
	s1 =	sor.u32 s13, s1;
	s13 =	simm.s32 $0x2700  }
0x10: {  	[dreg:$0x6] =	wrdreg s14;
	s9 =	sadd.s32 s8, s9;
	s10 =	sadd.s32 s10, s0  }
0x11: {  	s11 =	ssub.s32 s11, s23;
	s8 =	sshrl.u32 s8, $0x1;
	s23 =	simm.s32 $0x180  }
0x12: {  	s9 =	sshrl.u32 s9, $0x4;
	s12 =	sadd.s32 s8, s3;
	s10 =	sadd.s32 $0xCC00, s10  }
0x13: {  	s8 =	sadd.s32 s8, s4;
	s26 =	smax.u32 s11, $0x1;
	s11 =	simm.s32 $0x2600  }
0x14: {  	s0 =	sadd.s32 s9, s0;
	[dreg:$0x5] =	wrdreg s10;
	s10 =	smul.u32 $0x50, s1  }
0x15: {  	[dreg:$0x9] =	wrdreg s26;
	s16 =	sshrl.u32 s12, $0x3;
	s5 =	sshrl.u32 s8, $0x3  }
0x16: {  	s26 =	simm.s32 $0x2;
	s1 =	simm.s32 $0x8;
	[dreg:$0xa] =	wrdreg s16  }
0x17: {  	s12 =	simm.s32 $0x2680;
	s25 =	sadd.s32 $0xB5E00, s0;
	[dreg:$0xb] =	wrdreg s5  }
0x18: {  	s8 =	simm.s32 $0x2780;
	s0 =	sadd.s32 $0xC9E00, s0;
	[dreg:$0x7] =	wrdreg s25  }
0x19: {  	[dreg:$0x8] =	wrdreg s0;
	s25 =	simm.s32 $0x1;
	s0 =	simm.s32 $0x7  }
.LBB2_1:
0x1a: {  	s9 =	rddreg [dreg:$0x5]  }
0x1b: {  	[spmem:s16], [sflag:s14] =	dma.local [hbm:s9], $0x1400  }
0x1c: {  	_ =	swait.ge [sflag:s15], $0x1400  }
0x1d: {  	[sflag:s15] =	ssyncset.done $0x0  }
0x1e: {  	[sflag:s15] =	ssyncadd.s32 $0xFFFFEC00  }
0x1f: {  	[spmem:s5], [sflag:s14] =	dma.local [hbm:s9], $0x1400  }
0x20: {  	_ =	swait.ge [sflag:s15], $0x1400  }
0x21: {  	[sflag:s15] =	ssyncset.done $0x0  }
0x22: {  	[sflag:s15] =	ssyncadd.s32 $0xFFFFEC00  }
0x23: {  	p1 =	por $0x1, $0x1;
	s14 =	simm.s32 $0x0;
	[bflag:$0x0] =	sbarrier.arrive $0xFFFF  }
.LBB2_2:
0x24: {  	s14 =	sadd.s32 s10, s14  }
0x25: {  	s14 =	sshll.u32 s14, $0x4  }
0x26: {  	s9 =	simm.s32 $0x0;
	s16 =	sadd.s32 s7, s14  }
0x27: {  	[tilespmem:s9], [sflag:$0x9] =	stream.linear.gather [hbm4b:s16+s9], $0x1400, $0x38;
	[tilespmem:$0x1E800] =	vst v63  }
0x28: {  	_ =	swait.ge [sflag:s15], $0x1400  }
0x29: {  	[sflag:s15] =	ssyncset.done $0x0  }
0x2a: {  	s14 =	sadd.s32 s2, s14;
	[sflag:s15] =	ssyncadd.s32 $0xFFFFEC00  }
0x2b: {  	[tilespmem:s17], [sflag:$0x9] =	stream.linear.gather [hbm4b:s14+s9], $0x1400, $0x38;
	[tilespmem:$0x1E800] =	vst v63  }
0x2c: {  	_ =	swait.ge [sflag:s15], $0x1400  }
0x2d: {  	[sflag:s15] =	ssyncset.done $0x0  }
0x2e: {  	[sflag:s15] =	ssyncadd.s32 $0xFFFFEC00  }
0x2f: {  	[tilespmem:s19], [sflag:$0x1] =	stream.indirect.gather [hbm4b:s6+s18], $0x40, s9, s18, $0xb8;
	[tilespmem:$0x1E800] =	vst v63  }
0x30: {  	_ = 	snop  }
0x31: {  	[tilespmem:s20], [sflag:$0x2] =	stream.indirect.gather [hbm4b:s6+s18], $0x40, s18, s18, $0xb8;
	[tilespmem:$0x1E800] =	vst v63  }
0x32: {  	_ = 	snop  }
0x33: {  	[tilespmem:s22], [sflag:$0x3] =	stream.indirect.gather [hbm4b:s6+s18], $0x40, s21, s18, $0xb8;
	[tilespmem:$0x1E800] =	vst v63  }
0x34: {  	_ = 	snop  }
0x35: {  	[tilespmem:s24], [sflag:$0x4] =	stream.indirect.gather [hbm4b:s6+s18], $0x40, s23, s18, $0xb8;
	[tilespmem:$0x1E800] =	vst v63  }
0x36: {  	_ =	swait.ge [sflag:s25], $0x2000  }
0x37: {  	[sflag:s25] =	ssyncset.done $0x0  }
0x38: {  	s16 =	simm.s32 $0x1400;
	[sflag:s25] =	ssyncadd.s32 $0xFFFFE000  }
0x39: {  	[spmem:s3] =	stream.indirect.scatter.add.bf16 [tilespmem:s19], [sflag:$0x5], $0x40, s16, s18, $0xb8;
	[tilespmem:$0x1E800] =	vst v63  }
0x3a: {  	_ =	swait.ge [sflag:s26], $0x2000  }
0x3b: {  	[sflag:s26] =	ssyncset.done $0x0  }
0x3c: {  	s5 =	simm.s32 $0x1480;
	[sflag:s26] =	ssyncadd.s32 $0xFFFFE000  }
0x3d: {  	[spmem:s4] =	stream.indirect.scatter.add.bf16 [tilespmem:s20], [sflag:$0x6], $0x40, s5, s18, $0xb8;
	[tilespmem:$0x1E800] =	vst v63  }
0x3e: {  	_ =	swait.ge [sflag:s28], $0x2000  }
0x3f: {  	[sflag:s28] =	ssyncset.done $0x0  }
0x40: {  	s14 =	simm.s32 $0x1500;
	[sflag:s28] =	ssyncadd.s32 $0xFFFFE000  }
0x41: {  	[spmem:s3] =	stream.indirect.scatter.add.bf16 [tilespmem:s22], [sflag:$0x7], $0x40, s14, s18, $0xb8;
	[tilespmem:$0x1E800] =	vst v63  }
0x42: {  	_ =	swait.ge [sflag:s29], $0x2000  }
0x43: {  	[sflag:s29] =	ssyncset.done $0x0  }
0x44: {  	s16 =	simm.s32 $0x1580;
	[sflag:s29] =	ssyncadd.s32 $0xFFFFE000  }
0x45: {  	[spmem:s4] =	stream.indirect.scatter.add.bf16 [tilespmem:s24], [sflag:$0x8], $0x40, s16, s18, $0xb8;
	[tilespmem:$0x1E800] =	vst v63  }
0x46: {  	_ =	swait.ge [sflag:s30], $0x2000  }
0x47: {  	[sflag:s30] =	ssyncset.done $0x0  }
0x48: {  	s5 =	simm.s32 $0x200;
	[sflag:s30] =	ssyncadd.s32 $0xFFFFE000  }
0x49: {  	[tilespmem:s19], [sflag:$0x1] =	stream.indirect.gather [hbm4b:s6+s18], $0x40, s5, s18, $0xb8;
	[tilespmem:$0x1E800] =	vst v63  }
0x4a: {  	_ =	swait.ge [sflag:s31], $0x2000  }
0x4b: {  	[sflag:s31] =	ssyncset.done $0x0  }
0x4c: {  	s14 =	simm.s32 $0x280;
	[sflag:s31] =	ssyncadd.s32 $0xFFFFE000  }
0x4d: {  	[tilespmem:s20], [sflag:$0x2] =	stream.indirect.gather [hbm4b:s6+s18], $0x40, s14, s18, $0xb8;
	[tilespmem:$0x1E800] =	vst v63  }
0x4e: {  	_ =	swait.ge [sflag:s0], $0x2000  }
0x4f: {  	[sflag:s0] =	ssyncset.done $0x0  }
0x50: {  	s16 =	simm.s32 $0x300;
	[sflag:s0] =	ssyncadd.s32 $0xFFFFE000  }
0x51: {  	[tilespmem:s22], [sflag:$0x3] =	stream.indirect.gather [hbm4b:s6+s18], $0x40, s16, s18, $0xb8;
	[tilespmem:$0x1E800] =	vst v63  }
0x52: {  	_ =	swait.ge [sflag:s1], $0x2000  }
0x53: {  	p0 =	por p1, p1;
	[sflag:s1] =	ssyncset.done $0x0  }
0x54: {  	s14 =	simm.s32 $0x800;
	s16 =	simm.s32 $0x380;
	[sflag:s1] =	ssyncadd.s32 $0xFFFFE000  }
.LBB2_3:
0x55: {  	[tilespmem:s24], [sflag:$0x4] =	stream.indirect.gather [hbm4b:s6+s18], $0x40, s16, s18, $0xb8;
	[tilespmem:$0x1E800] =	vst v63  }
0x56: {  	s9 =	smov.u32 s14  }
0x57: {  	p1 =	sne.s32 s14, $0x4000;
	s14 =	sadd.s32 $0x800, s14;
	_ =	swait.ge [sflag:s25], $0x2000  }
0x58: {  	s16 =	sshra.s32 s9, $0x2;
	[sflag:s25] =	ssyncset.done $0x0  }
0x59: {  	s9 =	sadd.s32 $0x1400, s16;
	[sflag:s25] =	ssyncadd.s32 $0xFFFFE000  }
0x5a: {  	[spmem:s3] =	stream.indirect.scatter.add.bf16 [tilespmem:s19], [sflag:$0x5], $0x40, s9, s18, $0xb8;
	[tilespmem:$0x1E800] =	vst v63  }
0x5b: {  	_ =	swait.ge [sflag:s26], $0x2000  }
0x5c: {  	[sflag:s26] =	ssyncset.done $0x0  }
0x5d: {  	s9 =	sadd.s32 $0x1480, s16;
	[sflag:s26] =	ssyncadd.s32 $0xFFFFE000  }
0x5e: {  	[spmem:s4] =	stream.indirect.scatter.add.bf16 [tilespmem:s20], [sflag:$0x6], $0x40, s9, s18, $0xb8;
	[tilespmem:$0x1E800] =	vst v63  }
0x5f: {  	_ =	swait.ge [sflag:s28], $0x2000  }
0x60: {  	[sflag:s28] =	ssyncset.done $0x0  }
0x61: {  	s9 =	sadd.s32 $0x1500, s16;
	[sflag:s28] =	ssyncadd.s32 $0xFFFFE000  }
0x62: {  	[spmem:s3] =	stream.indirect.scatter.add.bf16 [tilespmem:s22], [sflag:$0x7], $0x40, s9, s18, $0xb8;
	[tilespmem:$0x1E800] =	vst v63  }
0x63: {  	_ =	swait.ge [sflag:s29], $0x2000  }
0x64: {  	[sflag:s29] =	ssyncset.done $0x0  }
0x65: {  	s9 =	sadd.s32 $0x1580, s16;
	[sflag:s29] =	ssyncadd.s32 $0xFFFFE000  }
0x66: {  	[spmem:s4] =	stream.indirect.scatter.add.bf16 [tilespmem:s24], [sflag:$0x8], $0x40, s9, s18, $0xb8;
	[tilespmem:$0x1E800] =	vst v63  }
0x67: {  	_ =	swait.ge [sflag:s30], $0x2000  }
0x68: {  	[sflag:s30] =	ssyncset.done $0x0  }
0x69: {  	s9 =	sadd.s32 $0x200, s16;
	[sflag:s30] =	ssyncadd.s32 $0xFFFFE000  }
0x6a: {  	[tilespmem:s19], [sflag:$0x1] =	stream.indirect.gather [hbm4b:s6+s18], $0x40, s9, s18, $0xb8;
	[tilespmem:$0x1E800] =	vst v63  }
0x6b: {  	_ =	swait.ge [sflag:s31], $0x2000  }
0x6c: {  	[sflag:s31] =	ssyncset.done $0x0  }
0x6d: {  	s9 =	sadd.s32 $0x280, s16;
	[sflag:s31] =	ssyncadd.s32 $0xFFFFE000  }
0x6e: {  	[tilespmem:s20], [sflag:$0x2] =	stream.indirect.gather [hbm4b:s6+s18], $0x40, s9, s18, $0xb8;
	[tilespmem:$0x1E800] =	vst v63  }
0x6f: {  	_ =	swait.ge [sflag:s0], $0x2000  }
0x70: {  	[sflag:s0] =	ssyncset.done $0x0  }
.Ltmp0:
0x71: {  	s9 =	sadd.s32 $0x300, s16;
	[sflag:s0] =	ssyncadd.s32 $0xFFFFE000;
	(pc) =	sbr.rel @p1 .LBB2_3-.Ltmp0, $4  }
0x72: {  	[tilespmem:s22], [sflag:$0x3] =	stream.indirect.gather [hbm4b:s6+s18], $0x40, s9, s18, $0xb8;
	[tilespmem:$0x1E800] =	vst v63  }
0x73: {  	_ =	swait.ge [sflag:s1], $0x2000  }
0x74: {  	[sflag:s1] =	ssyncset.done $0x0  }
0x75: {  	s16 =	sadd.s32 $0x380, s16;
	[sflag:s1] =	ssyncadd.s32 $0xFFFFE000  }
0x76: {  	[tilespmem:s24], [sflag:$0x4] =	stream.indirect.gather [hbm4b:s6+s18], $0x40, s16, s18, $0xb8;
	[tilespmem:$0x1E800] =	vst v63  }
0x77: {  	_ =	swait.ge [sflag:s25], $0x2000  }
0x78: {  	[sflag:s25] =	ssyncset.done $0x0  }
0x79: {  	[sflag:s25] =	ssyncadd.s32 $0xFFFFE000  }
0x7a: {  	[spmem:s3] =	stream.indirect.scatter.add.bf16 [tilespmem:s19], [sflag:$0x5], $0x40, s11, s18, $0xb8;
	[tilespmem:$0x1E800] =	vst v63  }
0x7b: {  	_ =	swait.ge [sflag:s26], $0x2000  }
0x7c: {  	[sflag:s26] =	ssyncset.done $0x0  }
0x7d: {  	[sflag:s26] =	ssyncadd.s32 $0xFFFFE000  }
0x7e: {  	[spmem:s4] =	stream.indirect.scatter.add.bf16 [tilespmem:s20], [sflag:$0x6], $0x40, s12, s18, $0xb8;
	[tilespmem:$0x1E800] =	vst v63  }
0x7f: {  	_ =	swait.ge [sflag:s28], $0x2000  }
0x80: {  	[sflag:s28] =	ssyncset.done $0x0  }
0x81: {  	[sflag:s28] =	ssyncadd.s32 $0xFFFFE000  }
0x82: {  	[spmem:s3] =	stream.indirect.scatter.add.bf16 [tilespmem:s22], [sflag:$0x7], $0x40, s13, s18, $0xb8;
	[tilespmem:$0x1E800] =	vst v63  }
0x83: {  	_ =	swait.ge [sflag:s29], $0x2000  }
0x84: {  	[sflag:s29] =	ssyncset.done $0x0  }
0x85: {  	[sflag:s29] =	ssyncadd.s32 $0xFFFFE000  }
0x86: {  	[spmem:s4] =	stream.indirect.scatter.add.bf16 [tilespmem:s24], [sflag:$0x8], $0x40, s8, s18, $0xb8;
	[tilespmem:$0x1E800] =	vst v63  }
0x87: {  	_ =	swait.ge [sflag:s30], $0x2000  }
0x88: {  	[sflag:s30] =	ssyncset.done $0x0  }
0x89: {  	[sflag:s30] =	ssyncadd.s32 $0xFFFFE000  }
0x8a: {  	_ =	swait.ge [sflag:s31], $0x2000  }
0x8b: {  	[sflag:s31] =	ssyncset.done $0x0  }
0x8c: {  	[sflag:s31] =	ssyncadd.s32 $0xFFFFE000  }
0x8d: {  	_ =	swait.ge [sflag:s0], $0x2000  }
.Ltmp1:
0x8e: {  	[sflag:s0] =	ssyncset.done $0x0;
	(pc) =	sbr.rel @p0 .LBB2_2-.Ltmp1, $4  }
0x8f: {  	[sflag:s0] =	ssyncadd.s32 $0xFFFFE000  }
0x90: {  	_ =	swait.ge [sflag:s1], $0x2000  }
0x91: {  	[sflag:s1] =	ssyncset.done $0x0  }
0x92: {  	s14 =	simm.s32 $0x28;
	p1 =	por $0x0, $0x0;
	[sflag:s1] =	ssyncadd.s32 $0xFFFFE000  }
0x93: {  	[bflag:$0x0] =	sbarrier.arrive $0xFFFF  }
0x94: {  	s14 =	rddreg [dreg:$0x6]  }
0x95: {  	s9 =	rddreg [dreg:$0x7]  }
0x96: {  	s16 =	rddreg [dreg:$0xa]  }
0x97: {  	[hbm:s9], [sflag:s14] =	dma.local [spmem:s16], $0x1400  }
0x98: {  	_ =	swait.ge [sflag:s15], $0x1400  }
0x99: {  	[sflag:s15] =	ssyncset.done $0x0;
	s17 =	rddreg [dreg:$0x8]  }
0x9a: {  	s5 =	rddreg [dreg:$0xb];
	[sflag:s15] =	ssyncadd.s32 $0xFFFFEC00  }
0x9b: {  	[hbm:s17], [sflag:s14] =	dma.local [spmem:s5], $0x1400  }
0x9c: {  	_ =	swait.ge [sflag:s15], $0x1400  }
0x9d: {  	s9 =	rddreg [dreg:$0xc]  }
0x9e: {  	s17 =	smov.u32 s2;
	s2 =	sadd.s32 $0x1, s9;
	s9 =	rddreg [dreg:$0x9]  }
0x9f: {  	p0 =	sne.s32 s2, s9  }
.Ltmp2:
0xa0: {  	_ = 	snop;
	(pc) =	sbr.rel @p0 .LBB2_1-.Ltmp2, $4  }
0xa1: {  	_ = 	snop  }
0xa2: {  	[sflag:s15] =	ssyncset.done $0x0  }
0xa3: {  	[sflag:s15] =	ssyncadd.s32 $0xFFFFEC00  }
0xa4: {  	[dreg:$0xc] =	wrdreg s2;
	s2 =	smov.u32 s17;
	s17 =	simm.s32 $0x1400  }
0xa5: {  	_ =	sfence.sel $0x180000  }
0xa6: {  	[bflag:$0x0] =	sbarrier.arrive $0xFFFF  }
0xa7: {  	_ =	strace $0x9000004A  }
0xa8: {  	s0 =	stileid.u32;
	[bflag:$0x2] =	sbarrier.arrive $0xFFFF  }
0xa9: {  	p0 =	sne.s32 s0, $0x0;
	s0 =	rddreg [dreg:$0x4]  }
0xaa: {  	s0 =	sadd.s32 @!p0 $0x100000, s0  }
0xab: {  	[sflag:s0] =	ssyncadd.tile.s32 @!p0 $0x1;
	_ =	shalt  }
.Lfunc_end2:
_tile_overlayer_lowered:
.L_overlay_start_2:
0xac: {  	(tag) =	ssettag $0x2  }
0xad: {  	s0 =	rddreg [dreg:$0x0];
	s2 =	stileid.u32  }
0xae: {  	s1 =	rddreg [dreg:$0x1];
	p0 =	sne.s32 s2, $0x0  }
0xaf: {  	s3 =	rddreg [dreg:$0x2];
	[bflag:$0x3] =	sbarrier.arrive $0xFFFF;
	s2 =	simm.s32 @!p0 $0x1C09  }
0xb0: {  	[timem:s3], [sflag:s2] =	dma.local @!p0 [hbm:s0], s1  }
0xb1: {  	s0 =	simm.s32 @!p0 $0x9  }
0xb2: {  	_ =	swait.ge @!p0 [sflag:s0], s1  }
0xb3: {  	s1 =	ssub.s32 @!p0 $0x0, s1;
	[sflag:s0] =	ssyncset.done @!p0 $0x0  }
0xb4: {  	[sflag:s0] =	ssyncadd.s32 @!p0 s1  }
0xb5: {  	[bflag:$0x3] =	sbarrier.arrive $0xFFFF  }
0xb6: {  	_ =	shalt  }

// kernel: kernel.14.cloned.1.call-start
scs
__scs_entry_jumppad:
0x0: {  	(pc) =	sbr.rel $0x88, $3  }
0x1: {  	(tag) =	ssettag $0x0;
	lr =	simm.s32 $0x1  }
0x2: {  	[smem:$0x3F9B] =	sst lr;
	_ =	strace $0xD0000000  }
0x3: {  	_ = 	snop  }
0x4: {  	_ = 	snop  }
0x5: {  	_ = 	snop  }
0x6: {  	_ = 	snop  }
0x7: {  	_ = 	snop  }
__scs_overlays_trampoline_lowered:
0x8: {  	[smem:$0x3FAA] =	sst s0  }
0x9: {  	[smem:$0x3FAB] =	sst s1  }
0xa: {  	[smem:$0x3FAC] =	sst s2  }
0xb: {  	[smem:$0x3FAD] =	sst s3  }
0xc: {  	[smem:$0x3FAE] =	sst s4  }
0xd: {  	[smem:$0x3FAF] =	sst s5  }
0xe: {  	[smem:$0x3FB0] =	sst s6  }
0xf: {  	[smem:$0x3FB1] =	sst s7  }
0x10: {  	[smem:$0x3FB2] =	sst s8  }
0x11: {  	[smem:$0x3FB3] =	sst s9;
	s0 =	simm.s32 @!p0 $0x0  }
0x12: {  	s1 =	sld [smem:$0x3F99];
	s0 =	simm.s32 @p0 $0x1  }
0x13: {  	[smem:$0x3FB4] =	sst s0;
	s0 =	simm.s32 @!p1 $0x0  }
0x14: {  	s2 =	sld [smem:$0x3F98];
	s0 =	simm.s32 @p1 $0x1  }
0x15: {  	[smem:$0x3FB5] =	sst s0;
	s0 =	simm.s32 @!p2 $0x0  }
0x16: {  	s3 =	sld [smem:$0x3FDB];
	s0 =	simm.s32 @p2 $0x1  }
0x17: {  	s4 =	simm.s32 $0x1BF5;
	[smem:$0x3FB7] =	sst s0  }
0x18: {  	s0 =	sld [smem:$0x3F9A];
	_ =	swait.ge [sflag:s4], $0x0  }
0x19: {  	s7 =	sld [smem:$0x3F9B]  }
0x1a: {  	s8 =	sadd.s32 $0xFFFFE003, lr  }
0x1b: {  	s9 =	sadd.s32 $0xFFFFFEF7, lr;
	s5 =	simm.s32 $0xFFFFFFFF;
	p2 =	slt.u32 s8, $0xFFFFF086  }
0x1c: {  	p1 =	slt.u32 s9, $0xF7A;
	s5 =	simm.s32 @!p2 $0x0  }
0x1d: {  	s5 =	simm.s32 @p1 $0x1;
	p0 =	seq.s32 s7, s2  }
0x1e: {  	s7 =	smul.u32 @!p0 $0xF7A, s2;
	p2 =	seq.s32 @!p0 s5, $0x0  }
0x1f: {  	s9 =	smul.u32 $0xF7A, s1;
	s8 =	simm.s32 @!p0 $0x1BF5;
	p2 =	por !p2, p0  }
0x20: {  	[sflag:s8] =	ssyncset.s32 @!p0 $0xFFFFF086;
	s6 =	sadd.s32 @!p0 s3, s7;
	s7 =	simm.s32 @!p0 $0x108  }
0x21: {  	s3 =	sadd.s32 s3, s9;
	s6 =	sadd.s32 @!p0 $0x88, s6;
	s7 =	simm.s32 @p2 $0x1082  }
0x22: {  	[simem:s7], [sflag:s8] =	dma.local @!p0 [hbm:s6], $0xF7A  }
0x23: {  	s9 =	sor.u32 $0xD0000000, s2;
	s6 =	simm.s32 $0x108;
	_ =	swait.ge @!p0 [sflag:s8], $0x0  }
0x24: {  	s3 =	sadd.s32 $0x88, s3;
	s6 =	simm.s32 @!p1 $0x1082;
	[sflag:s4] =	ssyncset.s32 $0xFFFFF086  }
0x25: {  	[simem:s6], [sflag:s4] =	dma.local [hbm:s3], $0xF7A  }
0x26: {  	[smem:$0x3F9B] =	sst s1;
	(tag) =	ssettag s2;
	_ =	strace s9  }
0x27: {  	s1 =	sld [smem:$0x3FAB]  }
0x28: {  	s2 =	sld [smem:$0x3FAC]  }
0x29: {  	s4 =	sld [smem:$0x3FAE]  }
0x2a: {  	p0 =	seq.s32 s5, $0x0;
	s5 =	sld [smem:$0x3FAF]  }
0x2b: {  	s6 =	sld [smem:$0x3FB0]  }
0x2c: {  	s7 =	sld [smem:$0x3FB1]  }
0x2d: {  	s3 =	simm.s32 $0x108;
	s8 =	sld [smem:$0x3FB2]  }
0x2e: {  	s3 =	simm.s32 @!p0 $0x1082;
	s9 =	sld [smem:$0x3FB3]  }
0x2f: {  	lr =	sadd.s32 s0, s3;
	s0 =	sld [smem:$0x3FAA]  }
0x30: {  	s3 =	sld [smem:$0x3FAD]  }
0x31: {  	[smem:$0x3FB6] =	sst s10  }
0x32: {  	s10 =	sld [smem:$0x3FB4];
	_ =	sdelay $0x3  }
0x33: {  	p0 =	seq.s32 s10, $0x1;
	s10 =	sld [smem:$0x3FB6];
	_ =	sdelay $0x3  }
0x34: {  	[smem:$0x3FB6] =	sst s10  }
0x35: {  	s10 =	sld [smem:$0x3FB5];
	_ =	sdelay $0x3  }
0x36: {  	p1 =	seq.s32 s10, $0x1;
	s10 =	sld [smem:$0x3FB6];
	_ =	sdelay $0x3  }
0x37: {  	[smem:$0x3FB6] =	sst s10  }
0x38: {  	s10 =	sld [smem:$0x3FB7]  }
0x39: {  	_ = 	snop;
	(pc) =	sbr.ind lr, $3  }
0x3a: {  	_ = 	snop  }
0x3b: {  	_ = 	snop  }
0x3c: {  	p2 =	seq.s32 s10, $0x1;
	s10 =	sld [smem:$0x3FB6]  }
0x3d: {  	_ =	shalt  }
0x3e: {  	_ =	shalt  }
0x3f: {  	_ =	shalt  }
0x40: {  	_ =	shalt  }
0x41: {  	_ =	shalt  }
0x42: {  	_ =	shalt  }
0x43: {  	_ =	shalt  }
0x44: {  	_ =	shalt  }
0x45: {  	_ =	shalt  }
0x46: {  	_ =	shalt  }
0x47: {  	_ =	shalt  }
0x48: {  	_ =	shalt  }
0x49: {  	_ =	shalt  }
0x4a: {  	_ =	shalt  }
0x4b: {  	_ =	shalt  }
0x4c: {  	_ =	shalt  }
0x4d: {  	_ =	shalt  }
0x4e: {  	_ =	shalt  }
0x4f: {  	_ =	shalt  }
0x50: {  	_ =	shalt  }
0x51: {  	_ =	shalt  }
0x52: {  	_ =	shalt  }
0x53: {  	_ =	shalt  }
0x54: {  	_ =	shalt  }
0x55: {  	_ =	shalt  }
0x56: {  	_ =	shalt  }
0x57: {  	_ =	shalt  }
0x58: {  	_ =	shalt  }
0x59: {  	_ =	shalt  }
0x5a: {  	_ =	shalt  }
0x5b: {  	_ =	shalt  }
0x5c: {  	_ =	shalt  }
0x5d: {  	_ =	shalt  }
0x5e: {  	_ =	shalt  }
0x5f: {  	_ =	shalt  }
0x60: {  	_ =	shalt  }
0x61: {  	_ =	shalt  }
0x62: {  	_ =	shalt  }
0x63: {  	_ =	shalt  }
0x64: {  	_ =	shalt  }
0x65: {  	_ =	shalt  }
0x66: {  	_ =	shalt  }
0x67: {  	_ =	shalt  }
0x68: {  	_ =	shalt  }
0x69: {  	_ =	shalt  }
0x6a: {  	_ =	shalt  }
0x6b: {  	_ =	shalt  }
0x6c: {  	_ =	shalt  }
0x6d: {  	_ =	shalt  }
0x6e: {  	_ =	shalt  }
0x6f: {  	_ =	shalt  }
0x70: {  	_ =	shalt  }
0x71: {  	_ =	shalt  }
0x72: {  	_ =	shalt  }
0x73: {  	_ =	shalt  }
0x74: {  	_ =	shalt  }
0x75: {  	_ =	shalt  }
0x76: {  	_ =	shalt  }
0x77: {  	_ =	shalt  }
0x78: {  	_ =	shalt  }
0x79: {  	_ =	shalt  }
0x7a: {  	_ =	shalt  }
0x7b: {  	_ =	shalt  }
0x7c: {  	_ =	shalt  }
0x7d: {  	_ =	shalt  }
0x7e: {  	_ =	shalt  }
0x7f: {  	_ =	shalt  }
0x80: {  	_ =	shalt  }
0x81: {  	_ =	shalt  }
0x82: {  	_ =	shalt  }
0x83: {  	_ =	shalt  }
0x84: {  	_ =	shalt  }
0x85: {  	_ =	shalt  }
0x86: {  	_ =	shalt  }
0x87: {  	_ =	shalt  }
.Lfunc_end0:
.L_simem_size_0:
called_computation.2_lowered:
.L_overlay_start_0:
0x88: {  	s2 =	sld [smem:$0x3FD9]  }
0x89: {  	s3 =	sld [smem:$0x3FFE];
	_ =	sdelay $0x1  }
0x8a: {  	s1 =	srdreg.scid  }
0x8b: {  	s0 =	sand.u32 $0x1, s1  }
0x8c: {  	s17 =	sshll.u32 s0, $0xA;
	s2 =	sadd.s32 s3, s2  }
0x8d: {  	s2 =	sadd.s32 s2, s17  }
0x8e: {  	[smem:$0x3FC2] =	sst s2  }
0x8f: {  	_ = 	snop  }
0x90: {  	s2 =	sld [smem:$0x3FD0];
	(tm) =	ssettm $0x1  }
0x91: {  	s18 =	sld [smem:$0x3FFB];
	_ =	sdelay $0x3  }
0x92: {  	_ =	strace s18  }
0x93: {  	s3 =	sld [smem:$0x3FFC];
	_ =	sdelay $0x3  }
0x94: {  	_ =	strace s3  }
0x95: {  	s3 =	sld [smem:$0x3FFD];
	_ =	sdelay $0x3  }
0x96: {  	_ =	strace s3  }
0x97: {  	_ =	strace $0x8FFFFFFF  }
0x98: {  	s19 =	sld [smem:$0x3FDB];
	_ =	sdelay $0x1  }
0x99: {  	s4 =	simm.s32 $_scs_section_size  }
0x9a: {  	s5 =	simm.s32 $_size__tile_overlayer_lowered;
	s6 =	simm.s32 $_tile_overlayer_lowered  }
0x9b: {  	s22 =	simm.s32 $0x1BFF;
	s21 =	sshll.u32 s6, $0x1;
	s3 =	sadd.s32 s4, s19  }
0x9c: {  	s7 =	simm.s32 $0x0;
	s20 =	sshll.u32 s5, $0x1;
	s5 =	sadd.s32 s21, s3  }
0x9d: {  	[timem:s7], [sflag:s22] =	dma.local [hbm:s5], s20  }
0x9e: {  	_ =	swait.ge [sflag:s22], s20  }
0x9f: {  	s4 =	ssub.s32 $0x0, s20;
	[sflag:s22] =	ssyncset.done $0x0  }
0xa0: {  	[sflag:s22] =	ssyncadd.s32 s4;
	_ =	sdelay $0x1  }
0xa1: {  	s23 =	simm.s32 $0x1B8B  }
0xa2: {  	_ =	swait.ge [sflag:s23], $0x1  }
0xa3: {  	[sflag:s23] =	ssyncset.done $0x0  }
0xa4: {  	s25 =	simm.s32 $0x1B8E;
	s24 =	sld [smem:$0x3FFE];
	[sflag:s23] =	ssyncadd.s32 $0xFFFFFFFF  }
0xa5: {  	s26 =	simm.s32 $execute0_lowered;
	[smem:$0x3FD2] =	sst s25  }
0xa6: {  	s5 =	sshll.u32 s26, $0x1;
	_ =	strace $0x8000004C;
	[dreg:$0x1] =	wrdreg $0xFFFFFFFF  }
0xa7: {  	s28 =	simm.s32 $_size_execute0_lowered;
	s3 =	sadd.s32 s3, s5;
	[dreg:$0x0] =	wrdreg $0x0  }
0xa8: {  	s5 =	sshll.u32 s28, $0x1;
	[dreg:$0x2] =	wrdreg s3  }
0xa9: {  	[dreg:$0x3] =	wrdreg s5  }
0xaa: {  	[dreg:$0x4] =	wrdreg $0xC0  }
0xab: {  	_ =	task [dreg:s7], $0x5FFFF  }
0xac: {  	[dreg:$0x1] =	wrdreg $0xFFFFFFFF  }
0xad: {  	[dreg:$0x0] =	wrdreg $0x60  }
0xae: {  	[dreg:$0x2] =	wrdreg s24  }
0xaf: {  	[dreg:$0x3] =	wrdreg s2  }
0xb0: {  	[dreg:$0x4] =	wrdreg $0x68000  }
0xb1: {  	[dreg:$0x5] =	wrdreg $0xB8000  }
0xb2: {  	[dreg:$0x6] =	wrdreg $0x9  }
0xb3: {  	_ =	task.clear_ibuf [dreg:s7], $0x7FFFF;
	_ =	strace $0x9000004C  }
0xb4: {  	s29 =	simm.s32 $0x9;
	_ =	strace $0x8000004E  }
0xb5: {  	_ =	swait.ge [sflag:s29], $0x1  }
0xb6: {  	[sflag:s29] =	ssyncadd.s32 $0xFFFFFFFF  }
0xb7: {  	_ =	strace $0x9000004E  }
0xb8: {  	_ =	sfence  }
0xb9: {  	s30 =	sld [smem:$0x0];
	_ =	sdelay $0x2  }
0xba: {  	s31 =	sshll.u32 s1, $0xD;
	s1 =	sshrl.u32 s1, $0x2  }
0xbb: {  	s3 =	sand.u32 $0x4000, s31;
	s1 =	sadd.s32 s1, s30  }
0xbc: {  	s0 =	sor.u32 s3, s0;
	s1 =	sshll.u32 s1, $0x11  }
0xbd: {  	s0 =	sor.u32 s1, s0  }
0xbe: {  	s0 =	sadd.s32 $0x8F2B, s0  }
0xbf: {  	[sflag:s0] =	ssyncadd.remote.s32 $0x1  }
0xc0: {  	_ =	sfence.sel $0xFFFF  }
0xc1: {  	[dreg:$0x0] =	wrdreg $0xFFFFFFFF;
	(pc) =	sbr.abs _section_cstart, $3  }
0xc2: {  	[dreg:$0x1] =	wrdreg $0xFFFFFFFF  }
0xc3: {  	_ =	task.clear_ibuf [dreg:s7], $0x2FFFF;
	_ =	strace $0x9FFFFFFF  }
0xc4: {  	(tm) =	ssettm $0x7FFFFFFF  }
0xc5: {  	_ =	shalt  }
tec
execute0_lowered:
.L_overlay_start_1:
0x0: {  	(tag) =	ssettag $0x1  }
0x1: {  	s0 =	rddreg [dreg:$0x0]  }
0x2: {  	s2 =	rddreg [dreg:$0x1]  }
0x3: {  	s3 =	rddreg [dreg:$0x2]  }
0x4: {  	s4 =	rddreg [dreg:$0x3]  }
0x5: {  	s13 =	stileid.u32;
	s1 =	srdreg.scid  }
0x6: {  	s6 =	simm.s32 $0x0;
	s5 =	simm.s32 $0x0;
	s15 =	simm.s32 $0x9  }
0x7: {  	s17 =	simm.s32 $0x1400;
	s18 =	simm.s32 $0x80;
	s19 =	simm.s32 $0x2800  }
0x8: {  	s20 =	simm.s32 $0x3800;
	s21 =	simm.s32 $0x100;
	s22 =	simm.s32 $0x4800  }
0x9: {  	s28 =	simm.s32 $0x3;
	s29 =	simm.s32 $0x4;
	s30 =	simm.s32 $0x5  }
0xa: {  	s31 =	simm.s32 $0x6;
	s8 =	smul.u32 $0xA000, s13;
	[dreg:$0xc] =	wrdreg s5  }
0xb: {  	s1 =	sand.u32 $0x1, s1;
	[smem:$0x7FF] =	sst s6;
	s6 =	sadd.s32 $0xC200, s0  }
0xc: {  	s7 =	sadd.s32 $0x20C00, s0;
	s24 =	sshll.u32 s13, $0x6;
	s9 =	smul.u32 $0x140000, s1  }
0xd: {  	_ =	strace $0x8000004D;
	s11 =	ssub.s32 $0x2, s1;
	s1 =	sshll.u32 s1, $0x4  }
0xe: {  	s14 =	sor.u32 $0x1C09, s24;
	s24 =	simm.s32 $0x5800;
	s10 =	sshrl.u32 s8, $0x4  }
0xf: {  	s23 =	sshrl.u32 s11, $0x1;
	s1 =	sor.u32 s13, s1;
	s13 =	simm.s32 $0x2700  }
0x10: {  	[dreg:$0x6] =	wrdreg s14;
	s9 =	sadd.s32 s8, s9;
	s10 =	sadd.s32 s10, s0  }
0x11: {  	s11 =	ssub.s32 s11, s23;
	s8 =	sshrl.u32 s8, $0x1;
	s23 =	simm.s32 $0x180  }
0x12: {  	s9 =	sshrl.u32 s9, $0x4;
	s12 =	sadd.s32 s8, s3;
	s10 =	sadd.s32 $0x2200, s10  }
0x13: {  	s8 =	sadd.s32 s8, s4;
	s26 =	smax.u32 s11, $0x1;
	s11 =	simm.s32 $0x2600  }
0x14: {  	s0 =	sadd.s32 s9, s0;
	[dreg:$0x5] =	wrdreg s10;
	s10 =	smul.u32 $0x50, s1  }
0x15: {  	[dreg:$0x9] =	wrdreg s26;
	s16 =	sshrl.u32 s12, $0x3;
	s5 =	sshrl.u32 s8, $0x3  }
0x16: {  	s26 =	simm.s32 $0x2;
	s1 =	simm.s32 $0x8;
	[dreg:$0xa] =	wrdreg s16  }
0x17: {  	s12 =	simm.s32 $0x2680;
	s25 =	sadd.s32 $0x7AC00, s0;
	[dreg:$0xb] =	wrdreg s5  }
0x18: {  	s8 =	simm.s32 $0x2780;
	s0 =	sadd.s32 $0x84C00, s0;
	[dreg:$0x7] =	wrdreg s25  }
0x19: {  	[dreg:$0x8] =	wrdreg s0;
	s25 =	simm.s32 $0x1;
	s0 =	simm.s32 $0x7  }
.LBB2_1:
0x1a: {  	s9 =	rddreg [dreg:$0x5]  }
0x1b: {  	[spmem:s16], [sflag:s14] =	dma.local [hbm:s9], $0xA00  }
0x1c: {  	_ =	swait.ge [sflag:s15], $0xA00  }
0x1d: {  	[sflag:s15] =	ssyncset.done $0x0  }
0x1e: {  	[sflag:s15] =	ssyncadd.s32 $0xFFFFF600  }
0x1f: {  	[spmem:s5], [sflag:s14] =	dma.local [hbm:s9], $0xA00  }
0x20: {  	_ =	swait.ge [sflag:s15], $0xA00  }
0x21: {  	[sflag:s15] =	ssyncset.done $0x0  }
0x22: {  	[sflag:s15] =	ssyncadd.s32 $0xFFFFF600  }
0x23: {  	p1 =	por $0x1, $0x1;
	s14 =	simm.s32 $0x0;
	[bflag:$0x0] =	sbarrier.arrive $0xFFFF  }
.LBB2_2:
0x24: {  	s14 =	sadd.s32 s10, s14  }
0x25: {  	s14 =	sshll.u32 s14, $0x4  }
0x26: {  	s9 =	simm.s32 $0x0;
	s16 =	sadd.s32 s7, s14  }
0x27: {  	[tilespmem:s9], [sflag:$0x9] =	stream.linear.gather [hbm4b:s16+s9], $0x1400, $0x38;
	[tilespmem:$0x10800] =	vst v63  }
0x28: {  	_ =	swait.ge [sflag:s15], $0x1400  }
0x29: {  	[sflag:s15] =	ssyncset.done $0x0  }
0x2a: {  	s14 =	sadd.s32 s2, s14;
	[sflag:s15] =	ssyncadd.s32 $0xFFFFEC00  }
0x2b: {  	[tilespmem:s17], [sflag:$0x9] =	stream.linear.gather [hbm4b:s14+s9], $0x1400, $0x38;
	[tilespmem:$0x10800] =	vst v63  }
0x2c: {  	_ =	swait.ge [sflag:s15], $0x1400  }
0x2d: {  	[sflag:s15] =	ssyncset.done $0x0  }
0x2e: {  	[sflag:s15] =	ssyncadd.s32 $0xFFFFEC00  }
0x2f: {  	[tilespmem:s19], [sflag:$0x1] =	stream.indirect.gather [hbm4b:s6+s18], $0x20, s9, s18, $0xb8;
	[tilespmem:$0x10800] =	vst v63  }
0x30: {  	_ = 	snop  }
0x31: {  	[tilespmem:s20], [sflag:$0x2] =	stream.indirect.gather [hbm4b:s6+s18], $0x20, s18, s18, $0xb8;
	[tilespmem:$0x10800] =	vst v63  }
0x32: {  	_ = 	snop  }
0x33: {  	[tilespmem:s22], [sflag:$0x3] =	stream.indirect.gather [hbm4b:s6+s18], $0x20, s21, s18, $0xb8;
	[tilespmem:$0x10800] =	vst v63  }
0x34: {  	_ = 	snop  }
0x35: {  	[tilespmem:s24], [sflag:$0x4] =	stream.indirect.gather [hbm4b:s6+s18], $0x20, s23, s18, $0xb8;
	[tilespmem:$0x10800] =	vst v63  }
0x36: {  	_ =	swait.ge [sflag:s25], $0x1000  }
0x37: {  	[sflag:s25] =	ssyncset.done $0x0  }
0x38: {  	s16 =	simm.s32 $0x1400;
	[sflag:s25] =	ssyncadd.s32 $0xFFFFF000  }
0x39: {  	[spmem:s3] =	stream.indirect.scatter.add.bf16 [tilespmem:s19], [sflag:$0x5], $0x20, s16, s18, $0xb8;
	[tilespmem:$0x10800] =	vst v63  }
0x3a: {  	_ =	swait.ge [sflag:s26], $0x1000  }
0x3b: {  	[sflag:s26] =	ssyncset.done $0x0  }
0x3c: {  	s5 =	simm.s32 $0x1480;
	[sflag:s26] =	ssyncadd.s32 $0xFFFFF000  }
0x3d: {  	[spmem:s4] =	stream.indirect.scatter.add.bf16 [tilespmem:s20], [sflag:$0x6], $0x20, s5, s18, $0xb8;
	[tilespmem:$0x10800] =	vst v63  }
0x3e: {  	_ =	swait.ge [sflag:s28], $0x1000  }
0x3f: {  	[sflag:s28] =	ssyncset.done $0x0  }
0x40: {  	s14 =	simm.s32 $0x1500;
	[sflag:s28] =	ssyncadd.s32 $0xFFFFF000  }
0x41: {  	[spmem:s3] =	stream.indirect.scatter.add.bf16 [tilespmem:s22], [sflag:$0x7], $0x20, s14, s18, $0xb8;
	[tilespmem:$0x10800] =	vst v63  }
0x42: {  	_ =	swait.ge [sflag:s29], $0x1000  }
0x43: {  	[sflag:s29] =	ssyncset.done $0x0  }
0x44: {  	s16 =	simm.s32 $0x1580;
	[sflag:s29] =	ssyncadd.s32 $0xFFFFF000  }
0x45: {  	[spmem:s4] =	stream.indirect.scatter.add.bf16 [tilespmem:s24], [sflag:$0x8], $0x20, s16, s18, $0xb8;
	[tilespmem:$0x10800] =	vst v63  }
0x46: {  	_ =	swait.ge [sflag:s30], $0x1000  }
0x47: {  	[sflag:s30] =	ssyncset.done $0x0  }
0x48: {  	s5 =	simm.s32 $0x200;
	[sflag:s30] =	ssyncadd.s32 $0xFFFFF000  }
0x49: {  	[tilespmem:s19], [sflag:$0x1] =	stream.indirect.gather [hbm4b:s6+s18], $0x20, s5, s18, $0xb8;
	[tilespmem:$0x10800] =	vst v63  }
0x4a: {  	_ =	swait.ge [sflag:s31], $0x1000  }
0x4b: {  	[sflag:s31] =	ssyncset.done $0x0  }
0x4c: {  	s14 =	simm.s32 $0x280;
	[sflag:s31] =	ssyncadd.s32 $0xFFFFF000  }
0x4d: {  	[tilespmem:s20], [sflag:$0x2] =	stream.indirect.gather [hbm4b:s6+s18], $0x20, s14, s18, $0xb8;
	[tilespmem:$0x10800] =	vst v63  }
0x4e: {  	_ =	swait.ge [sflag:s0], $0x1000  }
0x4f: {  	[sflag:s0] =	ssyncset.done $0x0  }
0x50: {  	s16 =	simm.s32 $0x300;
	[sflag:s0] =	ssyncadd.s32 $0xFFFFF000  }
0x51: {  	[tilespmem:s22], [sflag:$0x3] =	stream.indirect.gather [hbm4b:s6+s18], $0x20, s16, s18, $0xb8;
	[tilespmem:$0x10800] =	vst v63  }
0x52: {  	_ =	swait.ge [sflag:s1], $0x1000  }
0x53: {  	p0 =	por p1, p1;
	[sflag:s1] =	ssyncset.done $0x0  }
0x54: {  	s14 =	simm.s32 $0x800;
	s16 =	simm.s32 $0x380;
	[sflag:s1] =	ssyncadd.s32 $0xFFFFF000  }
.LBB2_3:
0x55: {  	[tilespmem:s24], [sflag:$0x4] =	stream.indirect.gather [hbm4b:s6+s18], $0x20, s16, s18, $0xb8;
	[tilespmem:$0x10800] =	vst v63  }
0x56: {  	s9 =	smov.u32 s14  }
0x57: {  	p1 =	sne.s32 s14, $0x4000;
	s14 =	sadd.s32 $0x800, s14;
	_ =	swait.ge [sflag:s25], $0x1000  }
0x58: {  	s16 =	sshra.s32 s9, $0x2;
	[sflag:s25] =	ssyncset.done $0x0  }
0x59: {  	s9 =	sadd.s32 $0x1400, s16;
	[sflag:s25] =	ssyncadd.s32 $0xFFFFF000  }
0x5a: {  	[spmem:s3] =	stream.indirect.scatter.add.bf16 [tilespmem:s19], [sflag:$0x5], $0x20, s9, s18, $0xb8;
	[tilespmem:$0x10800] =	vst v63  }
0x5b: {  	_ =	swait.ge [sflag:s26], $0x1000  }
0x5c: {  	[sflag:s26] =	ssyncset.done $0x0  }
0x5d: {  	s9 =	sadd.s32 $0x1480, s16;
	[sflag:s26] =	ssyncadd.s32 $0xFFFFF000  }
0x5e: {  	[spmem:s4] =	stream.indirect.scatter.add.bf16 [tilespmem:s20], [sflag:$0x6], $0x20, s9, s18, $0xb8;
	[tilespmem:$0x10800] =	vst v63  }
0x5f: {  	_ =	swait.ge [sflag:s28], $0x1000  }
0x60: {  	[sflag:s28] =	ssyncset.done $0x0  }
0x61: {  	s9 =	sadd.s32 $0x1500, s16;
	[sflag:s28] =	ssyncadd.s32 $0xFFFFF000  }
0x62: {  	[spmem:s3] =	stream.indirect.scatter.add.bf16 [tilespmem:s22], [sflag:$0x7], $0x20, s9, s18, $0xb8;
	[tilespmem:$0x10800] =	vst v63  }
0x63: {  	_ =	swait.ge [sflag:s29], $0x1000  }
0x64: {  	[sflag:s29] =	ssyncset.done $0x0  }
0x65: {  	s9 =	sadd.s32 $0x1580, s16;
	[sflag:s29] =	ssyncadd.s32 $0xFFFFF000  }
0x66: {  	[spmem:s4] =	stream.indirect.scatter.add.bf16 [tilespmem:s24], [sflag:$0x8], $0x20, s9, s18, $0xb8;
	[tilespmem:$0x10800] =	vst v63  }
0x67: {  	_ =	swait.ge [sflag:s30], $0x1000  }
0x68: {  	[sflag:s30] =	ssyncset.done $0x0  }
0x69: {  	s9 =	sadd.s32 $0x200, s16;
	[sflag:s30] =	ssyncadd.s32 $0xFFFFF000  }
0x6a: {  	[tilespmem:s19], [sflag:$0x1] =	stream.indirect.gather [hbm4b:s6+s18], $0x20, s9, s18, $0xb8;
	[tilespmem:$0x10800] =	vst v63  }
0x6b: {  	_ =	swait.ge [sflag:s31], $0x1000  }
0x6c: {  	[sflag:s31] =	ssyncset.done $0x0  }
0x6d: {  	s9 =	sadd.s32 $0x280, s16;
	[sflag:s31] =	ssyncadd.s32 $0xFFFFF000  }
0x6e: {  	[tilespmem:s20], [sflag:$0x2] =	stream.indirect.gather [hbm4b:s6+s18], $0x20, s9, s18, $0xb8;
	[tilespmem:$0x10800] =	vst v63  }
0x6f: {  	_ =	swait.ge [sflag:s0], $0x1000  }
0x70: {  	[sflag:s0] =	ssyncset.done $0x0  }
.Ltmp0:
0x71: {  	s9 =	sadd.s32 $0x300, s16;
	[sflag:s0] =	ssyncadd.s32 $0xFFFFF000;
	(pc) =	sbr.rel @p1 .LBB2_3-.Ltmp0, $4  }
0x72: {  	[tilespmem:s22], [sflag:$0x3] =	stream.indirect.gather [hbm4b:s6+s18], $0x20, s9, s18, $0xb8;
	[tilespmem:$0x10800] =	vst v63  }
0x73: {  	_ =	swait.ge [sflag:s1], $0x1000  }
0x74: {  	[sflag:s1] =	ssyncset.done $0x0  }
0x75: {  	s16 =	sadd.s32 $0x380, s16;
	[sflag:s1] =	ssyncadd.s32 $0xFFFFF000  }
0x76: {  	[tilespmem:s24], [sflag:$0x4] =	stream.indirect.gather [hbm4b:s6+s18], $0x20, s16, s18, $0xb8;
	[tilespmem:$0x10800] =	vst v63  }
0x77: {  	_ =	swait.ge [sflag:s25], $0x1000  }
0x78: {  	[sflag:s25] =	ssyncset.done $0x0  }
0x79: {  	[sflag:s25] =	ssyncadd.s32 $0xFFFFF000  }
0x7a: {  	[spmem:s3] =	stream.indirect.scatter.add.bf16 [tilespmem:s19], [sflag:$0x5], $0x20, s11, s18, $0xb8;
	[tilespmem:$0x10800] =	vst v63  }
0x7b: {  	_ =	swait.ge [sflag:s26], $0x1000  }
0x7c: {  	[sflag:s26] =	ssyncset.done $0x0  }
0x7d: {  	[sflag:s26] =	ssyncadd.s32 $0xFFFFF000  }
0x7e: {  	[spmem:s4] =	stream.indirect.scatter.add.bf16 [tilespmem:s20], [sflag:$0x6], $0x20, s12, s18, $0xb8;
	[tilespmem:$0x10800] =	vst v63  }
0x7f: {  	_ =	swait.ge [sflag:s28], $0x1000  }
0x80: {  	[sflag:s28] =	ssyncset.done $0x0  }
0x81: {  	[sflag:s28] =	ssyncadd.s32 $0xFFFFF000  }
0x82: {  	[spmem:s3] =	stream.indirect.scatter.add.bf16 [tilespmem:s22], [sflag:$0x7], $0x20, s13, s18, $0xb8;
	[tilespmem:$0x10800] =	vst v63  }
0x83: {  	_ =	swait.ge [sflag:s29], $0x1000  }
0x84: {  	[sflag:s29] =	ssyncset.done $0x0  }
0x85: {  	[sflag:s29] =	ssyncadd.s32 $0xFFFFF000  }
0x86: {  	[spmem:s4] =	stream.indirect.scatter.add.bf16 [tilespmem:s24], [sflag:$0x8], $0x20, s8, s18, $0xb8;
	[tilespmem:$0x10800] =	vst v63  }
0x87: {  	_ =	swait.ge [sflag:s30], $0x1000  }
0x88: {  	[sflag:s30] =	ssyncset.done $0x0  }
0x89: {  	[sflag:s30] =	ssyncadd.s32 $0xFFFFF000  }
0x8a: {  	_ =	swait.ge [sflag:s31], $0x1000  }
0x8b: {  	[sflag:s31] =	ssyncset.done $0x0  }
0x8c: {  	[sflag:s31] =	ssyncadd.s32 $0xFFFFF000  }
0x8d: {  	_ =	swait.ge [sflag:s0], $0x1000  }
.Ltmp1:
0x8e: {  	[sflag:s0] =	ssyncset.done $0x0;
	(pc) =	sbr.rel @p0 .LBB2_2-.Ltmp1, $4  }
0x8f: {  	[sflag:s0] =	ssyncadd.s32 $0xFFFFF000  }
0x90: {  	_ =	swait.ge [sflag:s1], $0x1000  }
0x91: {  	[sflag:s1] =	ssyncset.done $0x0  }
0x92: {  	s14 =	simm.s32 $0x28;
	p1 =	por $0x0, $0x0;
	[sflag:s1] =	ssyncadd.s32 $0xFFFFF000  }
0x93: {  	[bflag:$0x0] =	sbarrier.arrive $0xFFFF  }
0x94: {  	s14 =	rddreg [dreg:$0x6]  }
0x95: {  	s9 =	rddreg [dreg:$0x7]  }
0x96: {  	s16 =	rddreg [dreg:$0xa]  }
0x97: {  	[hbm:s9], [sflag:s14] =	dma.local [spmem:s16], $0xA00  }
0x98: {  	_ =	swait.ge [sflag:s15], $0xA00  }
0x99: {  	[sflag:s15] =	ssyncset.done $0x0;
	s17 =	rddreg [dreg:$0x8]  }
0x9a: {  	s5 =	rddreg [dreg:$0xb];
	[sflag:s15] =	ssyncadd.s32 $0xFFFFF600  }
0x9b: {  	[hbm:s17], [sflag:s14] =	dma.local [spmem:s5], $0xA00  }
0x9c: {  	_ =	swait.ge [sflag:s15], $0xA00  }
0x9d: {  	s9 =	rddreg [dreg:$0xc]  }
0x9e: {  	s17 =	smov.u32 s2;
	s2 =	sadd.s32 $0x1, s9;
	s9 =	rddreg [dreg:$0x9]  }
0x9f: {  	p0 =	sne.s32 s2, s9  }
.Ltmp2:
0xa0: {  	_ = 	snop;
	(pc) =	sbr.rel @p0 .LBB2_1-.Ltmp2, $4  }
0xa1: {  	_ = 	snop  }
0xa2: {  	[sflag:s15] =	ssyncset.done $0x0  }
0xa3: {  	[sflag:s15] =	ssyncadd.s32 $0xFFFFF600  }
0xa4: {  	[dreg:$0xc] =	wrdreg s2;
	s2 =	smov.u32 s17;
	s17 =	simm.s32 $0x1400  }
0xa5: {  	_ =	sfence.sel $0x180000  }
0xa6: {  	[bflag:$0x0] =	sbarrier.arrive $0xFFFF  }
0xa7: {  	_ =	strace $0x9000004D  }
0xa8: {  	s0 =	stileid.u32;
	[bflag:$0x2] =	sbarrier.arrive $0xFFFF  }
0xa9: {  	p0 =	sne.s32 s0, $0x0;
	s0 =	rddreg [dreg:$0x4]  }
0xaa: {  	s0 =	sadd.s32 @!p0 $0x100000, s0  }
0xab: {  	[sflag:s0] =	ssyncadd.tile.s32 @!p0 $0x1;
	_ =	shalt  }
.Lfunc_end2:
_tile_overlayer_lowered:
.L_overlay_start_2:
0xac: {  	(tag) =	ssettag $0x2  }
0xad: {  	s0 =	rddreg [dreg:$0x0];
	s2 =	stileid.u32  }
0xae: {  	s1 =	rddreg [dreg:$0x1];
	p0 =	sne.s32 s2, $0x0  }
0xaf: {  	s3 =	rddreg [dreg:$0x2];
	[bflag:$0x3] =	sbarrier.arrive $0xFFFF;
	s2 =	simm.s32 @!p0 $0x1C09  }
0xb0: {  	[timem:s3], [sflag:s2] =	dma.local @!p0 [hbm:s0], s1  }
0xb1: {  	s0 =	simm.s32 @!p0 $0x9  }
0xb2: {  	_ =	swait.ge @!p0 [sflag:s0], s1  }
0xb3: {  	s1 =	ssub.s32 @!p0 $0x0, s1;
	[sflag:s0] =	ssyncset.done @!p0 $0x0  }
0xb4: {  	[sflag:s0] =	ssyncadd.s32 @!p0 s1  }
0xb5: {  	[bflag:$0x3] =	sbarrier.arrive $0xFFFF  }
0xb6: {  	_ =	shalt  }

// kernel: kernel.8.cloned.1.call-start
scs
__scs_entry_jumppad:
0x0: {  	(pc) =	sbr.rel $0x88, $3  }
0x1: {  	(tag) =	ssettag $0x0;
	lr =	simm.s32 $0x1  }
0x2: {  	[smem:$0x3F9B] =	sst lr;
	_ =	strace $0xD0000000  }
0x3: {  	_ = 	snop  }
0x4: {  	_ = 	snop  }
0x5: {  	_ = 	snop  }
0x6: {  	_ = 	snop  }
0x7: {  	_ = 	snop  }
__scs_overlays_trampoline_lowered:
0x8: {  	[smem:$0x3FAA] =	sst s0  }
0x9: {  	[smem:$0x3FAB] =	sst s1  }
0xa: {  	[smem:$0x3FAC] =	sst s2  }
0xb: {  	[smem:$0x3FAD] =	sst s3  }
0xc: {  	[smem:$0x3FAE] =	sst s4  }
0xd: {  	[smem:$0x3FAF] =	sst s5  }
0xe: {  	[smem:$0x3FB0] =	sst s6  }
0xf: {  	[smem:$0x3FB1] =	sst s7  }
0x10: {  	[smem:$0x3FB2] =	sst s8  }
0x11: {  	[smem:$0x3FB3] =	sst s9;
	s0 =	simm.s32 @!p0 $0x0  }
0x12: {  	s1 =	sld [smem:$0x3F99];
	s0 =	simm.s32 @p0 $0x1  }
0x13: {  	[smem:$0x3FB4] =	sst s0;
	s0 =	simm.s32 @!p1 $0x0  }
0x14: {  	s2 =	sld [smem:$0x3F98];
	s0 =	simm.s32 @p1 $0x1  }
0x15: {  	[smem:$0x3FB5] =	sst s0;
	s0 =	simm.s32 @!p2 $0x0  }
0x16: {  	s3 =	sld [smem:$0x3FDB];
	s0 =	simm.s32 @p2 $0x1  }
0x17: {  	s4 =	simm.s32 $0x1BF5;
	[smem:$0x3FB7] =	sst s0  }
0x18: {  	s0 =	sld [smem:$0x3F9A];
	_ =	swait.ge [sflag:s4], $0x0  }
0x19: {  	s7 =	sld [smem:$0x3F9B]  }
0x1a: {  	s8 =	sadd.s32 $0xFFFFE003, lr  }
0x1b: {  	s9 =	sadd.s32 $0xFFFFFEF7, lr;
	s5 =	simm.s32 $0xFFFFFFFF;
	p2 =	slt.u32 s8, $0xFFFFF086  }
0x1c: {  	p1 =	slt.u32 s9, $0xF7A;
	s5 =	simm.s32 @!p2 $0x0  }
0x1d: {  	s5 =	simm.s32 @p1 $0x1;
	p0 =	seq.s32 s7, s2  }
0x1e: {  	s7 =	smul.u32 @!p0 $0xF7A, s2;
	p2 =	seq.s32 @!p0 s5, $0x0  }
0x1f: {  	s9 =	smul.u32 $0xF7A, s1;
	s8 =	simm.s32 @!p0 $0x1BF5;
	p2 =	por !p2, p0  }
0x20: {  	[sflag:s8] =	ssyncset.s32 @!p0 $0xFFFFF086;
	s6 =	sadd.s32 @!p0 s3, s7;
	s7 =	simm.s32 @!p0 $0x108  }
0x21: {  	s3 =	sadd.s32 s3, s9;
	s6 =	sadd.s32 @!p0 $0x88, s6;
	s7 =	simm.s32 @p2 $0x1082  }
0x22: {  	[simem:s7], [sflag:s8] =	dma.local @!p0 [hbm:s6], $0xF7A  }
0x23: {  	s9 =	sor.u32 $0xD0000000, s2;
	s6 =	simm.s32 $0x108;
	_ =	swait.ge @!p0 [sflag:s8], $0x0  }
0x24: {  	s3 =	sadd.s32 $0x88, s3;
	s6 =	simm.s32 @!p1 $0x1082;
	[sflag:s4] =	ssyncset.s32 $0xFFFFF086  }
0x25: {  	[simem:s6], [sflag:s4] =	dma.local [hbm:s3], $0xF7A  }
0x26: {  	[smem:$0x3F9B] =	sst s1;
	(tag) =	ssettag s2;
	_ =	strace s9  }
0x27: {  	s1 =	sld [smem:$0x3FAB]  }
0x28: {  	s2 =	sld [smem:$0x3FAC]  }
0x29: {  	s4 =	sld [smem:$0x3FAE]  }
0x2a: {  	p0 =	seq.s32 s5, $0x0;
	s5 =	sld [smem:$0x3FAF]  }
0x2b: {  	s6 =	sld [smem:$0x3FB0]  }
0x2c: {  	s7 =	sld [smem:$0x3FB1]  }
0x2d: {  	s3 =	simm.s32 $0x108;
	s8 =	sld [smem:$0x3FB2]  }
0x2e: {  	s3 =	simm.s32 @!p0 $0x1082;
	s9 =	sld [smem:$0x3FB3]  }
0x2f: {  	lr =	sadd.s32 s0, s3;
	s0 =	sld [smem:$0x3FAA]  }
0x30: {  	s3 =	sld [smem:$0x3FAD]  }
0x31: {  	[smem:$0x3FB6] =	sst s10  }
0x32: {  	s10 =	sld [smem:$0x3FB4];
	_ =	sdelay $0x3  }
0x33: {  	p0 =	seq.s32 s10, $0x1;
	s10 =	sld [smem:$0x3FB6];
	_ =	sdelay $0x3  }
0x34: {  	[smem:$0x3FB6] =	sst s10  }
0x35: {  	s10 =	sld [smem:$0x3FB5];
	_ =	sdelay $0x3  }
0x36: {  	p1 =	seq.s32 s10, $0x1;
	s10 =	sld [smem:$0x3FB6];
	_ =	sdelay $0x3  }
0x37: {  	[smem:$0x3FB6] =	sst s10  }
0x38: {  	s10 =	sld [smem:$0x3FB7]  }
0x39: {  	_ = 	snop;
	(pc) =	sbr.ind lr, $3  }
0x3a: {  	_ = 	snop  }
0x3b: {  	_ = 	snop  }
0x3c: {  	p2 =	seq.s32 s10, $0x1;
	s10 =	sld [smem:$0x3FB6]  }
0x3d: {  	_ =	shalt  }
0x3e: {  	_ =	shalt  }
0x3f: {  	_ =	shalt  }
0x40: {  	_ =	shalt  }
0x41: {  	_ =	shalt  }
0x42: {  	_ =	shalt  }
0x43: {  	_ =	shalt  }
0x44: {  	_ =	shalt  }
0x45: {  	_ =	shalt  }
0x46: {  	_ =	shalt  }
0x47: {  	_ =	shalt  }
0x48: {  	_ =	shalt  }
0x49: {  	_ =	shalt  }
0x4a: {  	_ =	shalt  }
0x4b: {  	_ =	shalt  }
0x4c: {  	_ =	shalt  }
0x4d: {  	_ =	shalt  }
0x4e: {  	_ =	shalt  }
0x4f: {  	_ =	shalt  }
0x50: {  	_ =	shalt  }
0x51: {  	_ =	shalt  }
0x52: {  	_ =	shalt  }
0x53: {  	_ =	shalt  }
0x54: {  	_ =	shalt  }
0x55: {  	_ =	shalt  }
0x56: {  	_ =	shalt  }
0x57: {  	_ =	shalt  }
0x58: {  	_ =	shalt  }
0x59: {  	_ =	shalt  }
0x5a: {  	_ =	shalt  }
0x5b: {  	_ =	shalt  }
0x5c: {  	_ =	shalt  }
0x5d: {  	_ =	shalt  }
0x5e: {  	_ =	shalt  }
0x5f: {  	_ =	shalt  }
0x60: {  	_ =	shalt  }
0x61: {  	_ =	shalt  }
0x62: {  	_ =	shalt  }
0x63: {  	_ =	shalt  }
0x64: {  	_ =	shalt  }
0x65: {  	_ =	shalt  }
0x66: {  	_ =	shalt  }
0x67: {  	_ =	shalt  }
0x68: {  	_ =	shalt  }
0x69: {  	_ =	shalt  }
0x6a: {  	_ =	shalt  }
0x6b: {  	_ =	shalt  }
0x6c: {  	_ =	shalt  }
0x6d: {  	_ =	shalt  }
0x6e: {  	_ =	shalt  }
0x6f: {  	_ =	shalt  }
0x70: {  	_ =	shalt  }
0x71: {  	_ =	shalt  }
0x72: {  	_ =	shalt  }
0x73: {  	_ =	shalt  }
0x74: {  	_ =	shalt  }
0x75: {  	_ =	shalt  }
0x76: {  	_ =	shalt  }
0x77: {  	_ =	shalt  }
0x78: {  	_ =	shalt  }
0x79: {  	_ =	shalt  }
0x7a: {  	_ =	shalt  }
0x7b: {  	_ =	shalt  }
0x7c: {  	_ =	shalt  }
0x7d: {  	_ =	shalt  }
0x7e: {  	_ =	shalt  }
0x7f: {  	_ =	shalt  }
0x80: {  	_ =	shalt  }
0x81: {  	_ =	shalt  }
0x82: {  	_ =	shalt  }
0x83: {  	_ =	shalt  }
0x84: {  	_ =	shalt  }
0x85: {  	_ =	shalt  }
0x86: {  	_ =	shalt  }
0x87: {  	_ =	shalt  }
.Lfunc_end0:
.L_simem_size_0:
called_computation_lowered:
.L_overlay_start_0:
0x88: {  	s2 =	sld [smem:$0x3FD9]  }
0x89: {  	s3 =	sld [smem:$0x3FFE];
	_ =	sdelay $0x1  }
0x8a: {  	s1 =	srdreg.scid  }
0x8b: {  	s0 =	sand.u32 $0x1, s1  }
0x8c: {  	s16 =	sshll.u32 s0, $0xA;
	s2 =	sadd.s32 s3, s2  }
0x8d: {  	s2 =	sadd.s32 s2, s16  }
0x8e: {  	[smem:$0x3FC2] =	sst s2  }
0x8f: {  	_ = 	snop  }
0x90: {  	(tm) =	ssettm $0x1  }
0x91: {  	s17 =	sld [smem:$0x3FFB];
	_ =	sdelay $0x3  }
0x92: {  	_ =	strace s17  }
0x93: {  	s2 =	sld [smem:$0x3FFC];
	_ =	sdelay $0x3  }
0x94: {  	_ =	strace s2  }
0x95: {  	s2 =	sld [smem:$0x3FFD];
	_ =	sdelay $0x3  }
0x96: {  	_ =	strace s2  }
0x97: {  	_ =	strace $0x8FFFFFFF  }
0x98: {  	s18 =	sld [smem:$0x3FDB];
	_ =	sdelay $0x1  }
0x99: {  	s19 =	simm.s32 $_scs_section_size  }
0x9a: {  	s4 =	simm.s32 $_size__tile_overlayer_lowered;
	s5 =	simm.s32 $_tile_overlayer_lowered  }
0x9b: {  	s22 =	simm.s32 $0x1BFF;
	s21 =	sshll.u32 s5, $0x1;
	s2 =	sadd.s32 s19, s18  }
0x9c: {  	s6 =	simm.s32 $0x0;
	s20 =	sshll.u32 s4, $0x1;
	s4 =	sadd.s32 s21, s2  }
0x9d: {  	[timem:s6], [sflag:s22] =	dma.local [hbm:s4], s20  }
0x9e: {  	_ =	swait.ge [sflag:s22], s20  }
0x9f: {  	s3 =	ssub.s32 $0x0, s20;
	[sflag:s22] =	ssyncset.done $0x0  }
0xa0: {  	[sflag:s22] =	ssyncadd.s32 s3;
	_ =	sdelay $0x1  }
0xa1: {  	s23 =	simm.s32 $0x1B8B  }
0xa2: {  	_ =	swait.ge [sflag:s23], $0x1  }
0xa3: {  	[sflag:s23] =	ssyncset.done $0x0  }
0xa4: {  	s25 =	simm.s32 $0x1B8E;
	s24 =	sld [smem:$0x3FFE];
	[sflag:s23] =	ssyncadd.s32 $0xFFFFFFFF  }
0xa5: {  	s26 =	simm.s32 $execute0_lowered;
	[smem:$0x3FD2] =	sst s25  }
0xa6: {  	s4 =	sshll.u32 s26, $0x1;
	_ =	strace $0x80000046;
	[dreg:$0x1] =	wrdreg $0xFFFFFFFF  }
0xa7: {  	s28 =	simm.s32 $_size_execute0_lowered;
	s2 =	sadd.s32 s2, s4;
	[dreg:$0x0] =	wrdreg $0x0  }
0xa8: {  	s4 =	sshll.u32 s28, $0x1;
	[dreg:$0x2] =	wrdreg s2  }
0xa9: {  	[dreg:$0x3] =	wrdreg s4  }
0xaa: {  	[dreg:$0x4] =	wrdreg $0xC0  }
0xab: {  	_ =	task [dreg:s6], $0x5FFFF  }
0xac: {  	[dreg:$0x1] =	wrdreg $0xFFFFFFFF  }
0xad: {  	[dreg:$0x0] =	wrdreg $0x60  }
0xae: {  	[dreg:$0x2] =	wrdreg s24  }
0xaf: {  	[dreg:$0x3] =	wrdreg $0x7A800  }
0xb0: {  	[dreg:$0x4] =	wrdreg $0x9  }
0xb1: {  	_ =	task.clear_ibuf [dreg:s6], $0x5FFFF;
	_ =	strace $0x90000046  }
0xb2: {  	s29 =	simm.s32 $0x9;
	_ =	strace $0x80000048  }
0xb3: {  	_ =	swait.ge [sflag:s29], $0x1  }
0xb4: {  	[sflag:s29] =	ssyncadd.s32 $0xFFFFFFFF  }
0xb5: {  	_ =	strace $0x90000048  }
0xb6: {  	_ =	sfence  }
0xb7: {  	s30 =	sld [smem:$0x0];
	_ =	sdelay $0x2  }
0xb8: {  	s31 =	sshll.u32 s1, $0xD;
	s1 =	sshrl.u32 s1, $0x2  }
0xb9: {  	s3 =	sand.u32 $0x4000, s31;
	s1 =	sadd.s32 s1, s30  }
0xba: {  	s0 =	sor.u32 s3, s0;
	s1 =	sshll.u32 s1, $0x11  }
0xbb: {  	s0 =	sor.u32 s1, s0  }
0xbc: {  	s0 =	sadd.s32 $0x8F2B, s0  }
0xbd: {  	[sflag:s0] =	ssyncadd.remote.s32 $0x1  }
0xbe: {  	_ =	sfence.sel $0xFFFF  }
0xbf: {  	[dreg:$0x0] =	wrdreg $0xFFFFFFFF;
	(pc) =	sbr.abs _section_cstart, $3  }
0xc0: {  	[dreg:$0x1] =	wrdreg $0xFFFFFFFF  }
0xc1: {  	_ =	task.clear_ibuf [dreg:s6], $0x2FFFF;
	_ =	strace $0x9FFFFFFF  }
0xc2: {  	(tm) =	ssettm $0x7FFFFFFF  }
0xc3: {  	_ =	shalt  }
tec
execute0_lowered:
.L_overlay_start_1:
0x0: {  	(tag) =	ssettag $0x1  }
0x1: {  	s0 =	srdreg.scid  }
0x2: {  	s1 =	rddreg [dreg:$0x0];
	s7 =	stileid.u32  }
0x3: {  	s3 =	rddreg [dreg:$0x1];
	s4 =	simm.s32 $0x0;
	s0 =	sand.u32 $0x1, s0  }
0x4: {  	[smem:$0x7FF] =	sst s4;
	s12 =	smul.u32 $0x500, s7;
	s13 =	sshrl.u32 s7, $0x3  }
0x5: {  	s6 =	smul.u32 $0x5000, s7;
	s15 =	sshll.u32 s7, $0x7;
	s2 =	sshll.u32 s0, $0x4  }
0x6: {  	s5 =	sshll.u32 s0, $0x7;
	s0 =	ssub.s32 $0x2, s0;
	s2 =	sor.u32 s7, s2  }
0x7: {  	s4 =	sor.u32 s5, s12;
	s5 =	smul.u32 $0x50000, s13;
	s14 =	sshrl.u32 s0, $0x1  }
0x8: {  	_ =	strace $0x80000047;
	s2 =	smul.u32 $0x500, s2;
	s0 =	ssub.s32 s0, s14  }
0x9: {  	s4 =	sshrl.u32 s4, $0x3;
	s5 =	sshrl.u32 s5, $0x2;
	s0 =	smax.u32 s0, $0x1  }
0xa: {  	s2 =	sadd.s32 s2, s1;
	s1 =	sadd.s32 s4, s1;
	s4 =	sand.u32 $0x380, s15  }
0xb: {  	s5 =	sadd.s32 s5, s3;
	[dreg:$0x15] =	wrdreg s0;
	s2 =	sadd.s32 $0x2200, s2  }
0xc: {  	s6 =	sshrl.u32 s6, $0x2;
	s16 =	sadd.s32 s4, s5;
	[dreg:$0x3] =	wrdreg s2  }
0xd: {  	s5 =	sadd.s32 s6, s3;
	s1 =	sadd.s32 $0xC200, s1;
	[dreg:$0x4] =	wrdreg s16  }
0xe: {  	s17 =	sadd.s32 $0x80, s5;
	[dreg:$0x14] =	wrdreg s1  }
0xf: {  	s18 =	sadd.s32 $0x100, s5;
	[dreg:$0x5] =	wrdreg s17  }
0x10: {  	s19 =	sadd.s32 $0x180, s5;
	[dreg:$0x6] =	wrdreg s18  }
0x11: {  	s20 =	sadd.s32 $0x200, s5;
	[dreg:$0x7] =	wrdreg s19  }
0x12: {  	s21 =	sadd.s32 $0x280, s5;
	[dreg:$0x8] =	wrdreg s20  }
0x13: {  	s22 =	sadd.s32 $0x300, s5;
	[dreg:$0x9] =	wrdreg s21  }
0x14: {  	s23 =	sadd.s32 $0x380, s5;
	[dreg:$0xa] =	wrdreg s22  }
0x15: {  	s24 =	sadd.s32 $0x14000, s5;
	[dreg:$0xb] =	wrdreg s23  }
0x16: {  	s25 =	sadd.s32 $0x14080, s5;
	[dreg:$0xc] =	wrdreg s24  }
0x17: {  	s26 =	sadd.s32 $0x14100, s5;
	[dreg:$0xd] =	wrdreg s25  }
0x18: {  	s3 =	sadd.s32 $0x14180, s5;
	[dreg:$0xe] =	wrdreg s26  }
0x19: {  	s4 =	sadd.s32 $0x14200, s5;
	[dreg:$0xf] =	wrdreg s3  }
0x1a: {  	s6 =	sadd.s32 $0x14280, s5;
	[dreg:$0x10] =	wrdreg s4  }
0x1b: {  	s7 =	sadd.s32 $0x14300, s5;
	[dreg:$0x11] =	wrdreg s6  }
0x1c: {  	s8 =	sadd.s32 $0x14380, s5;
	[dreg:$0x12] =	wrdreg s7  }
0x1d: {  	s9 =	sadd.s32 $0x400, s5;
	[dreg:$0x13] =	wrdreg s8  }
0x1e: {  	s10 =	sadd.s32 $0x800, s5;
	[dreg:$0x16] =	wrdreg s9  }
0x1f: {  	s11 =	sadd.s32 $0xC00, s5;
	[dreg:$0x17] =	wrdreg s10  }
0x20: {  	s12 =	sadd.s32 $0x1000, s5;
	[dreg:$0x18] =	wrdreg s11  }
0x21: {  	s13 =	sadd.s32 $0x480, s5;
	[dreg:$0x19] =	wrdreg s12  }
0x22: {  	s14 =	sadd.s32 $0x880, s5;
	[dreg:$0x1a] =	wrdreg s13  }
0x23: {  	s15 =	sadd.s32 $0xC80, s5;
	[dreg:$0x1b] =	wrdreg s14  }
0x24: {  	s16 =	sadd.s32 $0x1080, s5;
	[dreg:$0x1c] =	wrdreg s15  }
0x25: {  	s1 =	sadd.s32 $0xE00, s5;
	[dreg:$0x1d] =	wrdreg s16  }
0x26: {  	s2 =	sadd.s32 $0x1200, s5;
	[smem:$0x7E5] =	sst s1  }
0x27: {  	s17 =	sadd.s32 $0x500, s5;
	[smem:$0x7E6] =	sst s2  }
0x28: {  	s18 =	sadd.s32 $0x900, s5;
	[dreg:$0x1e] =	wrdreg s17  }
0x29: {  	s19 =	sadd.s32 $0xD00, s5;
	[dreg:$0x1f] =	wrdreg s18  }
0x2a: {  	s20 =	sadd.s32 $0x1100, s5;
	[smem:$0x7DD] =	sst s19  }
0x2b: {  	s21 =	sadd.s32 $0x580, s5;
	[smem:$0x7DE] =	sst s20  }
0x2c: {  	s22 =	sadd.s32 $0x980, s5;
	[smem:$0x7DF] =	sst s21  }
0x2d: {  	s23 =	sadd.s32 $0xD80, s5;
	[smem:$0x7E0] =	sst s22  }
0x2e: {  	s24 =	sadd.s32 $0x1180, s5;
	[smem:$0x7E1] =	sst s23  }
0x2f: {  	s25 =	sadd.s32 $0x600, s5;
	[smem:$0x7E2] =	sst s24  }
0x30: {  	s26 =	sadd.s32 $0xA00, s5;
	[smem:$0x7E3] =	sst s25  }
0x31: {  	s3 =	sadd.s32 $0x680, s5;
	[smem:$0x7E4] =	sst s26  }
0x32: {  	s4 =	sadd.s32 $0xA80, s5;
	[smem:$0x7E7] =	sst s3  }
0x33: {  	s6 =	sadd.s32 $0xE80, s5;
	[smem:$0x7E8] =	sst s4  }
0x34: {  	s7 =	sadd.s32 $0x1280, s5;
	[smem:$0x7E9] =	sst s6  }
0x35: {  	s8 =	sadd.s32 $0x700, s5;
	[smem:$0x7EA] =	sst s7  }
0x36: {  	s9 =	sadd.s32 $0xB00, s5;
	[smem:$0x7EB] =	sst s8  }
0x37: {  	s10 =	sadd.s32 $0xF00, s5;
	[smem:$0x7EC] =	sst s9  }
0x38: {  	s11 =	sadd.s32 $0x1300, s5;
	[smem:$0x7ED] =	sst s10  }
0x39: {  	s12 =	sadd.s32 $0x780, s5;
	[smem:$0x7EE] =	sst s11  }
0x3a: {  	s28 =	simm.s32 $0x1;
	s13 =	sadd.s32 $0xB80, s5;
	[smem:$0x7EF] =	sst s12  }
0x3b: {  	s29 =	simm.s32 $0x2800;
	s14 =	sadd.s32 $0xF80, s5;
	[smem:$0x7F0] =	sst s13  }
0x3c: {  	s30 =	simm.s32 $0x80;
	s15 =	sadd.s32 $0x1380, s5;
	[smem:$0x7F1] =	sst s14  }
0x3d: {  	s31 =	simm.s32 $0x0;
	s16 =	sadd.s32 $0x14400, s5;
	[smem:$0x7F2] =	sst s15  }
0x3e: {  	[smem:$0x7F3] =	sst s16;
	s17 =	sadd.s32 $0x14800, s5;
	s18 =	sadd.s32 $0x14C00, s5  }
0x3f: {  	s19 =	sadd.s32 $0x15000, s5;
	s20 =	sadd.s32 $0x14480, s5;
	[smem:$0x7F4] =	sst s17  }
0x40: {  	s21 =	sadd.s32 $0x14880, s5;
	s22 =	sadd.s32 $0x14C80, s5;
	[smem:$0x7F5] =	sst s18  }
0x41: {  	s23 =	sadd.s32 $0x15080, s5;
	s24 =	sadd.s32 $0x14500, s5;
	[smem:$0x7F6] =	sst s19  }
0x42: {  	s25 =	sadd.s32 $0x14900, s5;
	s26 =	sadd.s32 $0x14D00, s5;
	[smem:$0x7F7] =	sst s20  }
0x43: {  	s6 =	sadd.s32 $0x15100, s5;
	s7 =	sadd.s32 $0x14580, s5;
	[smem:$0x7F8] =	sst s21  }
0x44: {  	s8 =	sadd.s32 $0x14980, s5;
	s9 =	sadd.s32 $0x14D80, s5;
	[smem:$0x7F9] =	sst s22  }
0x45: {  	s10 =	sadd.s32 $0x15180, s5;
	s11 =	sadd.s32 $0x14600, s5;
	[smem:$0x7FA] =	sst s23  }
0x46: {  	s12 =	sadd.s32 $0x14A00, s5;
	s13 =	sadd.s32 $0x14E00, s5;
	[smem:$0x7FB] =	sst s24  }
0x47: {  	s14 =	sadd.s32 $0x15200, s5;
	s15 =	sadd.s32 $0x14680, s5;
	[smem:$0x7FC] =	sst s25  }
0x48: {  	s16 =	sadd.s32 $0x14A80, s5;
	[smem:$0x7FD] =	sst s26;
	s17 =	sadd.s32 $0x14E80, s5  }
0x49: {  	s18 =	sadd.s32 $0x15280, s5;
	s19 =	sadd.s32 $0x14700, s5;
	s20 =	sadd.s32 $0x14B00, s5  }
0x4a: {  	s21 =	sadd.s32 $0x14F00, s5;
	s22 =	sadd.s32 $0x15300, s5;
	s23 =	sadd.s32 $0x14780, s5  }
0x4b: {  	v0 =	vimm.f32 $0.0e+00;
	v1 =	vimm.f32 $1.000000000e+00;
	s24 =	sadd.s32 $0x14B80, s5;
	s25 =	sadd.s32 $0x14F80, s5;
	s26 =	sadd.s32 $0x15380, s5  }
.LBB2_1:
0x4c: {  	s0 =	simm.s32 $0x0;
	s1 =	rddreg [dreg:$0x3]  }
0x4d: {  	[tilespmem:s0], [sflag:$0x1] =	stream.linear.gather [hbm4b:s1+s0], $0x2800, $0x38;
	[tilespmem:$0xA280] =	vst v63  }
0x4e: {  	_ =	swait.ge [sflag:s28], $0x2800  }
0x4f: {  	[sflag:s28] =	ssyncset.done $0x0  }
0x50: {  	s0 =	simm.s32 $0x0;
	[sflag:s28] =	ssyncadd.s32 $0xFFFFD800  }
.LBB2_2:
0x51: {  	p0 =	sne.s32 s0, $0x9FC0  }
.Ltmp0:
0x52: {  	_ = 	snop;
	(pc) =	sbr.rel @p0 .LBB2_2-.Ltmp0, $3  }
0x53: {  	_ =	sdelay $0x1  }
0x54: {  	s1 =	sshra.s32 s0, $0x2  }
0x55: {  	s0 =	sadd.s32 $0x40, s0;
	[tilespmem:s1+$0x2800] =	vst v0  }
0x56: {  	s0 =	simm.s32 $0x0  }
.LBB2_4:
0x57: {  	s1 =	sshra.s32 s0, $0x2  }
0x58: {  	v2 =	vld [tilespmem:s1+$0x0];
	_ =	sdelay $0x7  }
0x59: {  	[tilespmem:v2+s29+$0x0] =	vst.idx.add.f32.msk $0xffff, v1  }
0x5a: {  	v2 =	vld [tilespmem:s1+$0x10];
	_ =	sdelay $0x7  }
0x5b: {  	[tilespmem:v2+s29+$0x0] =	vst.idx.add.f32.msk $0xffff, v1  }
0x5c: {  	v2 =	vld [tilespmem:s1+$0x20];
	_ =	sdelay $0x7  }
0x5d: {  	[tilespmem:v2+s29+$0x0] =	vst.idx.add.f32.msk $0xffff, v1  }
0x5e: {  	v2 =	vld [tilespmem:s1+$0x30];
	_ =	sdelay $0x7  }
0x5f: {  	[tilespmem:v2+s29+$0x0] =	vst.idx.add.f32.msk $0xffff, v1  }
0x60: {  	v2 =	vld [tilespmem:s1+$0x40];
	_ =	sdelay $0x7  }
0x61: {  	[tilespmem:v2+s29+$0x0] =	vst.idx.add.f32.msk $0xffff, v1  }
0x62: {  	v2 =	vld [tilespmem:s1+$0x50];
	_ =	sdelay $0x7  }
0x63: {  	[tilespmem:v2+s29+$0x0] =	vst.idx.add.f32.msk $0xffff, v1  }
0x64: {  	v2 =	vld [tilespmem:s1+$0x60];
	_ =	sdelay $0x7  }
0x65: {  	[tilespmem:v2+s29+$0x0] =	vst.idx.add.f32.msk $0xffff, v1  }
0x66: {  	v2 =	vld [tilespmem:s1+$0x70];
	_ =	sdelay $0x2  }
0x67: {  	p0 =	sne.s32 s0, $0x9E00  }
.Ltmp1:
0x68: {  	_ = 	snop;
	(pc) =	sbr.rel @p0 .LBB2_4-.Ltmp1, $2  }
0x69: {  	_ =	sdelay $0x2  }
0x6a: {  	s0 =	sadd.s32 $0x200, s0;
	[tilespmem:v2+s29+$0x0] =	vst.idx.add.f32.msk $0xffff, v1  }
0x6b: {  	s0 =	rddreg [dreg:$0x4];
	s1 =	simm.s32 $0x400  }
0x6c: {  	[spmem:s0] =	stream.strided.scatter [tilespmem:s29], [sflag:$0x1], $0x2800, s1, s30, $0x38;
	[tilespmem:$0xA280] =	vst v63  }
0x6d: {  	_ =	swait.ge [sflag:s28], $0x2800  }
0x6e: {  	[sflag:s28] =	ssyncset.done $0x0  }
0x6f: {  	[sflag:s28] =	ssyncadd.s32 $0xFFFFD800  }
0x70: {  	s2 =	simm.s32 $0x5000;
	[bflag:$0x0] =	sbarrier.arrive $0xFFFF  }
0x71: {  	[tilespmem:s2], [sflag:$0x1] =	stream.linear.gather [spmem:s5], $0x80, $0x38;
	[tilespmem:$0xA280] =	vst v63  }
0x72: {  	s4 =	simm.s32 $0x5400;
	s3 =	rddreg [dreg:$0x16]  }
0x73: {  	[tilespmem:s4], [sflag:$0x1] =	stream.linear.gather [spmem:s3], $0x80, $0x38;
	[tilespmem:$0xA280] =	vst v63  }
0x74: {  	s1 =	rddreg [dreg:$0x17];
	s2 =	simm.s32 $0x5800  }
0x75: {  	[tilespmem:s2], [sflag:$0x1] =	stream.linear.gather [spmem:s1], $0x80, $0x38;
	[tilespmem:$0xA280] =	vst v63  }
0x76: {  	s3 =	rddreg [dreg:$0x18];
	s4 =	simm.s32 $0x5C00  }
0x77: {  	[tilespmem:s4], [sflag:$0x1] =	stream.linear.gather [spmem:s3], $0x80, $0x38;
	[tilespmem:$0xA280] =	vst v63  }
0x78: {  	s1 =	rddreg [dreg:$0x19];
	s2 =	simm.s32 $0x6000  }
0x79: {  	[tilespmem:s2], [sflag:$0x1] =	stream.linear.gather [spmem:s1], $0x80, $0x38;
	[tilespmem:$0xA280] =	vst v63  }
0x7a: {  	_ =	swait.ge [sflag:s28], $0x280  }
0x7b: {  	[sflag:s28] =	ssyncset.done $0x0  }
0x7c: {  	s4 =	simm.s32 $0x5080;
	s3 =	rddreg [dreg:$0x5];
	[sflag:s28] =	ssyncadd.s32 $0xFFFFFD80  }
0x7d: {  	[tilespmem:s4], [sflag:$0x1] =	stream.linear.gather [spmem:s3], $0x80, $0x38;
	[tilespmem:$0xA280] =	vst v63  }
0x7e: {  	s2 =	simm.s32 $0x5480;
	s1 =	rddreg [dreg:$0x1a]  }
0x7f: {  	[tilespmem:s2], [sflag:$0x1] =	stream.linear.gather [spmem:s1], $0x80, $0x38;
	[tilespmem:$0xA280] =	vst v63  }
0x80: {  	s3 =	rddreg [dreg:$0x1b];
	s4 =	simm.s32 $0x5880  }
0x81: {  	[tilespmem:s4], [sflag:$0x1] =	stream.linear.gather [spmem:s3], $0x80, $0x38;
	[tilespmem:$0xA280] =	vst v63  }
0x82: {  	s1 =	rddreg [dreg:$0x1c];
	s2 =	simm.s32 $0x5C80  }
0x83: {  	[tilespmem:s2], [sflag:$0x1] =	stream.linear.gather [spmem:s1], $0x80, $0x38;
	[tilespmem:$0xA280] =	vst v63  }
0x84: {  	s3 =	rddreg [dreg:$0x1d];
	s4 =	simm.s32 $0x6080  }
0x85: {  	[tilespmem:s4], [sflag:$0x1] =	stream.linear.gather [spmem:s3], $0x80, $0x38;
	[tilespmem:$0xA280] =	vst v63  }
0x86: {  	_ =	swait.ge [sflag:s28], $0x280  }
0x87: {  	[sflag:s28] =	ssyncset.done $0x0;
	s1 =	rddreg [dreg:$0x6]  }
0x88: {  	s2 =	simm.s32 $0x5100;
	s3 =	rddreg [dreg:$0x1e];
	[sflag:s28] =	ssyncadd.s32 $0xFFFFFD80  }
0x89: {  	[tilespmem:s2], [sflag:$0x1] =	stream.linear.gather [spmem:s1], $0x80, $0x38;
	[tilespmem:$0xA280] =	vst v63  }
0x8a: {  	s4 =	simm.s32 $0x5500;
	s1 =	rddreg [dreg:$0x1f]  }
0x8b: {  	[tilespmem:s4], [sflag:$0x1] =	stream.linear.gather [spmem:s3], $0x80, $0x38;
	[tilespmem:$0xA280] =	vst v63  }
0x8c: {  	s2 =	simm.s32 $0x5900;
	s3 =	sld [smem:$0x7DD]  }
0x8d: {  	[tilespmem:s2], [sflag:$0x1] =	stream.linear.gather [spmem:s1], $0x80, $0x38;
	[tilespmem:$0xA280] =	vst v63  }
0x8e: {  	s4 =	simm.s32 $0x5D00;
	s1 =	sld [smem:$0x7DE]  }
0x8f: {  	[tilespmem:s4], [sflag:$0x1] =	stream.linear.gather [spmem:s3], $0x80, $0x38;
	[tilespmem:$0xA280] =	vst v63  }
0x90: {  	s2 =	simm.s32 $0x6100  }
0x91: {  	[tilespmem:s2], [sflag:$0x1] =	stream.linear.gather [spmem:s1], $0x80, $0x38;
	[tilespmem:$0xA280] =	vst v63  }
0x92: {  	_ =	swait.ge [sflag:s28], $0x280  }
0x93: {  	[sflag:s28] =	ssyncset.done $0x0;
	s3 =	rddreg [dreg:$0x7]  }
0x94: {  	s4 =	simm.s32 $0x5180;
	s1 =	sld [smem:$0x7DF];
	[sflag:s28] =	ssyncadd.s32 $0xFFFFFD80  }
0x95: {  	[tilespmem:s4], [sflag:$0x1] =	stream.linear.gather [spmem:s3], $0x80, $0x38;
	[tilespmem:$0xA280] =	vst v63  }
0x96: {  	s2 =	simm.s32 $0x5580;
	s3 =	sld [smem:$0x7E0]  }
0x97: {  	[tilespmem:s2], [sflag:$0x1] =	stream.linear.gather [spmem:s1], $0x80, $0x38;
	[tilespmem:$0xA280] =	vst v63  }
0x98: {  	s4 =	simm.s32 $0x5980;
	s1 =	sld [smem:$0x7E1]  }
0x99: {  	[tilespmem:s4], [sflag:$0x1] =	stream.linear.gather [spmem:s3], $0x80, $0x38;
	[tilespmem:$0xA280] =	vst v63  }
0x9a: {  	s2 =	simm.s32 $0x5D80;
	s3 =	sld [smem:$0x7E2]  }
0x9b: {  	[tilespmem:s2], [sflag:$0x1] =	stream.linear.gather [spmem:s1], $0x80, $0x38;
	[tilespmem:$0xA280] =	vst v63  }
0x9c: {  	s4 =	simm.s32 $0x6180  }
0x9d: {  	[tilespmem:s4], [sflag:$0x1] =	stream.linear.gather [spmem:s3], $0x80, $0x38;
	[tilespmem:$0xA280] =	vst v63  }
0x9e: {  	_ =	swait.ge [sflag:s28], $0x280  }
0x9f: {  	[sflag:s28] =	ssyncset.done $0x0;
	s1 =	rddreg [dreg:$0x8]  }
0xa0: {  	s2 =	simm.s32 $0x5200;
	s3 =	sld [smem:$0x7E3];
	[sflag:s28] =	ssyncadd.s32 $0xFFFFFD80  }
0xa1: {  	[tilespmem:s2], [sflag:$0x1] =	stream.linear.gather [spmem:s1], $0x80, $0x38;
	[tilespmem:$0xA280] =	vst v63  }
0xa2: {  	s4 =	simm.s32 $0x5600;
	s1 =	sld [smem:$0x7E4]  }
0xa3: {  	[tilespmem:s4], [sflag:$0x1] =	stream.linear.gather [spmem:s3], $0x80, $0x38;
	[tilespmem:$0xA280] =	vst v63  }
0xa4: {  	s2 =	simm.s32 $0x5A00;
	s3 =	sld [smem:$0x7E5]  }
0xa5: {  	[tilespmem:s2], [sflag:$0x1] =	stream.linear.gather [spmem:s1], $0x80, $0x38;
	[tilespmem:$0xA280] =	vst v63  }
0xa6: {  	s4 =	simm.s32 $0x5E00;
	s1 =	sld [smem:$0x7E6]  }
0xa7: {  	[tilespmem:s4], [sflag:$0x1] =	stream.linear.gather [spmem:s3], $0x80, $0x38;
	[tilespmem:$0xA280] =	vst v63  }
0xa8: {  	s2 =	simm.s32 $0x6200  }
0xa9: {  	[tilespmem:s2], [sflag:$0x1] =	stream.linear.gather [spmem:s1], $0x80, $0x38;
	[tilespmem:$0xA280] =	vst v63  }
0xaa: {  	_ =	swait.ge [sflag:s28], $0x280  }
0xab: {  	[sflag:s28] =	ssyncset.done $0x0;
	s3 =	rddreg [dreg:$0x9]  }
0xac: {  	s4 =	simm.s32 $0x5280;
	s1 =	sld [smem:$0x7E7];
	[sflag:s28] =	ssyncadd.s32 $0xFFFFFD80  }
0xad: {  	[tilespmem:s4], [sflag:$0x1] =	stream.linear.gather [spmem:s3], $0x80, $0x38;
	[tilespmem:$0xA280] =	vst v63  }
0xae: {  	s2 =	simm.s32 $0x5680;
	s3 =	sld [smem:$0x7E8]  }
0xaf: {  	[tilespmem:s2], [sflag:$0x1] =	stream.linear.gather [spmem:s1], $0x80, $0x38;
	[tilespmem:$0xA280] =	vst v63  }
0xb0: {  	s4 =	simm.s32 $0x5A80;
	s1 =	sld [smem:$0x7E9]  }
0xb1: {  	[tilespmem:s4], [sflag:$0x1] =	stream.linear.gather [spmem:s3], $0x80, $0x38;
	[tilespmem:$0xA280] =	vst v63  }
0xb2: {  	s2 =	simm.s32 $0x5E80;
	s3 =	sld [smem:$0x7EA]  }
0xb3: {  	[tilespmem:s2], [sflag:$0x1] =	stream.linear.gather [spmem:s1], $0x80, $0x38;
	[tilespmem:$0xA280] =	vst v63  }
0xb4: {  	s4 =	simm.s32 $0x6280  }
0xb5: {  	[tilespmem:s4], [sflag:$0x1] =	stream.linear.gather [spmem:s3], $0x80, $0x38;
	[tilespmem:$0xA280] =	vst v63  }
0xb6: {  	_ =	swait.ge [sflag:s28], $0x280  }
0xb7: {  	[sflag:s28] =	ssyncset.done $0x0;
	s1 =	rddreg [dreg:$0xa]  }
0xb8: {  	s2 =	simm.s32 $0x5300;
	s3 =	sld [smem:$0x7EB];
	[sflag:s28] =	ssyncadd.s32 $0xFFFFFD80  }
0xb9: {  	[tilespmem:s2], [sflag:$0x1] =	stream.linear.gather [spmem:s1], $0x80, $0x38;
	[tilespmem:$0xA280] =	vst v63  }
0xba: {  	s4 =	simm.s32 $0x5700;
	s1 =	sld [smem:$0x7EC]  }
0xbb: {  	[tilespmem:s4], [sflag:$0x1] =	stream.linear.gather [spmem:s3], $0x80, $0x38;
	[tilespmem:$0xA280] =	vst v63  }
0xbc: {  	s2 =	simm.s32 $0x5B00;
	s3 =	sld [smem:$0x7ED]  }
0xbd: {  	[tilespmem:s2], [sflag:$0x1] =	stream.linear.gather [spmem:s1], $0x80, $0x38;
	[tilespmem:$0xA280] =	vst v63  }
0xbe: {  	s4 =	simm.s32 $0x5F00;
	s1 =	sld [smem:$0x7EE]  }
0xbf: {  	[tilespmem:s4], [sflag:$0x1] =	stream.linear.gather [spmem:s3], $0x80, $0x38;
	[tilespmem:$0xA280] =	vst v63  }
0xc0: {  	s2 =	simm.s32 $0x6300  }
0xc1: {  	[tilespmem:s2], [sflag:$0x1] =	stream.linear.gather [spmem:s1], $0x80, $0x38;
	[tilespmem:$0xA280] =	vst v63  }
0xc2: {  	_ =	swait.ge [sflag:s28], $0x280  }
0xc3: {  	[sflag:s28] =	ssyncset.done $0x0;
	s3 =	rddreg [dreg:$0xb]  }
0xc4: {  	s4 =	simm.s32 $0x5380;
	s1 =	sld [smem:$0x7EF];
	[sflag:s28] =	ssyncadd.s32 $0xFFFFFD80  }
0xc5: {  	[tilespmem:s4], [sflag:$0x1] =	stream.linear.gather [spmem:s3], $0x80, $0x38;
	[tilespmem:$0xA280] =	vst v63  }
0xc6: {  	s2 =	simm.s32 $0x5780;
	s3 =	sld [smem:$0x7F0]  }
0xc7: {  	[tilespmem:s2], [sflag:$0x1] =	stream.linear.gather [spmem:s1], $0x80, $0x38;
	[tilespmem:$0xA280] =	vst v63  }
0xc8: {  	s4 =	simm.s32 $0x5B80;
	s1 =	sld [smem:$0x7F1]  }
0xc9: {  	[tilespmem:s4], [sflag:$0x1] =	stream.linear.gather [spmem:s3], $0x80, $0x38;
	[tilespmem:$0xA280] =	vst v63  }
0xca: {  	s2 =	simm.s32 $0x5F80;
	s3 =	sld [smem:$0x7F2]  }
0xcb: {  	[tilespmem:s2], [sflag:$0x1] =	stream.linear.gather [spmem:s1], $0x80, $0x38;
	[tilespmem:$0xA280] =	vst v63  }
0xcc: {  	s4 =	simm.s32 $0x6380  }
0xcd: {  	[tilespmem:s4], [sflag:$0x1] =	stream.linear.gather [spmem:s3], $0x80, $0x38;
	[tilespmem:$0xA280] =	vst v63  }
0xce: {  	_ =	swait.ge [sflag:s28], $0x280  }
0xcf: {  	[sflag:s28] =	ssyncset.done $0x0;
	s1 =	rddreg [dreg:$0xc]  }
0xd0: {  	s2 =	simm.s32 $0x6400;
	s3 =	sld [smem:$0x7F3];
	[sflag:s28] =	ssyncadd.s32 $0xFFFFFD80  }
0xd1: {  	[tilespmem:s2], [sflag:$0x1] =	stream.linear.gather [spmem:s1], $0x80, $0x38;
	[tilespmem:$0xA280] =	vst v63  }
0xd2: {  	s4 =	simm.s32 $0x6800;
	s1 =	sld [smem:$0x7F4]  }
0xd3: {  	[tilespmem:s4], [sflag:$0x1] =	stream.linear.gather [spmem:s3], $0x80, $0x38;
	[tilespmem:$0xA280] =	vst v63  }
0xd4: {  	s2 =	simm.s32 $0x6C00;
	s3 =	sld [smem:$0x7F5]  }
0xd5: {  	[tilespmem:s2], [sflag:$0x1] =	stream.linear.gather [spmem:s1], $0x80, $0x38;
	[tilespmem:$0xA280] =	vst v63  }
0xd6: {  	s4 =	simm.s32 $0x7000;
	s1 =	sld [smem:$0x7F6]  }
0xd7: {  	[tilespmem:s4], [sflag:$0x1] =	stream.linear.gather [spmem:s3], $0x80, $0x38;
	[tilespmem:$0xA280] =	vst v63  }
0xd8: {  	s2 =	simm.s32 $0x7400  }
0xd9: {  	[tilespmem:s2], [sflag:$0x1] =	stream.linear.gather [spmem:s1], $0x80, $0x38;
	[tilespmem:$0xA280] =	vst v63  }
0xda: {  	_ =	swait.ge [sflag:s28], $0x280  }
0xdb: {  	[sflag:s28] =	ssyncset.done $0x0;
	s3 =	rddreg [dreg:$0xd]  }
0xdc: {  	s4 =	simm.s32 $0x6480;
	s1 =	sld [smem:$0x7F7];
	[sflag:s28] =	ssyncadd.s32 $0xFFFFFD80  }
0xdd: {  	[tilespmem:s4], [sflag:$0x1] =	stream.linear.gather [spmem:s3], $0x80, $0x38;
	[tilespmem:$0xA280] =	vst v63  }
0xde: {  	s2 =	simm.s32 $0x6880;
	s3 =	sld [smem:$0x7F8]  }
0xdf: {  	[tilespmem:s2], [sflag:$0x1] =	stream.linear.gather [spmem:s1], $0x80, $0x38;
	[tilespmem:$0xA280] =	vst v63  }
0xe0: {  	s4 =	simm.s32 $0x6C80;
	s1 =	sld [smem:$0x7F9]  }
0xe1: {  	[tilespmem:s4], [sflag:$0x1] =	stream.linear.gather [spmem:s3], $0x80, $0x38;
	[tilespmem:$0xA280] =	vst v63  }
0xe2: {  	s2 =	simm.s32 $0x7080;
	s3 =	sld [smem:$0x7FA]  }
0xe3: {  	[tilespmem:s2], [sflag:$0x1] =	stream.linear.gather [spmem:s1], $0x80, $0x38;
	[tilespmem:$0xA280] =	vst v63  }
0xe4: {  	s4 =	simm.s32 $0x7480  }
0xe5: {  	[tilespmem:s4], [sflag:$0x1] =	stream.linear.gather [spmem:s3], $0x80, $0x38;
	[tilespmem:$0xA280] =	vst v63  }
0xe6: {  	_ =	swait.ge [sflag:s28], $0x280  }
0xe7: {  	[sflag:s28] =	ssyncset.done $0x0;
	s1 =	rddreg [dreg:$0xe]  }
0xe8: {  	s2 =	simm.s32 $0x6500;
	s3 =	sld [smem:$0x7FB];
	[sflag:s28] =	ssyncadd.s32 $0xFFFFFD80  }
0xe9: {  	[tilespmem:s2], [sflag:$0x1] =	stream.linear.gather [spmem:s1], $0x80, $0x38;
	[tilespmem:$0xA280] =	vst v63  }
0xea: {  	s4 =	simm.s32 $0x6900;
	s1 =	sld [smem:$0x7FC]  }
0xeb: {  	[tilespmem:s4], [sflag:$0x1] =	stream.linear.gather [spmem:s3], $0x80, $0x38;
	[tilespmem:$0xA280] =	vst v63  }
0xec: {  	s2 =	simm.s32 $0x6D00;
	s3 =	sld [smem:$0x7FD]  }
0xed: {  	[tilespmem:s2], [sflag:$0x1] =	stream.linear.gather [spmem:s1], $0x80, $0x38;
	[tilespmem:$0xA280] =	vst v63  }
0xee: {  	s4 =	simm.s32 $0x7100  }
0xef: {  	[tilespmem:s4], [sflag:$0x1] =	stream.linear.gather [spmem:s3], $0x80, $0x38;
	[tilespmem:$0xA280] =	vst v63  }
0xf0: {  	s2 =	simm.s32 $0x7500  }
0xf1: {  	[tilespmem:s2], [sflag:$0x1] =	stream.linear.gather [spmem:s6], $0x80, $0x38;
	[tilespmem:$0xA280] =	vst v63  }
0xf2: {  	_ =	swait.ge [sflag:s28], $0x280  }
0xf3: {  	[sflag:s28] =	ssyncset.done $0x0  }
0xf4: {  	s4 =	simm.s32 $0x6580;
	s3 =	rddreg [dreg:$0xf];
	[sflag:s28] =	ssyncadd.s32 $0xFFFFFD80  }
0xf5: {  	[tilespmem:s4], [sflag:$0x1] =	stream.linear.gather [spmem:s3], $0x80, $0x38;
	[tilespmem:$0xA280] =	vst v63  }
0xf6: {  	s1 =	simm.s32 $0x6980  }
0xf7: {  	[tilespmem:s1], [sflag:$0x1] =	stream.linear.gather [spmem:s7], $0x80, $0x38;
	[tilespmem:$0xA280] =	vst v63  }
0xf8: {  	s2 =	simm.s32 $0x6D80  }
0xf9: {  	[tilespmem:s2], [sflag:$0x1] =	stream.linear.gather [spmem:s8], $0x80, $0x38;
	[tilespmem:$0xA280] =	vst v63  }
0xfa: {  	s3 =	simm.s32 $0x7180  }
0xfb: {  	[tilespmem:s3], [sflag:$0x1] =	stream.linear.gather [spmem:s9], $0x80, $0x38;
	[tilespmem:$0xA280] =	vst v63  }
0xfc: {  	s4 =	simm.s32 $0x7580  }
0xfd: {  	[tilespmem:s4], [sflag:$0x1] =	stream.linear.gather [spmem:s10], $0x80, $0x38;
	[tilespmem:$0xA280] =	vst v63  }
0xfe: {  	_ =	swait.ge [sflag:s28], $0x280  }
0xff: {  	[sflag:s28] =	ssyncset.done $0x0  }
0x100: {  	s2 =	simm.s32 $0x6600;
	s1 =	rddreg [dreg:$0x10];
	[sflag:s28] =	ssyncadd.s32 $0xFFFFFD80  }
0x101: {  	[tilespmem:s2], [sflag:$0x1] =	stream.linear.gather [spmem:s1], $0x80, $0x38;
	[tilespmem:$0xA280] =	vst v63  }
0x102: {  	s3 =	simm.s32 $0x6A00  }
0x103: {  	[tilespmem:s3], [sflag:$0x1] =	stream.linear.gather [spmem:s11], $0x80, $0x38;
	[tilespmem:$0xA280] =	vst v63  }
0x104: {  	s4 =	simm.s32 $0x6E00  }
0x105: {  	[tilespmem:s4], [sflag:$0x1] =	stream.linear.gather [spmem:s12], $0x80, $0x38;
	[tilespmem:$0xA280] =	vst v63  }
0x106: {  	s1 =	simm.s32 $0x7200  }
0x107: {  	[tilespmem:s1], [sflag:$0x1] =	stream.linear.gather [spmem:s13], $0x80, $0x38;
	[tilespmem:$0xA280] =	vst v63  }
0x108: {  	s2 =	simm.s32 $0x7600  }
0x109: {  	[tilespmem:s2], [sflag:$0x1] =	stream.linear.gather [spmem:s14], $0x80, $0x38;
	[tilespmem:$0xA280] =	vst v63  }
0x10a: {  	_ =	swait.ge [sflag:s28], $0x280  }
0x10b: {  	[sflag:s28] =	ssyncset.done $0x0  }
0x10c: {  	s4 =	simm.s32 $0x6680;
	s3 =	rddreg [dreg:$0x11];
	[sflag:s28] =	ssyncadd.s32 $0xFFFFFD80  }
0x10d: {  	[tilespmem:s4], [sflag:$0x1] =	stream.linear.gather [spmem:s3], $0x80, $0x38;
	[tilespmem:$0xA280] =	vst v63  }
0x10e: {  	s1 =	simm.s32 $0x6A80  }
0x10f: {  	[tilespmem:s1], [sflag:$0x1] =	stream.linear.gather [spmem:s15], $0x80, $0x38;
	[tilespmem:$0xA280] =	vst v63  }
0x110: {  	s2 =	simm.s32 $0x6E80  }
0x111: {  	[tilespmem:s2], [sflag:$0x1] =	stream.linear.gather [spmem:s16], $0x80, $0x38;
	[tilespmem:$0xA280] =	vst v63  }
0x112: {  	s3 =	simm.s32 $0x7280  }
0x113: {  	[tilespmem:s3], [sflag:$0x1] =	stream.linear.gather [spmem:s17], $0x80, $0x38;
	[tilespmem:$0xA280] =	vst v63  }
0x114: {  	s4 =	simm.s32 $0x7680  }
0x115: {  	[tilespmem:s4], [sflag:$0x1] =	stream.linear.gather [spmem:s18], $0x80, $0x38;
	[tilespmem:$0xA280] =	vst v63  }
0x116: {  	_ =	swait.ge [sflag:s28], $0x280  }
0x117: {  	[sflag:s28] =	ssyncset.done $0x0  }
0x118: {  	s2 =	simm.s32 $0x6700;
	s1 =	rddreg [dreg:$0x12];
	[sflag:s28] =	ssyncadd.s32 $0xFFFFFD80  }
0x119: {  	[tilespmem:s2], [sflag:$0x1] =	stream.linear.gather [spmem:s1], $0x80, $0x38;
	[tilespmem:$0xA280] =	vst v63  }
0x11a: {  	s3 =	simm.s32 $0x6B00  }
0x11b: {  	[tilespmem:s3], [sflag:$0x1] =	stream.linear.gather [spmem:s19], $0x80, $0x38;
	[tilespmem:$0xA280] =	vst v63  }
0x11c: {  	s4 =	simm.s32 $0x6F00  }
0x11d: {  	[tilespmem:s4], [sflag:$0x1] =	stream.linear.gather [spmem:s20], $0x80, $0x38;
	[tilespmem:$0xA280] =	vst v63  }
0x11e: {  	s1 =	simm.s32 $0x7300  }
0x11f: {  	[tilespmem:s1], [sflag:$0x1] =	stream.linear.gather [spmem:s21], $0x80, $0x38;
	[tilespmem:$0xA280] =	vst v63  }
0x120: {  	s2 =	simm.s32 $0x7700  }
0x121: {  	[tilespmem:s2], [sflag:$0x1] =	stream.linear.gather [spmem:s22], $0x80, $0x38;
	[tilespmem:$0xA280] =	vst v63  }
0x122: {  	_ =	swait.ge [sflag:s28], $0x280  }
0x123: {  	[sflag:s28] =	ssyncset.done $0x0  }
0x124: {  	s4 =	simm.s32 $0x6780;
	s3 =	rddreg [dreg:$0x13];
	[sflag:s28] =	ssyncadd.s32 $0xFFFFFD80  }
0x125: {  	[tilespmem:s4], [sflag:$0x1] =	stream.linear.gather [spmem:s3], $0x80, $0x38;
	[tilespmem:$0xA280] =	vst v63  }
0x126: {  	s2 =	simm.s32 $0x6B80  }
0x127: {  	[tilespmem:s2], [sflag:$0x1] =	stream.linear.gather [spmem:s23], $0x80, $0x38;
	[tilespmem:$0xA280] =	vst v63  }
0x128: {  	s3 =	simm.s32 $0x6F80  }
0x129: {  	[tilespmem:s3], [sflag:$0x1] =	stream.linear.gather [spmem:s24], $0x80, $0x38;
	[tilespmem:$0xA280] =	vst v63  }
0x12a: {  	s4 =	simm.s32 $0x7380  }
0x12b: {  	[tilespmem:s4], [sflag:$0x1] =	stream.linear.gather [spmem:s25], $0x80, $0x38;
	[tilespmem:$0xA280] =	vst v63  }
0x12c: {  	s1 =	simm.s32 $0x7780  }
0x12d: {  	[tilespmem:s1], [sflag:$0x1] =	stream.linear.gather [spmem:s26], $0x80, $0x38;
	[tilespmem:$0xA280] =	vst v63  }
0x12e: {  	s2 =	simm.s32 $0x0;
	_ =	swait.ge [sflag:s28], $0x280  }
0x12f: {  	s0 =	sand.u32 $0x1C00, s2;
	s3 =	sand.u32 $0x70, s2;
	[sflag:s28] =	ssyncset.done $0x0  }
0x130: {  	s0 =	sor.u32 s3, s0;
	[sflag:s28] =	ssyncadd.s32 $0xFFFFFD80  }
0x131: {  	v2 =	vld [tilespmem:s0+$0x5080]  }
0x132: {  	v3 =	vld [tilespmem:s0+$0x5000];
	_ =	sdelay $0x1  }
0x133: {  	v4 =	vld [tilespmem:s0+$0x5100];
	_ =	sdelay $0x1  }
0x134: {  	v5 =	vld [tilespmem:s0+$0x5180]  }
0x135: {  	v2 =	vadd.f32 v2, v3  }
0x136: {  	v3 =	vld [tilespmem:s0+$0x5200]  }
0x137: {  	v2 =	vadd.f32 v4, v2  }
0x138: {  	v56 =	vld [tilespmem:s0+$0x5280]  }
0x139: {  	v2 =	vadd.f32 v5, v2  }
0x13a: {  	v57 =	vld [tilespmem:s0+$0x5300]  }
0x13b: {  	v2 =	vadd.f32 v3, v2  }
0x13c: {  	v3 =	vld [tilespmem:s0+$0x5380]  }
0x13d: {  	v2 =	vadd.f32 v56, v2  }
0x13e: {  	v58 =	vld [tilespmem:s0+$0x6400]  }
0x13f: {  	v2 =	vadd.f32 v57, v2  }
0x140: {  	v59 =	vld [tilespmem:s0+$0x6480]  }
0x141: {  	v2 =	vadd.f32 v3, v2  }
0x142: {  	v3 =	vld [tilespmem:s0+$0x6500]  }
0x143: {  	v2 =	vadd.f32 v58, v2  }
0x144: {  	v60 =	vld [tilespmem:s0+$0x6580]  }
0x145: {  	v2 =	vadd.f32 v59, v2  }
0x146: {  	v61 =	vld [tilespmem:s0+$0x6600]  }
0x147: {  	v2 =	vadd.f32 v3, v2  }
0x148: {  	v3 =	vld [tilespmem:s0+$0x6680]  }
0x149: {  	v2 =	vadd.f32 v60, v2  }
0x14a: {  	v62 =	vld [tilespmem:s0+$0x6700]  }
0x14b: {  	v2 =	vadd.f32 v61, v2  }
0x14c: {  	v63 =	vld [tilespmem:s0+$0x6780]  }
0x14d: {  	v2 =	vadd.f32 v3, v2;
	_ =	sdelay $0x1  }
0x14e: {  	v2 =	vadd.f32 v62, v2;
	_ =	sdelay $0x1  }
0x14f: {  	s2 =	simm.s32 $0x80;
	s4 =	simm.s32 $0x10;
	v2 =	vadd.f32 v63, v2  }
0x150: {  	s3 =	sand.u32 $0x1C00, s2;
	s1 =	simm.s32 $0x7800;
	s0 =	sand.u32 $0x70, s4  }
0x151: {  	s0 =	sor.u32 s0, s3;
	s3 =	simm.s32 $0x20;
	[tilespmem:s1+$0x0] =	vst v2  }
.LBB2_6:
0x152: {  	p0 =	sne.s32 s3, $0x270;
	v2 =	vld [tilespmem:s0+$0x5080]  }
0x153: {  	v3 =	vld [tilespmem:s0+$0x5000];
	_ =	sdelay $0x1  }
0x154: {  	v4 =	vld [tilespmem:s0+$0x5100];
	_ =	sdelay $0x1  }
0x155: {  	v5 =	vld [tilespmem:s0+$0x5180]  }
0x156: {  	v2 =	vadd.f32 v2, v3  }
0x157: {  	v3 =	vld [tilespmem:s0+$0x5200]  }
0x158: {  	v2 =	vadd.f32 v4, v2  }
0x159: {  	v4 =	vld [tilespmem:s0+$0x5280]  }
0x15a: {  	v2 =	vadd.f32 v5, v2  }
0x15b: {  	v5 =	vld [tilespmem:s0+$0x5300]  }
0x15c: {  	v2 =	vadd.f32 v3, v2  }
0x15d: {  	v3 =	vld [tilespmem:s0+$0x5380]  }
0x15e: {  	v2 =	vadd.f32 v4, v2  }
0x15f: {  	v4 =	vld [tilespmem:s0+$0x6400]  }
0x160: {  	v2 =	vadd.f32 v5, v2  }
0x161: {  	v5 =	vld [tilespmem:s0+$0x6480]  }
0x162: {  	v2 =	vadd.f32 v3, v2  }
0x163: {  	v3 =	vld [tilespmem:s0+$0x6500]  }
0x164: {  	v2 =	vadd.f32 v4, v2  }
0x165: {  	v4 =	vld [tilespmem:s0+$0x6580]  }
0x166: {  	v2 =	vadd.f32 v5, v2  }
0x167: {  	v5 =	vld [tilespmem:s0+$0x6600]  }
0x168: {  	v2 =	vadd.f32 v3, v2  }
0x169: {  	v3 =	vld [tilespmem:s0+$0x6680]  }
0x16a: {  	v2 =	vadd.f32 v4, v2  }
0x16b: {  	v4 =	vld [tilespmem:s0+$0x6700]  }
0x16c: {  	v2 =	vadd.f32 v5, v2  }
0x16d: {  	v5 =	vld [tilespmem:s0+$0x6780]  }
0x16e: {  	v2 =	vadd.f32 v3, v2;
	_ =	sdelay $0x1  }
.Ltmp2:
0x16f: {  	v2 =	vadd.f32 v4, v2;
	(pc) =	sbr.rel @p0 .LBB2_6-.Ltmp2, $4  }
0x170: {  	_ = 	snop  }
0x171: {  	s2 =	sadd.s32 $0x80, s2;
	v2 =	vadd.f32 v5, v2  }
0x172: {  	s1 =	sadd.s32 $0x10, s1;
	s4 =	sand.u32 $0x1C00, s2;
	s0 =	sand.u32 $0x70, s3  }
0x173: {  	s3 =	sadd.s32 $0x10, s3;
	s0 =	sor.u32 s0, s4;
	[tilespmem:s1+$0x0] =	vst v2  }
0x174: {  	v2 =	vld [tilespmem:s0+$0x5080]  }
0x175: {  	v3 =	vld [tilespmem:s0+$0x5000];
	_ =	sdelay $0x1  }
0x176: {  	v4 =	vld [tilespmem:s0+$0x5100];
	_ =	sdelay $0x1  }
0x177: {  	v5 =	vld [tilespmem:s0+$0x5180]  }
0x178: {  	v2 =	vadd.f32 v2, v3  }
0x179: {  	v3 =	vld [tilespmem:s0+$0x5200]  }
0x17a: {  	v2 =	vadd.f32 v4, v2  }
0x17b: {  	v56 =	vld [tilespmem:s0+$0x5280]  }
0x17c: {  	v2 =	vadd.f32 v5, v2  }
0x17d: {  	v57 =	vld [tilespmem:s0+$0x5300]  }
0x17e: {  	v2 =	vadd.f32 v3, v2  }
0x17f: {  	v3 =	vld [tilespmem:s0+$0x5380]  }
0x180: {  	v2 =	vadd.f32 v56, v2  }
0x181: {  	v58 =	vld [tilespmem:s0+$0x6400]  }
0x182: {  	v2 =	vadd.f32 v57, v2  }
0x183: {  	v59 =	vld [tilespmem:s0+$0x6480]  }
0x184: {  	v2 =	vadd.f32 v3, v2  }
0x185: {  	v3 =	vld [tilespmem:s0+$0x6500]  }
0x186: {  	v2 =	vadd.f32 v58, v2  }
0x187: {  	v60 =	vld [tilespmem:s0+$0x6580]  }
0x188: {  	v2 =	vadd.f32 v59, v2  }
0x189: {  	v61 =	vld [tilespmem:s0+$0x6600]  }
0x18a: {  	v2 =	vadd.f32 v3, v2  }
0x18b: {  	v3 =	vld [tilespmem:s0+$0x6680]  }
0x18c: {  	v2 =	vadd.f32 v60, v2  }
0x18d: {  	v62 =	vld [tilespmem:s0+$0x6700]  }
0x18e: {  	v2 =	vadd.f32 v61, v2  }
0x18f: {  	v63 =	vld [tilespmem:s0+$0x6780]  }
0x190: {  	v2 =	vadd.f32 v3, v2;
	_ =	sdelay $0x1  }
0x191: {  	v2 =	vadd.f32 v62, v2;
	_ =	sdelay $0x1  }
0x192: {  	v2 =	vadd.f32 v63, v2  }
0x193: {  	s4 =	sadd.s32 $0x10, s1  }
0x194: {  	s1 =	rddreg [dreg:$0x14];
	s3 =	simm.s32 $0x100;
	s2 =	simm.s32 $0x7800;
	[tilespmem:s4+$0x0] =	vst v2  }
0x195: {  	[hbm4b:s1+s30] =	stream.strided.scatter [tilespmem:s2], [sflag:$0x1], $0x280, s3, s30, $0x38;
	[tilespmem:$0xA280] =	vst v63  }
0x196: {  	_ =	swait.ge [sflag:s28], $0x280  }
0x197: {  	s31 =	sadd.s32 $0x1, s31;
	s4 =	rddreg [dreg:$0x15]  }
0x198: {  	p0 =	sne.s32 s31, s4  }
.Ltmp3:
0x199: {  	_ = 	snop;
	(pc) =	sbr.rel @p0 .LBB2_1-.Ltmp3, $3  }
0x19a: {  	_ =	sdelay $0x1  }
0x19b: {  	[sflag:s28] =	ssyncset.done $0x0  }
0x19c: {  	[sflag:s28] =	ssyncadd.s32 $0xFFFFFD80  }
0x19d: {  	_ =	sfence.sel $0x180000  }
0x19e: {  	[bflag:$0x0] =	sbarrier.arrive $0xFFFF  }
0x19f: {  	_ =	strace $0x90000047  }
0x1a0: {  	s0 =	stileid.u32;
	[bflag:$0x2] =	sbarrier.arrive $0xFFFF  }
0x1a1: {  	p0 =	sne.s32 s0, $0x0;
	s0 =	rddreg [dreg:$0x2]  }
0x1a2: {  	s0 =	sadd.s32 @!p0 $0x100000, s0  }
0x1a3: {  	[sflag:s0] =	ssyncadd.tile.s32 @!p0 $0x1;
	_ =	shalt  }
.Lfunc_end2:
_tile_overlayer_lowered:
.L_overlay_start_2:
0x1a4: {  	(tag) =	ssettag $0x2  }
0x1a5: {  	s0 =	rddreg [dreg:$0x0];
	s2 =	stileid.u32  }
0x1a6: {  	s1 =	rddreg [dreg:$0x1];
	p0 =	sne.s32 s2, $0x0  }
0x1a7: {  	s3 =	rddreg [dreg:$0x2];
	[bflag:$0x3] =	sbarrier.arrive $0xFFFF;
	s2 =	simm.s32 @!p0 $0x1C01  }
0x1a8: {  	[timem:s3], [sflag:s2] =	dma.local @!p0 [hbm:s0], s1  }
0x1a9: {  	s0 =	simm.s32 @!p0 $0x1  }
0x1aa: {  	_ =	swait.ge @!p0 [sflag:s0], s1  }
0x1ab: {  	s1 =	ssub.s32 @!p0 $0x0, s1;
	[sflag:s0] =	ssyncset.done @!p0 $0x0  }
0x1ac: {  	[sflag:s0] =	ssyncadd.s32 @!p0 s1  }
0x1ad: {  	[bflag:$0x3] =	sbarrier.arrive $0xFFFF  }
0x1ae: {  	_ =	shalt  }

</sc_bundles>
